<compile_context>
chip_gen: v7x
topology: tpu7x:2x2x1
jax: 0.10.2.dev20260603
libtpu: 0.0.44.dev20260713+nightly
codegen_flags: <defaults>
</compile_context>

<pallas_src>
import functools

import jax
import jax.numpy as jnp
from jax import lax
from jax.experimental import pallas as pl
from jax.experimental.pallas import tpu as pltpu
from jax.experimental.pallas import tpu_sc as plsc

_LANES = 16
_NUM_WORKERS = 32
_BLK = 128
_NBUF = 4


def _build(B, L, V, D):
    NB = B // _BLK
    D8 = D // 8
    assert NB == _NUM_WORKERS and L % _NBUF == 0

    mesh = plsc.VectorSubcoreMesh(core_axis_name="c", subcore_axis_name="s")

    @functools.partial(
        pl.kernel,
        out_type=jax.ShapeDtypeStruct((L, D8, NB, 8 * _BLK), jnp.float32),
        mesh=mesh,
        compiler_params=pltpu.CompilerParams(
            use_tc_tiling_on_sc=False, needs_layout_passes=False
        ),
        scratch_types=[
            pltpu.VMEM((L, _BLK), jnp.int32),
            pltpu.VMEM((L, D), jnp.float32),
            pltpu.VMEM((_NBUF, _BLK, D), jnp.float32),
            pltpu.VMEM((_NBUF, D8, 8 * _BLK), jnp.float32),
        ]
        + [pltpu.SemaphoreType.DMA] * (2 * _NBUF),
    )
    def k(xq_hbm, tok_hbm, pos_hbm, out_hbm, idx_t, pos_v, rows_v, tmp_v,
          *sems):
        gsems = sems[:_NBUF]
        ssems = sems[_NBUF:]
        cid = lax.axis_index("c")
        sid = lax.axis_index("s")
        wid = sid * 2 + cid
        b0 = wid * _BLK
        pltpu.sync_copy(xq_hbm.at[:, pl.ds(b0, _BLK)], idx_t)
        pltpu.sync_copy(pos_hbm, pos_v)
        iota = lax.iota(jnp.int32, _LANES)

        for par in range(_NBUF):
            pltpu.async_copy(
                tok_hbm.at[idx_t.at[par]], rows_v.at[par], gsems[par]
            )

        @pl.loop(0, L, step=_NBUF)
        def _(l):
            for par in range(_NBUF):
                ll = l + par
                rows = rows_v.at[par]
                tmp = tmp_v.at[par]
                gsem = gsems[par]
                ssem = ssems[par]

                pltpu.make_async_copy(
                    tok_hbm.at[idx_t.at[ll]], rows, gsem
                ).wait()

                @pl.when(ll >= _NBUF)
                def _():
                    pltpu.make_async_copy(
                        tmp, out_hbm.at[ll - _NBUF, :, wid], ssem
                    ).wait()

                lsplat = jnp.full((_LANES,), ll, jnp.int32)

                @plsc.parallel_loop(0, D)
                def _(i):
                    colv = (i & ~(_LANES - 1)) | ((i + iota) & (_LANES - 1))
                    prot = plsc.load_gather(pos_v, [lsplat, colv])
                    idx0 = colv >> 3
                    idx1b = (colv & 7) << 7
                    for g in range(_BLK // _LANES):
                        goff = g * _LANES + iota
                        rv = plsc.load_gather(rows, [goff, colv])
                        plsc.store_scatter(
                            tmp, [idx0, idx1b + goff], rv + prot
                        )

                pltpu.async_copy(tmp, out_hbm.at[ll, :, wid], ssem)

                @pl.when(ll + _NBUF < L)
                def _():
                    pltpu.async_copy(
                        tok_hbm.at[idx_t.at[ll + _NBUF]], rows, gsem
                    )

        for par in range(_NBUF):
            pltpu.make_async_copy(
                tmp_v.at[par], out_hbm.at[L - _NBUF + par, :, wid], ssems[par]
            ).wait()

    return k


def _tc_row_majorize(V, D, Vp):
    G = 23
    W = Vp // 2 // G

    def body(a_ref, b_ref, o_ref):
        o_ref[:, 0:D] = a_ref[...].T
        o_ref[:, D:2 * D] = b_ref[...].T

    return pl.pallas_call(
        body,
        grid=(G,),
        in_specs=[
            pl.BlockSpec((D, W), lambda i: (0, i)),
            pl.BlockSpec((D, W), lambda i: (0, i + G)),
        ],
        out_specs=pl.BlockSpec((W, 2 * D), lambda i: (i, 0)),
        out_shape=jax.ShapeDtypeStruct((Vp // 2, 2 * D), jnp.float32),
    )


def kernel(x, token_table, pos_table):
    B, L = x.shape
    V, D = token_table.shape
    Vp = -(-V // (2 * _BLK)) * (2 * _BLK)
    half = Vp // 2
    xq = jnp.transpose(x.astype(jnp.int32))
    xq = 2 * xq - jnp.where(xq >= half, Vp - 1, 0)
    tokT = jnp.transpose(token_table)
    tok2 = _tc_row_majorize(V, D, Vp)(tokT, tokT)
    tok_rm = tok2.reshape(Vp, D)
    out4 = _build(B, L, Vp, D)(xq, tok_rm, pos_table)
    out5 = out4.reshape(L, D // 8, B // _BLK, 8, _BLK)
    return out5.transpose(2, 4, 0, 1, 3).reshape(B, L, D)

# --- scband reference (transcript-rebuilt; emitter-appended) ---
"""Pipeline reference for scband-token-and-position-embedding-74655121539252 (READ-ONLY COPY).

The authoritative reference and input builder live on the scoring server;
editing this copy changes nothing except your own understanding.
"""

import jax, jax.numpy as jnp
import numpy as np

VOCAB = 100000
MAXLEN = 200
EMBED = 64
BATCH = 4096

def setup_inputs(seed: int = 0) -> dict:
    key = jax.random.key(seed)
    k1, k2, k3 = jax.random.split(key, 3)
    x = jax.random.randint(k1, (BATCH, MAXLEN), 0, VOCAB, dtype=jnp.int64) if jax.config.jax_enable_x64 else jax.random.randint(k1, (BATCH, MAXLEN), 0, VOCAB, dtype=jnp.int32)
    token_table = jax.random.normal(k2, (VOCAB, EMBED), dtype=jnp.float32) * 0.05
    pos_table = jax.random.normal(k3, (MAXLEN, EMBED), dtype=jnp.float32) * 0.05
    return {"x": x, "token_table": token_table, "pos_table": pos_table}

def reference(x, token_table, pos_table):
    # token embedding: gather rows of token_table
    tok = jnp.take(token_table, x, axis=0)            # [B, L, D]
    # positional embedding: gather rows 0..L-1 of pos_table
    L = x.shape[-1]
    positions = jnp.arange(L)
    pos = jnp.take(pos_table, positions, axis=0)      # [L, D]
    return tok + pos[None, :, :]

if __name__ == "__main__":
    import jax
    _d = setup_inputs()
    print(jax.jit(kernel)(*tuple(_d.values())))

</pallas_src>

<mosaic_0001>
#map = affine_map<(d0, d1) -> (0, 0)>
#map1 = affine_map<(d0, d1) -> (0, 0, 0, 0)>
module attributes {stable_mosaic.version = 14 : i64} {
  func.func @k(%arg0: i32, %arg1: i32, %arg2: memref<200x4096xi32, #tpu.memory_space<hbm>>, %arg3: memref<100096x64xf32, #tpu.memory_space<hbm>>, %arg4: memref<200x64xf32, #tpu.memory_space<hbm>>, %arg5: memref<200x8x32x1024xf32, #tpu.memory_space<hbm>>, %arg6: memref<200x128xi32, #tpu.memory_space<vmem>>, %arg7: memref<200x64xf32, #tpu.memory_space<vmem>>, %arg8: memref<4x128x64xf32, #tpu.memory_space<vmem>>, %arg9: memref<4x8x1024xf32, #tpu.memory_space<vmem>>, %arg10: memref<!tpu.dma_semaphore, #tpu.memory_space<semaphore_mem>>, %arg11: memref<!tpu.dma_semaphore, #tpu.memory_space<semaphore_mem>>, %arg12: memref<!tpu.dma_semaphore, #tpu.memory_space<semaphore_mem>>, %arg13: memref<!tpu.dma_semaphore, #tpu.memory_space<semaphore_mem>>, %arg14: memref<!tpu.dma_semaphore, #tpu.memory_space<semaphore_mem>>, %arg15: memref<!tpu.dma_semaphore, #tpu.memory_space<semaphore_mem>>, %arg16: memref<!tpu.dma_semaphore, #tpu.memory_space<semaphore_mem>>, %arg17: memref<!tpu.dma_semaphore, #tpu.memory_space<semaphore_mem>>) attributes {dimension_semantics = [#tpu.dimension_semantics<core_parallel>, #tpu.dimension_semantics<subcore_parallel>], iteration_bounds = array<i64: 2, 16>, scalar_prefetch = 0 : i64, scratch_operands = 12 : i64, tpu.core_type = #tpu.core_type<sc_vector_subcore>, window_params = [{transform_indices = #map}, {transform_indices = #map}, {transform_indices = #map}, {transform_indices = #map1}]} {
    %mul3A = arith.constant 2 : i32
    %mul3A_0 = arith.muli %arg1, %mul3A : i32
    %add3A = arith.addi %mul3A_0, %arg0 : i32
    %mul3A_1 = arith.constant 128 : i32
    %mul3A_2 = arith.muli %add3A, %mul3A_1 : i32
    "tpu.region"() ({
      %run_scoped3A = tpu.sem_alloc : memref<!tpu.dma_semaphore, #tpu.memory_space<semaphore_mem>>
      %dma_start3A_125 = arith.constant 0 : i32
      %dma_start3A_126 = tpu.memref_slice %arg2[%dma_start3A_125, %mul3A_2] : memref<200x4096xi32, #tpu.memory_space<hbm>> -> memref<200x128xi32, #tpu.memory_space<hbm>>
      %dma_start3A_127 = arith.constant 0 : i32
      %dma_start3A_128 = tpu.memref_slice %arg2[%dma_start3A_127, %mul3A_2] : memref<200x4096xi32, #tpu.memory_space<hbm>> -> memref<200x128xi32, #tpu.memory_space<hbm>>
      tpu.enqueue_dma source(%dma_start3A_128 : memref<200x128xi32, #tpu.memory_space<hbm>>) target(%arg6 : memref<200x128xi32, #tpu.memory_space<vmem>>) target_semaphore(%run_scoped3A : memref<!tpu.dma_semaphore, #tpu.memory_space<semaphore_mem>>)
      %dma_wait3A_129 = arith.constant 0 : i32
      %dma_wait3A_130 = tpu.memref_slice %arg2[%dma_wait3A_129, %mul3A_2] : memref<200x4096xi32, #tpu.memory_space<hbm>> -> memref<200x128xi32, #tpu.memory_space<hbm>>
      %dma_wait3A_131 = arith.constant 0 : i32
      %dma_wait3A_132 = tpu.memref_slice %arg2[%dma_wait3A_131, %mul3A_2] : memref<200x4096xi32, #tpu.memory_space<hbm>> -> memref<200x128xi32, #tpu.memory_space<hbm>>
      tpu.wait_dma2 semaphore(%run_scoped3A : memref<!tpu.dma_semaphore, #tpu.memory_space<semaphore_mem>>) src(%dma_wait3A_132 : memref<200x128xi32, #tpu.memory_space<hbm>>) dst(%arg6 : memref<200x128xi32, #tpu.memory_space<vmem>>)
      tpu.yield
    }) : () -> ()
    "tpu.region"() ({
      %run_scoped3A = tpu.sem_alloc : memref<!tpu.dma_semaphore, #tpu.memory_space<semaphore_mem>>
      tpu.enqueue_dma source(%arg4 : memref<200x64xf32, #tpu.memory_space<hbm>>) target(%arg7 : memref<200x64xf32, #tpu.memory_space<vmem>>) target_semaphore(%run_scoped3A : memref<!tpu.dma_semaphore, #tpu.memory_space<semaphore_mem>>)
      tpu.wait_dma2 semaphore(%run_scoped3A : memref<!tpu.dma_semaphore, #tpu.memory_space<semaphore_mem>>) src(%arg4 : memref<200x64xf32, #tpu.memory_space<hbm>>) dst(%arg7 : memref<200x64xf32, #tpu.memory_space<vmem>>)
      tpu.yield
    }) : () -> ()
    %iota3A = tpu.iota {dimensions = array<i32: 0>} : vector<16xi32>
    %dma_start3A = arith.constant 0 : i32
    %dma_start3A_3 = arith.constant 0 : i32
    %dma_start3A_4 = arith.constant 0 : i32
    %dma_start3A_5 = arith.constant 0 : i32
    %dma_start3A_6 = tpu.memref_slice %arg8[%dma_start3A_3, %dma_start3A_4, %dma_start3A_5] : memref<4x128x64xf32, #tpu.memory_space<vmem>> -> memref<1x128x64xf32, #tpu.memory_space<vmem>>
    %dma_start3A_7 = tpu.memref_squeeze %dma_start3A_6 : memref<1x128x64xf32, #tpu.memory_space<vmem>> -> memref<128x64xf32, #tpu.memory_space<vmem>>
    %dma_start3A_8 = arith.constant 0 : i32
    %dma_start3A_9 = tpu.memref_slice %arg6[%dma_start3A, %dma_start3A_8] : memref<200x128xi32, #tpu.memory_space<vmem>> -> memref<1x128xi32, #tpu.memory_space<vmem>>
    %dma_start3A_10 = tpu.memref_squeeze %dma_start3A_9 : memref<1x128xi32, #tpu.memory_space<vmem>> -> memref<128xi32, #tpu.memory_space<vmem>>
    %dma_start3A_11 = arith.constant 0 : i32
    %dma_start3A_12 = arith.constant 0 : i32
    %dma_start3A_13 = tpu.memref_slice %arg3[%dma_start3A_11, %dma_start3A_12] : memref<100096x64xf32, #tpu.memory_space<hbm>> -> memref<100096x64xf32, #tpu.memory_space<hbm>>
    tpu.enqueue_indirect_dma source(%dma_start3A_13 : memref<100096x64xf32, #tpu.memory_space<hbm>>) target(%dma_start3A_7 : memref<128x64xf32, #tpu.memory_space<vmem>>) offsets(%dma_start3A_10 : memref<128xi32, #tpu.memory_space<vmem>>) semaphore(%arg10 : memref<!tpu.dma_semaphore, #tpu.memory_space<semaphore_mem>>)
    %dma_start3A_14 = arith.constant 1 : i32
    %dma_start3A_15 = arith.constant 1 : i32
    %dma_start3A_16 = arith.constant 0 : i32
    %dma_start3A_17 = arith.constant 0 : i32
    %dma_start3A_18 = tpu.memref_slice %arg8[%dma_start3A_15, %dma_start3A_16, %dma_start3A_17] : memref<4x128x64xf32, #tpu.memory_space<vmem>> -> memref<1x128x64xf32, #tpu.memory_space<vmem>>
    %dma_start3A_19 = tpu.memref_squeeze %dma_start3A_18 : memref<1x128x64xf32, #tpu.memory_space<vmem>> -> memref<128x64xf32, #tpu.memory_space<vmem>>
    %dma_start3A_20 = arith.constant 0 : i32
    %dma_start3A_21 = tpu.memref_slice %arg6[%dma_start3A_14, %dma_start3A_20] : memref<200x128xi32, #tpu.memory_space<vmem>> -> memref<1x128xi32, #tpu.memory_space<vmem>>
    %dma_start3A_22 = tpu.memref_squeeze %dma_start3A_21 : memref<1x128xi32, #tpu.memory_space<vmem>> -> memref<128xi32, #tpu.memory_space<vmem>>
    %dma_start3A_23 = arith.constant 0 : i32
    %dma_start3A_24 = arith.constant 0 : i32
    %dma_start3A_25 = tpu.memref_slice %arg3[%dma_start3A_23, %dma_start3A_24] : memref<100096x64xf32, #tpu.memory_space<hbm>> -> memref<100096x64xf32, #tpu.memory_space<hbm>>
    tpu.enqueue_indirect_dma source(%dma_start3A_25 : memref<100096x64xf32, #tpu.memory_space<hbm>>) target(%dma_start3A_19 : memref<128x64xf32, #tpu.memory_space<vmem>>) offsets(%dma_start3A_22 : memref<128xi32, #tpu.memory_space<vmem>>) semaphore(%arg11 : memref<!tpu.dma_semaphore, #tpu.memory_space<semaphore_mem>>)
    %dma_start3A_26 = arith.constant 2 : i32
    %dma_start3A_27 = arith.constant 2 : i32
    %dma_start3A_28 = arith.constant 0 : i32
    %dma_start3A_29 = arith.constant 0 : i32
    %dma_start3A_30 = tpu.memref_slice %arg8[%dma_start3A_27, %dma_start3A_28, %dma_start3A_29] : memref<4x128x64xf32, #tpu.memory_space<vmem>> -> memref<1x128x64xf32, #tpu.memory_space<vmem>>
    %dma_start3A_31 = tpu.memref_squeeze %dma_start3A_30 : memref<1x128x64xf32, #tpu.memory_space<vmem>> -> memref<128x64xf32, #tpu.memory_space<vmem>>
    %dma_start3A_32 = arith.constant 0 : i32
    %dma_start3A_33 = tpu.memref_slice %arg6[%dma_start3A_26, %dma_start3A_32] : memref<200x128xi32, #tpu.memory_space<vmem>> -> memref<1x128xi32, #tpu.memory_space<vmem>>
    %dma_start3A_34 = tpu.memref_squeeze %dma_start3A_33 : memref<1x128xi32, #tpu.memory_space<vmem>> -> memref<128xi32, #tpu.memory_space<vmem>>
    %dma_start3A_35 = arith.constant 0 : i32
    %dma_start3A_36 = arith.constant 0 : i32
    %dma_start3A_37 = tpu.memref_slice %arg3[%dma_start3A_35, %dma_start3A_36] : memref<100096x64xf32, #tpu.memory_space<hbm>> -> memref<100096x64xf32, #tpu.memory_space<hbm>>
    tpu.enqueue_indirect_dma source(%dma_start3A_37 : memref<100096x64xf32, #tpu.memory_space<hbm>>) target(%dma_start3A_31 : memref<128x64xf32, #tpu.memory_space<vmem>>) offsets(%dma_start3A_34 : memref<128xi32, #tpu.memory_space<vmem>>) semaphore(%arg12 : memref<!tpu.dma_semaphore, #tpu.memory_space<semaphore_mem>>)
    %dma_start3A_38 = arith.constant 3 : i32
    %dma_start3A_39 = arith.constant 3 : i32
    %dma_start3A_40 = arith.constant 0 : i32
    %dma_start3A_41 = arith.constant 0 : i32
    %dma_start3A_42 = tpu.memref_slice %arg8[%dma_start3A_39, %dma_start3A_40, %dma_start3A_41] : memref<4x128x64xf32, #tpu.memory_space<vmem>> -> memref<1x128x64xf32, #tpu.memory_space<vmem>>
    %dma_start3A_43 = tpu.memref_squeeze %dma_start3A_42 : memref<1x128x64xf32, #tpu.memory_space<vmem>> -> memref<128x64xf32, #tpu.memory_space<vmem>>
    %dma_start3A_44 = arith.constant 0 : i32
    %dma_start3A_45 = tpu.memref_slice %arg6[%dma_start3A_38, %dma_start3A_44] : memref<200x128xi32, #tpu.memory_space<vmem>> -> memref<1x128xi32, #tpu.memory_space<vmem>>
    %dma_start3A_46 = tpu.memref_squeeze %dma_start3A_45 : memref<1x128xi32, #tpu.memory_space<vmem>> -> memref<128xi32, #tpu.memory_space<vmem>>
    %dma_start3A_47 = arith.constant 0 : i32
    %dma_start3A_48 = arith.constant 0 : i32
    %dma_start3A_49 = tpu.memref_slice %arg3[%dma_start3A_47, %dma_start3A_48] : memref<100096x64xf32, #tpu.memory_space<hbm>> -> memref<100096x64xf32, #tpu.memory_space<hbm>>
    tpu.enqueue_indirect_dma source(%dma_start3A_49 : memref<100096x64xf32, #tpu.memory_space<hbm>>) target(%dma_start3A_43 : memref<128x64xf32, #tpu.memory_space<vmem>>) offsets(%dma_start3A_46 : memref<128xi32, #tpu.memory_space<vmem>>) semaphore(%arg13 : memref<!tpu.dma_semaphore, #tpu.memory_space<semaphore_mem>>)
    %scan3A = arith.constant 0 : i32
    %scan3A_50 = arith.constant 50 : i32
    %scan3A_51 = arith.addi %scan3A, %scan3A_50 : i32
    %scan3A_52 = arith.constant 1 : i32
    scf.for %scan3A_125 = %scan3A to %scan3A_51 step %scan3A_52  : i32 {
      %mul3A_126 = arith.constant 4 : i32
      %mul3A_127 = arith.muli %scan3A_125, %mul3A_126 : i32
      %add3A_128 = arith.constant 0 : i32
      %add3A_129 = arith.addi %add3A_128, %mul3A_127 : i32
      %add3A_130 = arith.constant 0 : i32
      %add3A_131 = arith.addi %add3A_129, %add3A_130 : i32
      %dma_wait3A_132 = arith.constant 0 : i32
      %dma_wait3A_133 = arith.constant 0 : i32
      %dma_wait3A_134 = arith.constant 0 : i32
      %dma_wait3A_135 = tpu.memref_slice %arg8[%dma_wait3A_132, %dma_wait3A_133, %dma_wait3A_134] : memref<4x128x64xf32, #tpu.memory_space<vmem>> -> memref<1x128x64xf32, #tpu.memory_space<vmem>>
      %dma_wait3A_136 = tpu.memref_squeeze %dma_wait3A_135 : memref<1x128x64xf32, #tpu.memory_space<vmem>> -> memref<128x64xf32, #tpu.memory_space<vmem>>
      %dma_wait3A_137 = arith.constant 0 : i32
      %dma_wait3A_138 = tpu.memref_slice %arg6[%add3A_131, %dma_wait3A_137] : memref<200x128xi32, #tpu.memory_space<vmem>> -> memref<1x128xi32, #tpu.memory_space<vmem>>
      %dma_wait3A_139 = tpu.memref_squeeze %dma_wait3A_138 : memref<1x128xi32, #tpu.memory_space<vmem>> -> memref<128xi32, #tpu.memory_space<vmem>>
      %dma_wait3A_140 = arith.constant 0 : i32
      %dma_wait3A_141 = arith.constant 0 : i32
      %dma_wait3A_142 = tpu.memref_slice %arg3[%dma_wait3A_140, %dma_wait3A_141] : memref<100096x64xf32, #tpu.memory_space<hbm>> -> memref<100096x64xf32, #tpu.memory_space<hbm>>
      tpu.wait_indirect_dma semaphore(%arg10 : memref<!tpu.dma_semaphore, #tpu.memory_space<semaphore_mem>>) src(%dma_wait3A_142 : memref<100096x64xf32, #tpu.memory_space<hbm>>) dst(%dma_wait3A_136 : memref<128x64xf32, #tpu.memory_space<vmem>>)
      %ge3A = arith.constant 4 : i32
      %ge3A_143 = arith.cmpi sge, %add3A_131, %ge3A : i32
      %convert_element_type3A = arith.extui %ge3A_143 : i1 to i32
      %cond3A = arith.constant 0 : i32
      %cond3A_144 = arith.constant 0 : i32
      %cond3A_145 = arith.cmpi ne, %convert_element_type3A, %cond3A_144 : i32
      scf.if %cond3A_145 {
        %sub3A = arith.constant 4 : i32
        %sub3A_324 = arith.subi %add3A_131, %sub3A : i32
        %dma_wait3A_325 = arith.constant 0 : i32
        %dma_wait3A_326 = arith.constant 0 : i32
        %dma_wait3A_327 = tpu.memref_slice %arg9[%cond3A, %dma_wait3A_325, %dma_wait3A_326] : memref<4x8x1024xf32, #tpu.memory_space<vmem>> -> memref<1x8x1024xf32, #tpu.memory_space<vmem>>
        %dma_wait3A_328 = tpu.memref_squeeze %dma_wait3A_327 : memref<1x8x1024xf32, #tpu.memory_space<vmem>> -> memref<8x1024xf32, #tpu.memory_space<vmem>>
        %dma_wait3A_329 = arith.constant 0 : i32
        %dma_wait3A_330 = arith.constant 0 : i32
        %dma_wait3A_331 = tpu.memref_slice %arg5[%sub3A_324, %dma_wait3A_329, %add3A, %dma_wait3A_330] : memref<200x8x32x1024xf32, #tpu.memory_space<hbm>> -> memref<1x8x1x1024xf32, #tpu.memory_space<hbm>>
        %dma_wait3A_332 = tpu.memref_squeeze %dma_wait3A_331 : memref<1x8x1x1024xf32, #tpu.memory_space<hbm>> -> memref<8x1024xf32, #tpu.memory_space<hbm>>
        %dma_wait3A_333 = arith.constant 0 : i32
        %dma_wait3A_334 = arith.constant 0 : i32
        %dma_wait3A_335 = tpu.memref_slice %arg5[%sub3A_324, %dma_wait3A_333, %add3A, %dma_wait3A_334] : memref<200x8x32x1024xf32, #tpu.memory_space<hbm>> -> memref<1x8x1x1024xf32, #tpu.memory_space<hbm>>
        %dma_wait3A_336 = tpu.memref_squeeze %dma_wait3A_335 : memref<1x8x1x1024xf32, #tpu.memory_space<hbm>> -> memref<8x1024xf32, #tpu.memory_space<hbm>>
        %dma_wait3A_337 = arith.constant 0 : i32
        %dma_wait3A_338 = arith.constant 0 : i32
        %dma_wait3A_339 = tpu.memref_slice %arg9[%cond3A, %dma_wait3A_337, %dma_wait3A_338] : memref<4x8x1024xf32, #tpu.memory_space<vmem>> -> memref<1x8x1024xf32, #tpu.memory_space<vmem>>
        %dma_wait3A_340 = tpu.memref_squeeze %dma_wait3A_339 : memref<1x8x1024xf32, #tpu.memory_space<vmem>> -> memref<8x1024xf32, #tpu.memory_space<vmem>>
        tpu.wait_dma2 semaphore(%arg14 : memref<!tpu.dma_semaphore, #tpu.memory_space<semaphore_mem>>) src(%dma_wait3A_340 : memref<8x1024xf32, #tpu.memory_space<vmem>>) dst(%dma_wait3A_336 : memref<8x1024xf32, #tpu.memory_space<hbm>>)
      } else {
      }
      %broadcast_in_dim3A = vector.broadcast %add3A_131 : i32 to vector<16xi32>
      %parallel_loop3A = arith.constant 0 : i32
      %parallel_loop3A_146 = arith.constant 64 : i32
      %parallel_loop3A_147 = arith.constant 1 : i32
      %parallel_loop3A_148 = arith.constant 0 : i32
      %parallel_loop3A_149 = arith.constant 0 : i32
      scf.for %parallel_loop3A_324 = %parallel_loop3A to %parallel_loop3A_146 step %parallel_loop3A_147  : i32 {
        %parallel_loop3A_325 = arith.constant -16 : i32
        %parallel_loop3A_326 = arith.andi %parallel_loop3A_324, %parallel_loop3A_325 : i32
        %parallel_loop3A_327 = vector.broadcast %parallel_loop3A_324 : i32 to vector<16xi32>
        %parallel_loop3A_328 = arith.addi %parallel_loop3A_327, %iota3A : vector<16xi32>
        %parallel_loop3A_329 = arith.constant 15 : i32
        %parallel_loop3A_330 = vector.broadcast %parallel_loop3A_329 : i32 to vector<16xi32>
        %parallel_loop3A_331 = arith.andi %parallel_loop3A_328, %parallel_loop3A_330 : vector<16xi32>
        %parallel_loop3A_332 = vector.broadcast %parallel_loop3A_326 : i32 to vector<16xi32>
        %parallel_loop3A_333 = arith.ori %parallel_loop3A_332, %parallel_loop3A_331 : vector<16xi32>
        %parallel_loop3A_334 = tpu.vector_load_idx %arg7[%broadcast_in_dim3A, %parallel_loop3A_333] : memref<200x64xf32, #tpu.memory_space<vmem>>[vector<16xi32>, vector<16xi32>], vector<16xf32>,
        %parallel_loop3A_335 = arith.constant 3 : i32
        %parallel_loop3A_336 = vector.broadcast %parallel_loop3A_335 : i32 to vector<16xi32>
        %parallel_loop3A_337 = arith.shrsi %parallel_loop3A_333, %parallel_loop3A_336 : vector<16xi32>
        %parallel_loop3A_338 = arith.constant 7 : i32
        %parallel_loop3A_339 = vector.broadcast %parallel_loop3A_338 : i32 to vector<16xi32>
        %parallel_loop3A_340 = arith.andi %parallel_loop3A_333, %parallel_loop3A_339 : vector<16xi32>
        %parallel_loop3A_341 = arith.constant 7 : i32
        %parallel_loop3A_342 = vector.broadcast %parallel_loop3A_341 : i32 to vector<16xi32>
        %parallel_loop3A_343 = arith.shli %parallel_loop3A_340, %parallel_loop3A_342 : vector<16xi32>
        %parallel_loop3A_344 = arith.constant 0 : i32
        %parallel_loop3A_345 = vector.broadcast %parallel_loop3A_344 : i32 to vector<16xi32>
        %parallel_loop3A_346 = arith.addi %parallel_loop3A_345, %iota3A : vector<16xi32>
        %parallel_loop3A_347 = arith.constant 0 : i32
        %parallel_loop3A_348 = arith.constant 0 : i32
        %parallel_loop3A_349 = tpu.memref_slice %arg8[%parallel_loop3A_148, %parallel_loop3A_347, %parallel_loop3A_348] : memref<4x128x64xf32, #tpu.memory_space<vmem>> -> memref<1x128x64xf32, #tpu.memory_space<vmem>>
        %parallel_loop3A_350 = tpu.memref_squeeze %parallel_loop3A_349 : memref<1x128x64xf32, #tpu.memory_space<vmem>> -> memref<128x64xf32, #tpu.memory_space<vmem>>
        %parallel_loop3A_351 = tpu.vector_load_idx %parallel_loop3A_350[%parallel_loop3A_346, %parallel_loop3A_333] : memref<128x64xf32, #tpu.memory_space<vmem>>[vector<16xi32>, vector<16xi32>], vector<16xf32>,
        %parallel_loop3A_352 = arith.addi %parallel_loop3A_343, %parallel_loop3A_346 : vector<16xi32>
        %parallel_loop3A_353 = arith.addf %parallel_loop3A_351, %parallel_loop3A_334 : vector<16xf32>
        %parallel_loop3A_354 = arith.constant 0 : i32
        %parallel_loop3A_355 = arith.constant 0 : i32
        %parallel_loop3A_356 = tpu.memref_slice %arg9[%parallel_loop3A_149, %parallel_loop3A_354, %parallel_loop3A_355] : memref<4x8x1024xf32, #tpu.memory_space<vmem>> -> memref<1x8x1024xf32, #tpu.memory_space<vmem>>
        %parallel_loop3A_357 = tpu.memref_squeeze %parallel_loop3A_356 : memref<1x8x1024xf32, #tpu.memory_space<vmem>> -> memref<8x1024xf32, #tpu.memory_space<vmem>>
        tpu.vector_store_idx %parallel_loop3A_357[%parallel_loop3A_337, %parallel_loop3A_352], %parallel_loop3A_353 : memref<8x1024xf32, #tpu.memory_space<vmem>>[vector<16xi32>, vector<16xi32>], vector<16xf32>,
        %parallel_loop3A_358 = arith.constant 16 : i32
        %parallel_loop3A_359 = vector.broadcast %parallel_loop3A_358 : i32 to vector<16xi32>
        %parallel_loop3A_360 = arith.addi %parallel_loop3A_359, %iota3A : vector<16xi32>
        %parallel_loop3A_361 = arith.constant 0 : i32
        %parallel_loop3A_362 = arith.constant 0 : i32
        %parallel_loop3A_363 = tpu.memref_slice %arg8[%parallel_loop3A_148, %parallel_loop3A_361, %parallel_loop3A_362] : memref<4x128x64xf32, #tpu.memory_space<vmem>> -> memref<1x128x64xf32, #tpu.memory_space<vmem>>
        %parallel_loop3A_364 = tpu.memref_squeeze %parallel_loop3A_363 : memref<1x128x64xf32, #tpu.memory_space<vmem>> -> memref<128x64xf32, #tpu.memory_space<vmem>>
        %parallel_loop3A_365 = tpu.vector_load_idx %parallel_loop3A_364[%parallel_loop3A_360, %parallel_loop3A_333] : memref<128x64xf32, #tpu.memory_space<vmem>>[vector<16xi32>, vector<16xi32>], vector<16xf32>,
        %parallel_loop3A_366 = arith.addi %parallel_loop3A_343, %parallel_loop3A_360 : vector<16xi32>
        %parallel_loop3A_367 = arith.addf %parallel_loop3A_365, %parallel_loop3A_334 : vector<16xf32>
        %parallel_loop3A_368 = arith.constant 0 : i32
        %parallel_loop3A_369 = arith.constant 0 : i32
        %parallel_loop3A_370 = tpu.memref_slice %arg9[%parallel_loop3A_149, %parallel_loop3A_368, %parallel_loop3A_369] : memref<4x8x1024xf32, #tpu.memory_space<vmem>> -> memref<1x8x1024xf32, #tpu.memory_space<vmem>>
        %parallel_loop3A_371 = tpu.memref_squeeze %parallel_loop3A_370 : memref<1x8x1024xf32, #tpu.memory_space<vmem>> -> memref<8x1024xf32, #tpu.memory_space<vmem>>
        tpu.vector_store_idx %parallel_loop3A_371[%parallel_loop3A_337, %parallel_loop3A_366], %parallel_loop3A_367 : memref<8x1024xf32, #tpu.memory_space<vmem>>[vector<16xi32>, vector<16xi32>], vector<16xf32>,
        %parallel_loop3A_372 = arith.constant 32 : i32
        %parallel_loop3A_373 = vector.broadcast %parallel_loop3A_372 : i32 to vector<16xi32>
        %parallel_loop3A_374 = arith.addi %parallel_loop3A_373, %iota3A : vector<16xi32>
        %parallel_loop3A_375 = arith.constant 0 : i32
        %parallel_loop3A_376 = arith.constant 0 : i32
        %parallel_loop3A_377 = tpu.memref_slice %arg8[%parallel_loop3A_148, %parallel_loop3A_375, %parallel_loop3A_376] : memref<4x128x64xf32, #tpu.memory_space<vmem>> -> memref<1x128x64xf32, #tpu.memory_space<vmem>>
        %parallel_loop3A_378 = tpu.memref_squeeze %parallel_loop3A_377 : memref<1x128x64xf32, #tpu.memory_space<vmem>> -> memref<128x64xf32, #tpu.memory_space<vmem>>
        %parallel_loop3A_379 = tpu.vector_load_idx %parallel_loop3A_378[%parallel_loop3A_374, %parallel_loop3A_333] : memref<128x64xf32, #tpu.memory_space<vmem>>[vector<16xi32>, vector<16xi32>], vector<16xf32>,
        %parallel_loop3A_380 = arith.addi %parallel_loop3A_343, %parallel_loop3A_374 : vector<16xi32>
        %parallel_loop3A_381 = arith.addf %parallel_loop3A_379, %parallel_loop3A_334 : vector<16xf32>
        %parallel_loop3A_382 = arith.constant 0 : i32
        %parallel_loop3A_383 = arith.constant 0 : i32
        %parallel_loop3A_384 = tpu.memref_slice %arg9[%parallel_loop3A_149, %parallel_loop3A_382, %parallel_loop3A_383] : memref<4x8x1024xf32, #tpu.memory_space<vmem>> -> memref<1x8x1024xf32, #tpu.memory_space<vmem>>
        %parallel_loop3A_385 = tpu.memref_squeeze %parallel_loop3A_384 : memref<1x8x1024xf32, #tpu.memory_space<vmem>> -> memref<8x1024xf32, #tpu.memory_space<vmem>>
        tpu.vector_store_idx %parallel_loop3A_385[%parallel_loop3A_337, %parallel_loop3A_380], %parallel_loop3A_381 : memref<8x1024xf32, #tpu.memory_space<vmem>>[vector<16xi32>, vector<16xi32>], vector<16xf32>,
        %parallel_loop3A_386 = arith.constant 48 : i32
        %parallel_loop3A_387 = vector.broadcast %parallel_loop3A_386 : i32 to vector<16xi32>
        %parallel_loop3A_388 = arith.addi %parallel_loop3A_387, %iota3A : vector<16xi32>
        %parallel_loop3A_389 = arith.constant 0 : i32
        %parallel_loop3A_390 = arith.constant 0 : i32
        %parallel_loop3A_391 = tpu.memref_slice %arg8[%parallel_loop3A_148, %parallel_loop3A_389, %parallel_loop3A_390] : memref<4x128x64xf32, #tpu.memory_space<vmem>> -> memref<1x128x64xf32, #tpu.memory_space<vmem>>
        %parallel_loop3A_392 = tpu.memref_squeeze %parallel_loop3A_391 : memref<1x128x64xf32, #tpu.memory_space<vmem>> -> memref<128x64xf32, #tpu.memory_space<vmem>>
        %parallel_loop3A_393 = tpu.vector_load_idx %parallel_loop3A_392[%parallel_loop3A_388, %parallel_loop3A_333] : memref<128x64xf32, #tpu.memory_space<vmem>>[vector<16xi32>, vector<16xi32>], vector<16xf32>,
        %parallel_loop3A_394 = arith.addi %parallel_loop3A_343, %parallel_loop3A_388 : vector<16xi32>
        %parallel_loop3A_395 = arith.addf %parallel_loop3A_393, %parallel_loop3A_334 : vector<16xf32>
        %parallel_loop3A_396 = arith.constant 0 : i32
        %parallel_loop3A_397 = arith.constant 0 : i32
        %parallel_loop3A_398 = tpu.memref_slice %arg9[%parallel_loop3A_149, %parallel_loop3A_396, %parallel_loop3A_397] : memref<4x8x1024xf32, #tpu.memory_space<vmem>> -> memref<1x8x1024xf32, #tpu.memory_space<vmem>>
        %parallel_loop3A_399 = tpu.memref_squeeze %parallel_loop3A_398 : memref<1x8x1024xf32, #tpu.memory_space<vmem>> -> memref<8x1024xf32, #tpu.memory_space<vmem>>
        tpu.vector_store_idx %parallel_loop3A_399[%parallel_loop3A_337, %parallel_loop3A_394], %parallel_loop3A_395 : memref<8x1024xf32, #tpu.memory_space<vmem>>[vector<16xi32>, vector<16xi32>], vector<16xf32>,
        %parallel_loop3A_400 = arith.constant 64 : i32
        %parallel_loop3A_401 = vector.broadcast %parallel_loop3A_400 : i32 to vector<16xi32>
        %parallel_loop3A_402 = arith.addi %parallel_loop3A_401, %iota3A : vector<16xi32>
        %parallel_loop3A_403 = arith.constant 0 : i32
        %parallel_loop3A_404 = arith.constant 0 : i32
        %parallel_loop3A_405 = tpu.memref_slice %arg8[%parallel_loop3A_148, %parallel_loop3A_403, %parallel_loop3A_404] : memref<4x128x64xf32, #tpu.memory_space<vmem>> -> memref<1x128x64xf32, #tpu.memory_space<vmem>>
        %parallel_loop3A_406 = tpu.memref_squeeze %parallel_loop3A_405 : memref<1x128x64xf32, #tpu.memory_space<vmem>> -> memref<128x64xf32, #tpu.memory_space<vmem>>
        %parallel_loop3A_407 = tpu.vector_load_idx %parallel_loop3A_406[%parallel_loop3A_402, %parallel_loop3A_333] : memref<128x64xf32, #tpu.memory_space<vmem>>[vector<16xi32>, vector<16xi32>], vector<16xf32>,
        %parallel_loop3A_408 = arith.addi %parallel_loop3A_343, %parallel_loop3A_402 : vector<16xi32>
        %parallel_loop3A_409 = arith.addf %parallel_loop3A_407, %parallel_loop3A_334 : vector<16xf32>
        %parallel_loop3A_410 = arith.constant 0 : i32
        %parallel_loop3A_411 = arith.constant 0 : i32
        %parallel_loop3A_412 = tpu.memref_slice %arg9[%parallel_loop3A_149, %parallel_loop3A_410, %parallel_loop3A_411] : memref<4x8x1024xf32, #tpu.memory_space<vmem>> -> memref<1x8x1024xf32, #tpu.memory_space<vmem>>
        %parallel_loop3A_413 = tpu.memref_squeeze %parallel_loop3A_412 : memref<1x8x1024xf32, #tpu.memory_space<vmem>> -> memref<8x1024xf32, #tpu.memory_space<vmem>>
        tpu.vector_store_idx %parallel_loop3A_413[%parallel_loop3A_337, %parallel_loop3A_408], %parallel_loop3A_409 : memref<8x1024xf32, #tpu.memory_space<vmem>>[vector<16xi32>, vector<16xi32>], vector<16xf32>,
        %parallel_loop3A_414 = arith.constant 80 : i32
        %parallel_loop3A_415 = vector.broadcast %parallel_loop3A_414 : i32 to vector<16xi32>
        %parallel_loop3A_416 = arith.addi %parallel_loop3A_415, %iota3A : vector<16xi32>
        %parallel_loop3A_417 = arith.constant 0 : i32
        %parallel_loop3A_418 = arith.constant 0 : i32
        %parallel_loop3A_419 = tpu.memref_slice %arg8[%parallel_loop3A_148, %parallel_loop3A_417, %parallel_loop3A_418] : memref<4x128x64xf32, #tpu.memory_space<vmem>> -> memref<1x128x64xf32, #tpu.memory_space<vmem>>
        %parallel_loop3A_420 = tpu.memref_squeeze %parallel_loop3A_419 : memref<1x128x64xf32, #tpu.memory_space<vmem>> -> memref<128x64xf32, #tpu.memory_space<vmem>>
        %parallel_loop3A_421 = tpu.vector_load_idx %parallel_loop3A_420[%parallel_loop3A_416, %parallel_loop3A_333] : memref<128x64xf32, #tpu.memory_space<vmem>>[vector<16xi32>, vector<16xi32>], vector<16xf32>,
        %parallel_loop3A_422 = arith.addi %parallel_loop3A_343, %parallel_loop3A_416 : vector<16xi32>
        %parallel_loop3A_423 = arith.addf %parallel_loop3A_421, %parallel_loop3A_334 : vector<16xf32>
        %parallel_loop3A_424 = arith.constant 0 : i32
        %parallel_loop3A_425 = arith.constant 0 : i32
        %parallel_loop3A_426 = tpu.memref_slice %arg9[%parallel_loop3A_149, %parallel_loop3A_424, %parallel_loop3A_425] : memref<4x8x1024xf32, #tpu.memory_space<vmem>> -> memref<1x8x1024xf32, #tpu.memory_space<vmem>>
        %parallel_loop3A_427 = tpu.memref_squeeze %parallel_loop3A_426 : memref<1x8x1024xf32, #tpu.memory_space<vmem>> -> memref<8x1024xf32, #tpu.memory_space<vmem>>
        tpu.vector_store_idx %parallel_loop3A_427[%parallel_loop3A_337, %parallel_loop3A_422], %parallel_loop3A_423 : memref<8x1024xf32, #tpu.memory_space<vmem>>[vector<16xi32>, vector<16xi32>], vector<16xf32>,
        %parallel_loop3A_428 = arith.constant 96 : i32
        %parallel_loop3A_429 = vector.broadcast %parallel_loop3A_428 : i32 to vector<16xi32>
        %parallel_loop3A_430 = arith.addi %parallel_loop3A_429, %iota3A : vector<16xi32>
        %parallel_loop3A_431 = arith.constant 0 : i32
        %parallel_loop3A_432 = arith.constant 0 : i32
        %parallel_loop3A_433 = tpu.memref_slice %arg8[%parallel_loop3A_148, %parallel_loop3A_431, %parallel_loop3A_432] : memref<4x128x64xf32, #tpu.memory_space<vmem>> -> memref<1x128x64xf32, #tpu.memory_space<vmem>>
        %parallel_loop3A_434 = tpu.memref_squeeze %parallel_loop3A_433 : memref<1x128x64xf32, #tpu.memory_space<vmem>> -> memref<128x64xf32, #tpu.memory_space<vmem>>
        %parallel_loop3A_435 = tpu.vector_load_idx %parallel_loop3A_434[%parallel_loop3A_430, %parallel_loop3A_333] : memref<128x64xf32, #tpu.memory_space<vmem>>[vector<16xi32>, vector<16xi32>], vector<16xf32>,
        %parallel_loop3A_436 = arith.addi %parallel_loop3A_343, %parallel_loop3A_430 : vector<16xi32>
        %parallel_loop3A_437 = arith.addf %parallel_loop3A_435, %parallel_loop3A_334 : vector<16xf32>
        %parallel_loop3A_438 = arith.constant 0 : i32
        %parallel_loop3A_439 = arith.constant 0 : i32
        %parallel_loop3A_440 = tpu.memref_slice %arg9[%parallel_loop3A_149, %parallel_loop3A_438, %parallel_loop3A_439] : memref<4x8x1024xf32, #tpu.memory_space<vmem>> -> memref<1x8x1024xf32, #tpu.memory_space<vmem>>
        %parallel_loop3A_441 = tpu.memref_squeeze %parallel_loop3A_440 : memref<1x8x1024xf32, #tpu.memory_space<vmem>> -> memref<8x1024xf32, #tpu.memory_space<vmem>>
        tpu.vector_store_idx %parallel_loop3A_441[%parallel_loop3A_337, %parallel_loop3A_436], %parallel_loop3A_437 : memref<8x1024xf32, #tpu.memory_space<vmem>>[vector<16xi32>, vector<16xi32>], vector<16xf32>,
        %parallel_loop3A_442 = arith.constant 112 : i32
        %parallel_loop3A_443 = vector.broadcast %parallel_loop3A_442 : i32 to vector<16xi32>
        %parallel_loop3A_444 = arith.addi %parallel_loop3A_443, %iota3A : vector<16xi32>
        %parallel_loop3A_445 = arith.constant 0 : i32
        %parallel_loop3A_446 = arith.constant 0 : i32
        %parallel_loop3A_447 = tpu.memref_slice %arg8[%parallel_loop3A_148, %parallel_loop3A_445, %parallel_loop3A_446] : memref<4x128x64xf32, #tpu.memory_space<vmem>> -> memref<1x128x64xf32, #tpu.memory_space<vmem>>
        %parallel_loop3A_448 = tpu.memref_squeeze %parallel_loop3A_447 : memref<1x128x64xf32, #tpu.memory_space<vmem>> -> memref<128x64xf32, #tpu.memory_space<vmem>>
        %parallel_loop3A_449 = tpu.vector_load_idx %parallel_loop3A_448[%parallel_loop3A_444, %parallel_loop3A_333] : memref<128x64xf32, #tpu.memory_space<vmem>>[vector<16xi32>, vector<16xi32>], vector<16xf32>,
        %parallel_loop3A_450 = arith.addi %parallel_loop3A_343, %parallel_loop3A_444 : vector<16xi32>
        %parallel_loop3A_451 = arith.addf %parallel_loop3A_449, %parallel_loop3A_334 : vector<16xf32>
        %parallel_loop3A_452 = arith.constant 0 : i32
        %parallel_loop3A_453 = arith.constant 0 : i32
        %parallel_loop3A_454 = tpu.memref_slice %arg9[%parallel_loop3A_149, %parallel_loop3A_452, %parallel_loop3A_453] : memref<4x8x1024xf32, #tpu.memory_space<vmem>> -> memref<1x8x1024xf32, #tpu.memory_space<vmem>>
        %parallel_loop3A_455 = tpu.memref_squeeze %parallel_loop3A_454 : memref<1x8x1024xf32, #tpu.memory_space<vmem>> -> memref<8x1024xf32, #tpu.memory_space<vmem>>
        tpu.vector_store_idx %parallel_loop3A_455[%parallel_loop3A_337, %parallel_loop3A_450], %parallel_loop3A_451 : memref<8x1024xf32, #tpu.memory_space<vmem>>[vector<16xi32>, vector<16xi32>], vector<16xf32>,
      } {sc.loop_unroll_factor = 1 : i64, sc.parallel_access}
      %dma_start3A_150 = arith.constant 0 : i32
      %dma_start3A_151 = arith.constant 0 : i32
      %dma_start3A_152 = arith.constant 0 : i32
      %dma_start3A_153 = tpu.memref_slice %arg9[%dma_start3A_150, %dma_start3A_151, %dma_start3A_152] : memref<4x8x1024xf32, #tpu.memory_space<vmem>> -> memref<1x8x1024xf32, #tpu.memory_space<vmem>>
      %dma_start3A_154 = tpu.memref_squeeze %dma_start3A_153 : memref<1x8x1024xf32, #tpu.memory_space<vmem>> -> memref<8x1024xf32, #tpu.memory_space<vmem>>
      %dma_start3A_155 = arith.constant 0 : i32
      %dma_start3A_156 = arith.constant 0 : i32
      %dma_start3A_157 = tpu.memref_slice %arg5[%add3A_131, %dma_start3A_155, %add3A, %dma_start3A_156] : memref<200x8x32x1024xf32, #tpu.memory_space<hbm>> -> memref<1x8x1x1024xf32, #tpu.memory_space<hbm>>
      %dma_start3A_158 = tpu.memref_squeeze %dma_start3A_157 : memref<1x8x1x1024xf32, #tpu.memory_space<hbm>> -> memref<8x1024xf32, #tpu.memory_space<hbm>>
      %dma_start3A_159 = arith.constant 0 : i32
      %dma_start3A_160 = arith.constant 0 : i32
      %dma_start3A_161 = tpu.memref_slice %arg5[%add3A_131, %dma_start3A_159, %add3A, %dma_start3A_160] : memref<200x8x32x1024xf32, #tpu.memory_space<hbm>> -> memref<1x8x1x1024xf32, #tpu.memory_space<hbm>>
      %dma_start3A_162 = tpu.memref_squeeze %dma_start3A_161 : memref<1x8x1x1024xf32, #tpu.memory_space<hbm>> -> memref<8x1024xf32, #tpu.memory_space<hbm>>
      %dma_start3A_163 = arith.constant 0 : i32
      %dma_start3A_164 = arith.constant 0 : i32
      %dma_start3A_165 = tpu.memref_slice %arg9[%dma_start3A_150, %dma_start3A_163, %dma_start3A_164] : memref<4x8x1024xf32, #tpu.memory_space<vmem>> -> memref<1x8x1024xf32, #tpu.memory_space<vmem>>
      %dma_start3A_166 = tpu.memref_squeeze %dma_start3A_165 : memref<1x8x1024xf32, #tpu.memory_space<vmem>> -> memref<8x1024xf32, #tpu.memory_space<vmem>>
      tpu.enqueue_dma source(%dma_start3A_166 : memref<8x1024xf32, #tpu.memory_space<vmem>>) target(%dma_start3A_162 : memref<8x1024xf32, #tpu.memory_space<hbm>>) target_semaphore(%arg14 : memref<!tpu.dma_semaphore, #tpu.memory_space<semaphore_mem>>)
      %add3A_167 = arith.constant 4 : i32
      %add3A_168 = arith.addi %add3A_131, %add3A_167 : i32
      %lt3A = arith.constant 200 : i32
      %lt3A_169 = arith.cmpi slt, %add3A_168, %lt3A : i32
      %convert_element_type3A_170 = arith.extui %lt3A_169 : i1 to i32
      %cond3A_171 = arith.constant 0 : i32
      %cond3A_172 = arith.constant 0 : i32
      %cond3A_173 = arith.cmpi ne, %convert_element_type3A_170, %cond3A_172 : i32
      scf.if %cond3A_173 {
        %add3A_324 = arith.constant 4 : i32
        %add3A_325 = arith.addi %add3A_131, %add3A_324 : i32
        %dma_start3A_326 = arith.constant 0 : i32
        %dma_start3A_327 = arith.constant 0 : i32
        %dma_start3A_328 = tpu.memref_slice %arg8[%cond3A_171, %dma_start3A_326, %dma_start3A_327] : memref<4x128x64xf32, #tpu.memory_space<vmem>> -> memref<1x128x64xf32, #tpu.memory_space<vmem>>
        %dma_start3A_329 = tpu.memref_squeeze %dma_start3A_328 : memref<1x128x64xf32, #tpu.memory_space<vmem>> -> memref<128x64xf32, #tpu.memory_space<vmem>>
        %dma_start3A_330 = arith.constant 0 : i32
        %dma_start3A_331 = tpu.memref_slice %arg6[%add3A_325, %dma_start3A_330] : memref<200x128xi32, #tpu.memory_space<vmem>> -> memref<1x128xi32, #tpu.memory_space<vmem>>
        %dma_start3A_332 = tpu.memref_squeeze %dma_start3A_331 : memref<1x128xi32, #tpu.memory_space<vmem>> -> memref<128xi32, #tpu.memory_space<vmem>>
        %dma_start3A_333 = arith.constant 0 : i32
        %dma_start3A_334 = arith.constant 0 : i32
        %dma_start3A_335 = tpu.memref_slice %arg3[%dma_start3A_333, %dma_start3A_334] : memref<100096x64xf32, #tpu.memory_space<hbm>> -> memref<100096x64xf32, #tpu.memory_space<hbm>>
        tpu.enqueue_indirect_dma source(%dma_start3A_335 : memref<100096x64xf32, #tpu.memory_space<hbm>>) target(%dma_start3A_329 : memref<128x64xf32, #tpu.memory_space<vmem>>) offsets(%dma_start3A_332 : memref<128xi32, #tpu.memory_space<vmem>>) semaphore(%arg10 : memref<!tpu.dma_semaphore, #tpu.memory_space<semaphore_mem>>)
      } else {
      }
      %add3A_174 = arith.constant 1 : i32
      %add3A_175 = arith.addi %add3A_129, %add3A_174 : i32
      %dma_wait3A_176 = arith.constant 1 : i32
      %dma_wait3A_177 = arith.constant 0 : i32
      %dma_wait3A_178 = arith.constant 0 : i32
      %dma_wait3A_179 = tpu.memref_slice %arg8[%dma_wait3A_176, %dma_wait3A_177, %dma_wait3A_178] : memref<4x128x64xf32, #tpu.memory_space<vmem>> -> memref<1x128x64xf32, #tpu.memory_space<vmem>>
      %dma_wait3A_180 = tpu.memref_squeeze %dma_wait3A_179 : memref<1x128x64xf32, #tpu.memory_space<vmem>> -> memref<128x64xf32, #tpu.memory_space<vmem>>
      %dma_wait3A_181 = arith.constant 0 : i32
      %dma_wait3A_182 = tpu.memref_slice %arg6[%add3A_175, %dma_wait3A_181] : memref<200x128xi32, #tpu.memory_space<vmem>> -> memref<1x128xi32, #tpu.memory_space<vmem>>
      %dma_wait3A_183 = tpu.memref_squeeze %dma_wait3A_182 : memref<1x128xi32, #tpu.memory_space<vmem>> -> memref<128xi32, #tpu.memory_space<vmem>>
      %dma_wait3A_184 = arith.constant 0 : i32
      %dma_wait3A_185 = arith.constant 0 : i32
      %dma_wait3A_186 = tpu.memref_slice %arg3[%dma_wait3A_184, %dma_wait3A_185] : memref<100096x64xf32, #tpu.memory_space<hbm>> -> memref<100096x64xf32, #tpu.memory_space<hbm>>
      tpu.wait_indirect_dma semaphore(%arg11 : memref<!tpu.dma_semaphore, #tpu.memory_space<semaphore_mem>>) src(%dma_wait3A_186 : memref<100096x64xf32, #tpu.memory_space<hbm>>) dst(%dma_wait3A_180 : memref<128x64xf32, #tpu.memory_space<vmem>>)
      %ge3A_187 = arith.constant 4 : i32
      %ge3A_188 = arith.cmpi sge, %add3A_175, %ge3A_187 : i32
      %convert_element_type3A_189 = arith.extui %ge3A_188 : i1 to i32
      %cond3A_190 = arith.constant 1 : i32
      %cond3A_191 = arith.constant 0 : i32
      %cond3A_192 = arith.cmpi ne, %convert_element_type3A_189, %cond3A_191 : i32
      scf.if %cond3A_192 {
        %sub3A = arith.constant 4 : i32
        %sub3A_324 = arith.subi %add3A_175, %sub3A : i32
        %dma_wait3A_325 = arith.constant 0 : i32
        %dma_wait3A_326 = arith.constant 0 : i32
        %dma_wait3A_327 = tpu.memref_slice %arg9[%cond3A_190, %dma_wait3A_325, %dma_wait3A_326] : memref<4x8x1024xf32, #tpu.memory_space<vmem>> -> memref<1x8x1024xf32, #tpu.memory_space<vmem>>
        %dma_wait3A_328 = tpu.memref_squeeze %dma_wait3A_327 : memref<1x8x1024xf32, #tpu.memory_space<vmem>> -> memref<8x1024xf32, #tpu.memory_space<vmem>>
        %dma_wait3A_329 = arith.constant 0 : i32
        %dma_wait3A_330 = arith.constant 0 : i32
        %dma_wait3A_331 = tpu.memref_slice %arg5[%sub3A_324, %dma_wait3A_329, %add3A, %dma_wait3A_330] : memref<200x8x32x1024xf32, #tpu.memory_space<hbm>> -> memref<1x8x1x1024xf32, #tpu.memory_space<hbm>>
        %dma_wait3A_332 = tpu.memref_squeeze %dma_wait3A_331 : memref<1x8x1x1024xf32, #tpu.memory_space<hbm>> -> memref<8x1024xf32, #tpu.memory_space<hbm>>
        %dma_wait3A_333 = arith.constant 0 : i32
        %dma_wait3A_334 = arith.constant 0 : i32
        %dma_wait3A_335 = tpu.memref_slice %arg5[%sub3A_324, %dma_wait3A_333, %add3A, %dma_wait3A_334] : memref<200x8x32x1024xf32, #tpu.memory_space<hbm>> -> memref<1x8x1x1024xf32, #tpu.memory_space<hbm>>
        %dma_wait3A_336 = tpu.memref_squeeze %dma_wait3A_335 : memref<1x8x1x1024xf32, #tpu.memory_space<hbm>> -> memref<8x1024xf32, #tpu.memory_space<hbm>>
        %dma_wait3A_337 = arith.constant 0 : i32
        %dma_wait3A_338 = arith.constant 0 : i32
        %dma_wait3A_339 = tpu.memref_slice %arg9[%cond3A_190, %dma_wait3A_337, %dma_wait3A_338] : memref<4x8x1024xf32, #tpu.memory_space<vmem>> -> memref<1x8x1024xf32, #tpu.memory_space<vmem>>
        %dma_wait3A_340 = tpu.memref_squeeze %dma_wait3A_339 : memref<1x8x1024xf32, #tpu.memory_space<vmem>> -> memref<8x1024xf32, #tpu.memory_space<vmem>>
        tpu.wait_dma2 semaphore(%arg15 : memref<!tpu.dma_semaphore, #tpu.memory_space<semaphore_mem>>) src(%dma_wait3A_340 : memref<8x1024xf32, #tpu.memory_space<vmem>>) dst(%dma_wait3A_336 : memref<8x1024xf32, #tpu.memory_space<hbm>>)
      } else {
      }
      %broadcast_in_dim3A_193 = vector.broadcast %add3A_175 : i32 to vector<16xi32>
      %parallel_loop3A_194 = arith.constant 0 : i32
      %parallel_loop3A_195 = arith.constant 64 : i32
      %parallel_loop3A_196 = arith.constant 1 : i32
      %parallel_loop3A_197 = arith.constant 1 : i32
      %parallel_loop3A_198 = arith.constant 1 : i32
      scf.for %parallel_loop3A_324 = %parallel_loop3A_194 to %parallel_loop3A_195 step %parallel_loop3A_196  : i32 {
        %parallel_loop3A_325 = arith.constant -16 : i32
        %parallel_loop3A_326 = arith.andi %parallel_loop3A_324, %parallel_loop3A_325 : i32
        %parallel_loop3A_327 = vector.broadcast %parallel_loop3A_324 : i32 to vector<16xi32>
        %parallel_loop3A_328 = arith.addi %parallel_loop3A_327, %iota3A : vector<16xi32>
        %parallel_loop3A_329 = arith.constant 15 : i32
        %parallel_loop3A_330 = vector.broadcast %parallel_loop3A_329 : i32 to vector<16xi32>
        %parallel_loop3A_331 = arith.andi %parallel_loop3A_328, %parallel_loop3A_330 : vector<16xi32>
        %parallel_loop3A_332 = vector.broadcast %parallel_loop3A_326 : i32 to vector<16xi32>
        %parallel_loop3A_333 = arith.ori %parallel_loop3A_332, %parallel_loop3A_331 : vector<16xi32>
        %parallel_loop3A_334 = tpu.vector_load_idx %arg7[%broadcast_in_dim3A_193, %parallel_loop3A_333] : memref<200x64xf32, #tpu.memory_space<vmem>>[vector<16xi32>, vector<16xi32>], vector<16xf32>,
        %parallel_loop3A_335 = arith.constant 3 : i32
        %parallel_loop3A_336 = vector.broadcast %parallel_loop3A_335 : i32 to vector<16xi32>
        %parallel_loop3A_337 = arith.shrsi %parallel_loop3A_333, %parallel_loop3A_336 : vector<16xi32>
        %parallel_loop3A_338 = arith.constant 7 : i32
        %parallel_loop3A_339 = vector.broadcast %parallel_loop3A_338 : i32 to vector<16xi32>
        %parallel_loop3A_340 = arith.andi %parallel_loop3A_333, %parallel_loop3A_339 : vector<16xi32>
        %parallel_loop3A_341 = arith.constant 7 : i32
        %parallel_loop3A_342 = vector.broadcast %parallel_loop3A_341 : i32 to vector<16xi32>
        %parallel_loop3A_343 = arith.shli %parallel_loop3A_340, %parallel_loop3A_342 : vector<16xi32>
        %parallel_loop3A_344 = arith.constant 0 : i32
        %parallel_loop3A_345 = vector.broadcast %parallel_loop3A_344 : i32 to vector<16xi32>
        %parallel_loop3A_346 = arith.addi %parallel_loop3A_345, %iota3A : vector<16xi32>
        %parallel_loop3A_347 = arith.constant 0 : i32
        %parallel_loop3A_348 = arith.constant 0 : i32
        %parallel_loop3A_349 = tpu.memref_slice %arg8[%parallel_loop3A_197, %parallel_loop3A_347, %parallel_loop3A_348] : memref<4x128x64xf32, #tpu.memory_space<vmem>> -> memref<1x128x64xf32, #tpu.memory_space<vmem>>
        %parallel_loop3A_350 = tpu.memref_squeeze %parallel_loop3A_349 : memref<1x128x64xf32, #tpu.memory_space<vmem>> -> memref<128x64xf32, #tpu.memory_space<vmem>>
        %parallel_loop3A_351 = tpu.vector_load_idx %parallel_loop3A_350[%parallel_loop3A_346, %parallel_loop3A_333] : memref<128x64xf32, #tpu.memory_space<vmem>>[vector<16xi32>, vector<16xi32>], vector<16xf32>,
        %parallel_loop3A_352 = arith.addi %parallel_loop3A_343, %parallel_loop3A_346 : vector<16xi32>
        %parallel_loop3A_353 = arith.addf %parallel_loop3A_351, %parallel_loop3A_334 : vector<16xf32>
        %parallel_loop3A_354 = arith.constant 0 : i32
        %parallel_loop3A_355 = arith.constant 0 : i32
        %parallel_loop3A_356 = tpu.memref_slice %arg9[%parallel_loop3A_198, %parallel_loop3A_354, %parallel_loop3A_355] : memref<4x8x1024xf32, #tpu.memory_space<vmem>> -> memref<1x8x1024xf32, #tpu.memory_space<vmem>>
        %parallel_loop3A_357 = tpu.memref_squeeze %parallel_loop3A_356 : memref<1x8x1024xf32, #tpu.memory_space<vmem>> -> memref<8x1024xf32, #tpu.memory_space<vmem>>
        tpu.vector_store_idx %parallel_loop3A_357[%parallel_loop3A_337, %parallel_loop3A_352], %parallel_loop3A_353 : memref<8x1024xf32, #tpu.memory_space<vmem>>[vector<16xi32>, vector<16xi32>], vector<16xf32>,
        %parallel_loop3A_358 = arith.constant 16 : i32
        %parallel_loop3A_359 = vector.broadcast %parallel_loop3A_358 : i32 to vector<16xi32>
        %parallel_loop3A_360 = arith.addi %parallel_loop3A_359, %iota3A : vector<16xi32>
        %parallel_loop3A_361 = arith.constant 0 : i32
        %parallel_loop3A_362 = arith.constant 0 : i32
        %parallel_loop3A_363 = tpu.memref_slice %arg8[%parallel_loop3A_197, %parallel_loop3A_361, %parallel_loop3A_362] : memref<4x128x64xf32, #tpu.memory_space<vmem>> -> memref<1x128x64xf32, #tpu.memory_space<vmem>>
        %parallel_loop3A_364 = tpu.memref_squeeze %parallel_loop3A_363 : memref<1x128x64xf32, #tpu.memory_space<vmem>> -> memref<128x64xf32, #tpu.memory_space<vmem>>
        %parallel_loop3A_365 = tpu.vector_load_idx %parallel_loop3A_364[%parallel_loop3A_360, %parallel_loop3A_333] : memref<128x64xf32, #tpu.memory_space<vmem>>[vector<16xi32>, vector<16xi32>], vector<16xf32>,
        %parallel_loop3A_366 = arith.addi %parallel_loop3A_343, %parallel_loop3A_360 : vector<16xi32>
        %parallel_loop3A_367 = arith.addf %parallel_loop3A_365, %parallel_loop3A_334 : vector<16xf32>
        %parallel_loop3A_368 = arith.constant 0 : i32
        %parallel_loop3A_369 = arith.constant 0 : i32
        %parallel_loop3A_370 = tpu.memref_slice %arg9[%parallel_loop3A_198, %parallel_loop3A_368, %parallel_loop3A_369] : memref<4x8x1024xf32, #tpu.memory_space<vmem>> -> memref<1x8x1024xf32, #tpu.memory_space<vmem>>
        %parallel_loop3A_371 = tpu.memref_squeeze %parallel_loop3A_370 : memref<1x8x1024xf32, #tpu.memory_space<vmem>> -> memref<8x1024xf32, #tpu.memory_space<vmem>>
        tpu.vector_store_idx %parallel_loop3A_371[%parallel_loop3A_337, %parallel_loop3A_366], %parallel_loop3A_367 : memref<8x1024xf32, #tpu.memory_space<vmem>>[vector<16xi32>, vector<16xi32>], vector<16xf32>,
        %parallel_loop3A_372 = arith.constant 32 : i32
        %parallel_loop3A_373 = vector.broadcast %parallel_loop3A_372 : i32 to vector<16xi32>
        %parallel_loop3A_374 = arith.addi %parallel_loop3A_373, %iota3A : vector<16xi32>
        %parallel_loop3A_375 = arith.constant 0 : i32
        %parallel_loop3A_376 = arith.constant 0 : i32
        %parallel_loop3A_377 = tpu.memref_slice %arg8[%parallel_loop3A_197, %parallel_loop3A_375, %parallel_loop3A_376] : memref<4x128x64xf32, #tpu.memory_space<vmem>> -> memref<1x128x64xf32, #tpu.memory_space<vmem>>
        %parallel_loop3A_378 = tpu.memref_squeeze %parallel_loop3A_377 : memref<1x128x64xf32, #tpu.memory_space<vmem>> -> memref<128x64xf32, #tpu.memory_space<vmem>>
        %parallel_loop3A_379 = tpu.vector_load_idx %parallel_loop3A_378[%parallel_loop3A_374, %parallel_loop3A_333] : memref<128x64xf32, #tpu.memory_space<vmem>>[vector<16xi32>, vector<16xi32>], vector<16xf32>,
        %parallel_loop3A_380 = arith.addi %parallel_loop3A_343, %parallel_loop3A_374 : vector<16xi32>
        %parallel_loop3A_381 = arith.addf %parallel_loop3A_379, %parallel_loop3A_334 : vector<16xf32>
        %parallel_loop3A_382 = arith.constant 0 : i32
        %parallel_loop3A_383 = arith.constant 0 : i32
        %parallel_loop3A_384 = tpu.memref_slice %arg9[%parallel_loop3A_198, %parallel_loop3A_382, %parallel_loop3A_383] : memref<4x8x1024xf32, #tpu.memory_space<vmem>> -> memref<1x8x1024xf32, #tpu.memory_space<vmem>>
        %parallel_loop3A_385 = tpu.memref_squeeze %parallel_loop3A_384 : memref<1x8x1024xf32, #tpu.memory_space<vmem>> -> memref<8x1024xf32, #tpu.memory_space<vmem>>
        tpu.vector_store_idx %parallel_loop3A_385[%parallel_loop3A_337, %parallel_loop3A_380], %parallel_loop3A_381 : memref<8x1024xf32, #tpu.memory_space<vmem>>[vector<16xi32>, vector<16xi32>], vector<16xf32>,
        %parallel_loop3A_386 = arith.constant 48 : i32
        %parallel_loop3A_387 = vector.broadcast %parallel_loop3A_386 : i32 to vector<16xi32>
        %parallel_loop3A_388 = arith.addi %parallel_loop3A_387, %iota3A : vector<16xi32>
        %parallel_loop3A_389 = arith.constant 0 : i32
        %parallel_loop3A_390 = arith.constant 0 : i32
        %parallel_loop3A_391 = tpu.memref_slice %arg8[%parallel_loop3A_197, %parallel_loop3A_389, %parallel_loop3A_390] : memref<4x128x64xf32, #tpu.memory_space<vmem>> -> memref<1x128x64xf32, #tpu.memory_space<vmem>>
        %parallel_loop3A_392 = tpu.memref_squeeze %parallel_loop3A_391 : memref<1x128x64xf32, #tpu.memory_space<vmem>> -> memref<128x64xf32, #tpu.memory_space<vmem>>
        %parallel_loop3A_393 = tpu.vector_load_idx %parallel_loop3A_392[%parallel_loop3A_388, %parallel_loop3A_333] : memref<128x64xf32, #tpu.memory_space<vmem>>[vector<16xi32>, vector<16xi32>], vector<16xf32>,
        %parallel_loop3A_394 = arith.addi %parallel_loop3A_343, %parallel_loop3A_388 : vector<16xi32>
        %parallel_loop3A_395 = arith.addf %parallel_loop3A_393, %parallel_loop3A_334 : vector<16xf32>
        %parallel_loop3A_396 = arith.constant 0 : i32
        %parallel_loop3A_397 = arith.constant 0 : i32
        %parallel_loop3A_398 = tpu.memref_slice %arg9[%parallel_loop3A_198, %parallel_loop3A_396, %parallel_loop3A_397] : memref<4x8x1024xf32, #tpu.memory_space<vmem>> -> memref<1x8x1024xf32, #tpu.memory_space<vmem>>
        %parallel_loop3A_399 = tpu.memref_squeeze %parallel_loop3A_398 : memref<1x8x1024xf32, #tpu.memory_space<vmem>> -> memref<8x1024xf32, #tpu.memory_space<vmem>>
        tpu.vector_store_idx %parallel_loop3A_399[%parallel_loop3A_337, %parallel_loop3A_394], %parallel_loop3A_395 : memref<8x1024xf32, #tpu.memory_space<vmem>>[vector<16xi32>, vector<16xi32>], vector<16xf32>,
        %parallel_loop3A_400 = arith.constant 64 : i32
        %parallel_loop3A_401 = vector.broadcast %parallel_loop3A_400 : i32 to vector<16xi32>
        %parallel_loop3A_402 = arith.addi %parallel_loop3A_401, %iota3A : vector<16xi32>
        %parallel_loop3A_403 = arith.constant 0 : i32
        %parallel_loop3A_404 = arith.constant 0 : i32
        %parallel_loop3A_405 = tpu.memref_slice %arg8[%parallel_loop3A_197, %parallel_loop3A_403, %parallel_loop3A_404] : memref<4x128x64xf32, #tpu.memory_space<vmem>> -> memref<1x128x64xf32, #tpu.memory_space<vmem>>
        %parallel_loop3A_406 = tpu.memref_squeeze %parallel_loop3A_405 : memref<1x128x64xf32, #tpu.memory_space<vmem>> -> memref<128x64xf32, #tpu.memory_space<vmem>>
        %parallel_loop3A_407 = tpu.vector_load_idx %parallel_loop3A_406[%parallel_loop3A_402, %parallel_loop3A_333] : memref<128x64xf32, #tpu.memory_space<vmem>>[vector<16xi32>, vector<16xi32>], vector<16xf32>,
        %parallel_loop3A_408 = arith.addi %parallel_loop3A_343, %parallel_loop3A_402 : vector<16xi32>
        %parallel_loop3A_409 = arith.addf %parallel_loop3A_407, %parallel_loop3A_334 : vector<16xf32>
        %parallel_loop3A_410 = arith.constant 0 : i32
        %parallel_loop3A_411 = arith.constant 0 : i32
        %parallel_loop3A_412 = tpu.memref_slice %arg9[%parallel_loop3A_198, %parallel_loop3A_410, %parallel_loop3A_411] : memref<4x8x1024xf32, #tpu.memory_space<vmem>> -> memref<1x8x1024xf32, #tpu.memory_space<vmem>>
        %parallel_loop3A_413 = tpu.memref_squeeze %parallel_loop3A_412 : memref<1x8x1024xf32, #tpu.memory_space<vmem>> -> memref<8x1024xf32, #tpu.memory_space<vmem>>
        tpu.vector_store_idx %parallel_loop3A_413[%parallel_loop3A_337, %parallel_loop3A_408], %parallel_loop3A_409 : memref<8x1024xf32, #tpu.memory_space<vmem>>[vector<16xi32>, vector<16xi32>], vector<16xf32>,
        %parallel_loop3A_414 = arith.constant 80 : i32
        %parallel_loop3A_415 = vector.broadcast %parallel_loop3A_414 : i32 to vector<16xi32>
        %parallel_loop3A_416 = arith.addi %parallel_loop3A_415, %iota3A : vector<16xi32>
        %parallel_loop3A_417 = arith.constant 0 : i32
        %parallel_loop3A_418 = arith.constant 0 : i32
        %parallel_loop3A_419 = tpu.memref_slice %arg8[%parallel_loop3A_197, %parallel_loop3A_417, %parallel_loop3A_418] : memref<4x128x64xf32, #tpu.memory_space<vmem>> -> memref<1x128x64xf32, #tpu.memory_space<vmem>>
        %parallel_loop3A_420 = tpu.memref_squeeze %parallel_loop3A_419 : memref<1x128x64xf32, #tpu.memory_space<vmem>> -> memref<128x64xf32, #tpu.memory_space<vmem>>
        %parallel_loop3A_421 = tpu.vector_load_idx %parallel_loop3A_420[%parallel_loop3A_416, %parallel_loop3A_333] : memref<128x64xf32, #tpu.memory_space<vmem>>[vector<16xi32>, vector<16xi32>], vector<16xf32>,
        %parallel_loop3A_422 = arith.addi %parallel_loop3A_343, %parallel_loop3A_416 : vector<16xi32>
        %parallel_loop3A_423 = arith.addf %parallel_loop3A_421, %parallel_loop3A_334 : vector<16xf32>
        %parallel_loop3A_424 = arith.constant 0 : i32
        %parallel_loop3A_425 = arith.constant 0 : i32
        %parallel_loop3A_426 = tpu.memref_slice %arg9[%parallel_loop3A_198, %parallel_loop3A_424, %parallel_loop3A_425] : memref<4x8x1024xf32, #tpu.memory_space<vmem>> -> memref<1x8x1024xf32, #tpu.memory_space<vmem>>
        %parallel_loop3A_427 = tpu.memref_squeeze %parallel_loop3A_426 : memref<1x8x1024xf32, #tpu.memory_space<vmem>> -> memref<8x1024xf32, #tpu.memory_space<vmem>>
        tpu.vector_store_idx %parallel_loop3A_427[%parallel_loop3A_337, %parallel_loop3A_422], %parallel_loop3A_423 : memref<8x1024xf32, #tpu.memory_space<vmem>>[vector<16xi32>, vector<16xi32>], vector<16xf32>,
        %parallel_loop3A_428 = arith.constant 96 : i32
        %parallel_loop3A_429 = vector.broadcast %parallel_loop3A_428 : i32 to vector<16xi32>
        %parallel_loop3A_430 = arith.addi %parallel_loop3A_429, %iota3A : vector<16xi32>
        %parallel_loop3A_431 = arith.constant 0 : i32
        %parallel_loop3A_432 = arith.constant 0 : i32
        %parallel_loop3A_433 = tpu.memref_slice %arg8[%parallel_loop3A_197, %parallel_loop3A_431, %parallel_loop3A_432] : memref<4x128x64xf32, #tpu.memory_space<vmem>> -> memref<1x128x64xf32, #tpu.memory_space<vmem>>
        %parallel_loop3A_434 = tpu.memref_squeeze %parallel_loop3A_433 : memref<1x128x64xf32, #tpu.memory_space<vmem>> -> memref<128x64xf32, #tpu.memory_space<vmem>>
        %parallel_loop3A_435 = tpu.vector_load_idx %parallel_loop3A_434[%parallel_loop3A_430, %parallel_loop3A_333] : memref<128x64xf32, #tpu.memory_space<vmem>>[vector<16xi32>, vector<16xi32>], vector<16xf32>,
        %parallel_loop3A_436 = arith.addi %parallel_loop3A_343, %parallel_loop3A_430 : vector<16xi32>
        %parallel_loop3A_437 = arith.addf %parallel_loop3A_435, %parallel_loop3A_334 : vector<16xf32>
        %parallel_loop3A_438 = arith.constant 0 : i32
        %parallel_loop3A_439 = arith.constant 0 : i32
        %parallel_loop3A_440 = tpu.memref_slice %arg9[%parallel_loop3A_198, %parallel_loop3A_438, %parallel_loop3A_439] : memref<4x8x1024xf32, #tpu.memory_space<vmem>> -> memref<1x8x1024xf32, #tpu.memory_space<vmem>>
        %parallel_loop3A_441 = tpu.memref_squeeze %parallel_loop3A_440 : memref<1x8x1024xf32, #tpu.memory_space<vmem>> -> memref<8x1024xf32, #tpu.memory_space<vmem>>
        tpu.vector_store_idx %parallel_loop3A_441[%parallel_loop3A_337, %parallel_loop3A_436], %parallel_loop3A_437 : memref<8x1024xf32, #tpu.memory_space<vmem>>[vector<16xi32>, vector<16xi32>], vector<16xf32>,
        %parallel_loop3A_442 = arith.constant 112 : i32
        %parallel_loop3A_443 = vector.broadcast %parallel_loop3A_442 : i32 to vector<16xi32>
        %parallel_loop3A_444 = arith.addi %parallel_loop3A_443, %iota3A : vector<16xi32>
        %parallel_loop3A_445 = arith.constant 0 : i32
        %parallel_loop3A_446 = arith.constant 0 : i32
        %parallel_loop3A_447 = tpu.memref_slice %arg8[%parallel_loop3A_197, %parallel_loop3A_445, %parallel_loop3A_446] : memref<4x128x64xf32, #tpu.memory_space<vmem>> -> memref<1x128x64xf32, #tpu.memory_space<vmem>>
        %parallel_loop3A_448 = tpu.memref_squeeze %parallel_loop3A_447 : memref<1x128x64xf32, #tpu.memory_space<vmem>> -> memref<128x64xf32, #tpu.memory_space<vmem>>
        %parallel_loop3A_449 = tpu.vector_load_idx %parallel_loop3A_448[%parallel_loop3A_444, %parallel_loop3A_333] : memref<128x64xf32, #tpu.memory_space<vmem>>[vector<16xi32>, vector<16xi32>], vector<16xf32>,
        %parallel_loop3A_450 = arith.addi %parallel_loop3A_343, %parallel_loop3A_444 : vector<16xi32>
        %parallel_loop3A_451 = arith.addf %parallel_loop3A_449, %parallel_loop3A_334 : vector<16xf32>
        %parallel_loop3A_452 = arith.constant 0 : i32
        %parallel_loop3A_453 = arith.constant 0 : i32
        %parallel_loop3A_454 = tpu.memref_slice %arg9[%parallel_loop3A_198, %parallel_loop3A_452, %parallel_loop3A_453] : memref<4x8x1024xf32, #tpu.memory_space<vmem>> -> memref<1x8x1024xf32, #tpu.memory_space<vmem>>
        %parallel_loop3A_455 = tpu.memref_squeeze %parallel_loop3A_454 : memref<1x8x1024xf32, #tpu.memory_space<vmem>> -> memref<8x1024xf32, #tpu.memory_space<vmem>>
        tpu.vector_store_idx %parallel_loop3A_455[%parallel_loop3A_337, %parallel_loop3A_450], %parallel_loop3A_451 : memref<8x1024xf32, #tpu.memory_space<vmem>>[vector<16xi32>, vector<16xi32>], vector<16xf32>,
      } {sc.loop_unroll_factor = 1 : i64, sc.parallel_access}
      %dma_start3A_199 = arith.constant 1 : i32
      %dma_start3A_200 = arith.constant 0 : i32
      %dma_start3A_201 = arith.constant 0 : i32
      %dma_start3A_202 = tpu.memref_slice %arg9[%dma_start3A_199, %dma_start3A_200, %dma_start3A_201] : memref<4x8x1024xf32, #tpu.memory_space<vmem>> -> memref<1x8x1024xf32, #tpu.memory_space<vmem>>
      %dma_start3A_203 = tpu.memref_squeeze %dma_start3A_202 : memref<1x8x1024xf32, #tpu.memory_space<vmem>> -> memref<8x1024xf32, #tpu.memory_space<vmem>>
      %dma_start3A_204 = arith.constant 0 : i32
      %dma_start3A_205 = arith.constant 0 : i32
      %dma_start3A_206 = tpu.memref_slice %arg5[%add3A_175, %dma_start3A_204, %add3A, %dma_start3A_205] : memref<200x8x32x1024xf32, #tpu.memory_space<hbm>> -> memref<1x8x1x1024xf32, #tpu.memory_space<hbm>>
      %dma_start3A_207 = tpu.memref_squeeze %dma_start3A_206 : memref<1x8x1x1024xf32, #tpu.memory_space<hbm>> -> memref<8x1024xf32, #tpu.memory_space<hbm>>
      %dma_start3A_208 = arith.constant 0 : i32
      %dma_start3A_209 = arith.constant 0 : i32
      %dma_start3A_210 = tpu.memref_slice %arg5[%add3A_175, %dma_start3A_208, %add3A, %dma_start3A_209] : memref<200x8x32x1024xf32, #tpu.memory_space<hbm>> -> memref<1x8x1x1024xf32, #tpu.memory_space<hbm>>
      %dma_start3A_211 = tpu.memref_squeeze %dma_start3A_210 : memref<1x8x1x1024xf32, #tpu.memory_space<hbm>> -> memref<8x1024xf32, #tpu.memory_space<hbm>>
      %dma_start3A_212 = arith.constant 0 : i32
      %dma_start3A_213 = arith.constant 0 : i32
      %dma_start3A_214 = tpu.memref_slice %arg9[%dma_start3A_199, %dma_start3A_212, %dma_start3A_213] : memref<4x8x1024xf32, #tpu.memory_space<vmem>> -> memref<1x8x1024xf32, #tpu.memory_space<vmem>>
      %dma_start3A_215 = tpu.memref_squeeze %dma_start3A_214 : memref<1x8x1024xf32, #tpu.memory_space<vmem>> -> memref<8x1024xf32, #tpu.memory_space<vmem>>
      tpu.enqueue_dma source(%dma_start3A_215 : memref<8x1024xf32, #tpu.memory_space<vmem>>) target(%dma_start3A_211 : memref<8x1024xf32, #tpu.memory_space<hbm>>) target_semaphore(%arg15 : memref<!tpu.dma_semaphore, #tpu.memory_space<semaphore_mem>>)
      %add3A_216 = arith.constant 4 : i32
      %add3A_217 = arith.addi %add3A_175, %add3A_216 : i32
      %lt3A_218 = arith.constant 200 : i32
      %lt3A_219 = arith.cmpi slt, %add3A_217, %lt3A_218 : i32
      %convert_element_type3A_220 = arith.extui %lt3A_219 : i1 to i32
      %cond3A_221 = arith.constant 1 : i32
      %cond3A_222 = arith.constant 0 : i32
      %cond3A_223 = arith.cmpi ne, %convert_element_type3A_220, %cond3A_222 : i32
      scf.if %cond3A_223 {
        %add3A_324 = arith.constant 4 : i32
        %add3A_325 = arith.addi %add3A_175, %add3A_324 : i32
        %dma_start3A_326 = arith.constant 0 : i32
        %dma_start3A_327 = arith.constant 0 : i32
        %dma_start3A_328 = tpu.memref_slice %arg8[%cond3A_221, %dma_start3A_326, %dma_start3A_327] : memref<4x128x64xf32, #tpu.memory_space<vmem>> -> memref<1x128x64xf32, #tpu.memory_space<vmem>>
        %dma_start3A_329 = tpu.memref_squeeze %dma_start3A_328 : memref<1x128x64xf32, #tpu.memory_space<vmem>> -> memref<128x64xf32, #tpu.memory_space<vmem>>
        %dma_start3A_330 = arith.constant 0 : i32
        %dma_start3A_331 = tpu.memref_slice %arg6[%add3A_325, %dma_start3A_330] : memref<200x128xi32, #tpu.memory_space<vmem>> -> memref<1x128xi32, #tpu.memory_space<vmem>>
        %dma_start3A_332 = tpu.memref_squeeze %dma_start3A_331 : memref<1x128xi32, #tpu.memory_space<vmem>> -> memref<128xi32, #tpu.memory_space<vmem>>
        %dma_start3A_333 = arith.constant 0 : i32
        %dma_start3A_334 = arith.constant 0 : i32
        %dma_start3A_335 = tpu.memref_slice %arg3[%dma_start3A_333, %dma_start3A_334] : memref<100096x64xf32, #tpu.memory_space<hbm>> -> memref<100096x64xf32, #tpu.memory_space<hbm>>
        tpu.enqueue_indirect_dma source(%dma_start3A_335 : memref<100096x64xf32, #tpu.memory_space<hbm>>) target(%dma_start3A_329 : memref<128x64xf32, #tpu.memory_space<vmem>>) offsets(%dma_start3A_332 : memref<128xi32, #tpu.memory_space<vmem>>) semaphore(%arg11 : memref<!tpu.dma_semaphore, #tpu.memory_space<semaphore_mem>>)
      } else {
      }
      %add3A_224 = arith.constant 2 : i32
      %add3A_225 = arith.addi %add3A_129, %add3A_224 : i32
      %dma_wait3A_226 = arith.constant 2 : i32
      %dma_wait3A_227 = arith.constant 0 : i32
      %dma_wait3A_228 = arith.constant 0 : i32
      %dma_wait3A_229 = tpu.memref_slice %arg8[%dma_wait3A_226, %dma_wait3A_227, %dma_wait3A_228] : memref<4x128x64xf32, #tpu.memory_space<vmem>> -> memref<1x128x64xf32, #tpu.memory_space<vmem>>
      %dma_wait3A_230 = tpu.memref_squeeze %dma_wait3A_229 : memref<1x128x64xf32, #tpu.memory_space<vmem>> -> memref<128x64xf32, #tpu.memory_space<vmem>>
      %dma_wait3A_231 = arith.constant 0 : i32
      %dma_wait3A_232 = tpu.memref_slice %arg6[%add3A_225, %dma_wait3A_231] : memref<200x128xi32, #tpu.memory_space<vmem>> -> memref<1x128xi32, #tpu.memory_space<vmem>>
      %dma_wait3A_233 = tpu.memref_squeeze %dma_wait3A_232 : memref<1x128xi32, #tpu.memory_space<vmem>> -> memref<128xi32, #tpu.memory_space<vmem>>
      %dma_wait3A_234 = arith.constant 0 : i32
      %dma_wait3A_235 = arith.constant 0 : i32
      %dma_wait3A_236 = tpu.memref_slice %arg3[%dma_wait3A_234, %dma_wait3A_235] : memref<100096x64xf32, #tpu.memory_space<hbm>> -> memref<100096x64xf32, #tpu.memory_space<hbm>>
      tpu.wait_indirect_dma semaphore(%arg12 : memref<!tpu.dma_semaphore, #tpu.memory_space<semaphore_mem>>) src(%dma_wait3A_236 : memref<100096x64xf32, #tpu.memory_space<hbm>>) dst(%dma_wait3A_230 : memref<128x64xf32, #tpu.memory_space<vmem>>)
      %ge3A_237 = arith.constant 4 : i32
      %ge3A_238 = arith.cmpi sge, %add3A_225, %ge3A_237 : i32
      %convert_element_type3A_239 = arith.extui %ge3A_238 : i1 to i32
      %cond3A_240 = arith.constant 2 : i32
      %cond3A_241 = arith.constant 0 : i32
      %cond3A_242 = arith.cmpi ne, %convert_element_type3A_239, %cond3A_241 : i32
      scf.if %cond3A_242 {
        %sub3A = arith.constant 4 : i32
        %sub3A_324 = arith.subi %add3A_225, %sub3A : i32
        %dma_wait3A_325 = arith.constant 0 : i32
        %dma_wait3A_326 = arith.constant 0 : i32
        %dma_wait3A_327 = tpu.memref_slice %arg9[%cond3A_240, %dma_wait3A_325, %dma_wait3A_326] : memref<4x8x1024xf32, #tpu.memory_space<vmem>> -> memref<1x8x1024xf32, #tpu.memory_space<vmem>>
        %dma_wait3A_328 = tpu.memref_squeeze %dma_wait3A_327 : memref<1x8x1024xf32, #tpu.memory_space<vmem>> -> memref<8x1024xf32, #tpu.memory_space<vmem>>
        %dma_wait3A_329 = arith.constant 0 : i32
        %dma_wait3A_330 = arith.constant 0 : i32
        %dma_wait3A_331 = tpu.memref_slice %arg5[%sub3A_324, %dma_wait3A_329, %add3A, %dma_wait3A_330] : memref<200x8x32x1024xf32, #tpu.memory_space<hbm>> -> memref<1x8x1x1024xf32, #tpu.memory_space<hbm>>
        %dma_wait3A_332 = tpu.memref_squeeze %dma_wait3A_331 : memref<1x8x1x1024xf32, #tpu.memory_space<hbm>> -> memref<8x1024xf32, #tpu.memory_space<hbm>>
        %dma_wait3A_333 = arith.constant 0 : i32
        %dma_wait3A_334 = arith.constant 0 : i32
        %dma_wait3A_335 = tpu.memref_slice %arg5[%sub3A_324, %dma_wait3A_333, %add3A, %dma_wait3A_334] : memref<200x8x32x1024xf32, #tpu.memory_space<hbm>> -> memref<1x8x1x1024xf32, #tpu.memory_space<hbm>>
        %dma_wait3A_336 = tpu.memref_squeeze %dma_wait3A_335 : memref<1x8x1x1024xf32, #tpu.memory_space<hbm>> -> memref<8x1024xf32, #tpu.memory_space<hbm>>
        %dma_wait3A_337 = arith.constant 0 : i32
        %dma_wait3A_338 = arith.constant 0 : i32
        %dma_wait3A_339 = tpu.memref_slice %arg9[%cond3A_240, %dma_wait3A_337, %dma_wait3A_338] : memref<4x8x1024xf32, #tpu.memory_space<vmem>> -> memref<1x8x1024xf32, #tpu.memory_space<vmem>>
        %dma_wait3A_340 = tpu.memref_squeeze %dma_wait3A_339 : memref<1x8x1024xf32, #tpu.memory_space<vmem>> -> memref<8x1024xf32, #tpu.memory_space<vmem>>
        tpu.wait_dma2 semaphore(%arg16 : memref<!tpu.dma_semaphore, #tpu.memory_space<semaphore_mem>>) src(%dma_wait3A_340 : memref<8x1024xf32, #tpu.memory_space<vmem>>) dst(%dma_wait3A_336 : memref<8x1024xf32, #tpu.memory_space<hbm>>)
      } else {
      }
      %broadcast_in_dim3A_243 = vector.broadcast %add3A_225 : i32 to vector<16xi32>
      %parallel_loop3A_244 = arith.constant 0 : i32
      %parallel_loop3A_245 = arith.constant 64 : i32
      %parallel_loop3A_246 = arith.constant 1 : i32
      %parallel_loop3A_247 = arith.constant 2 : i32
      %parallel_loop3A_248 = arith.constant 2 : i32
      scf.for %parallel_loop3A_324 = %parallel_loop3A_244 to %parallel_loop3A_245 step %parallel_loop3A_246  : i32 {
        %parallel_loop3A_325 = arith.constant -16 : i32
        %parallel_loop3A_326 = arith.andi %parallel_loop3A_324, %parallel_loop3A_325 : i32
        %parallel_loop3A_327 = vector.broadcast %parallel_loop3A_324 : i32 to vector<16xi32>
        %parallel_loop3A_328 = arith.addi %parallel_loop3A_327, %iota3A : vector<16xi32>
        %parallel_loop3A_329 = arith.constant 15 : i32
        %parallel_loop3A_330 = vector.broadcast %parallel_loop3A_329 : i32 to vector<16xi32>
        %parallel_loop3A_331 = arith.andi %parallel_loop3A_328, %parallel_loop3A_330 : vector<16xi32>
        %parallel_loop3A_332 = vector.broadcast %parallel_loop3A_326 : i32 to vector<16xi32>
        %parallel_loop3A_333 = arith.ori %parallel_loop3A_332, %parallel_loop3A_331 : vector<16xi32>
        %parallel_loop3A_334 = tpu.vector_load_idx %arg7[%broadcast_in_dim3A_243, %parallel_loop3A_333] : memref<200x64xf32, #tpu.memory_space<vmem>>[vector<16xi32>, vector<16xi32>], vector<16xf32>,
        %parallel_loop3A_335 = arith.constant 3 : i32
        %parallel_loop3A_336 = vector.broadcast %parallel_loop3A_335 : i32 to vector<16xi32>
        %parallel_loop3A_337 = arith.shrsi %parallel_loop3A_333, %parallel_loop3A_336 : vector<16xi32>
        %parallel_loop3A_338 = arith.constant 7 : i32
        %parallel_loop3A_339 = vector.broadcast %parallel_loop3A_338 : i32 to vector<16xi32>
        %parallel_loop3A_340 = arith.andi %parallel_loop3A_333, %parallel_loop3A_339 : vector<16xi32>
        %parallel_loop3A_341 = arith.constant 7 : i32
        %parallel_loop3A_342 = vector.broadcast %parallel_loop3A_341 : i32 to vector<16xi32>
        %parallel_loop3A_343 = arith.shli %parallel_loop3A_340, %parallel_loop3A_342 : vector<16xi32>
        %parallel_loop3A_344 = arith.constant 0 : i32
        %parallel_loop3A_345 = vector.broadcast %parallel_loop3A_344 : i32 to vector<16xi32>
        %parallel_loop3A_346 = arith.addi %parallel_loop3A_345, %iota3A : vector<16xi32>
        %parallel_loop3A_347 = arith.constant 0 : i32
        %parallel_loop3A_348 = arith.constant 0 : i32
        %parallel_loop3A_349 = tpu.memref_slice %arg8[%parallel_loop3A_247, %parallel_loop3A_347, %parallel_loop3A_348] : memref<4x128x64xf32, #tpu.memory_space<vmem>> -> memref<1x128x64xf32, #tpu.memory_space<vmem>>
        %parallel_loop3A_350 = tpu.memref_squeeze %parallel_loop3A_349 : memref<1x128x64xf32, #tpu.memory_space<vmem>> -> memref<128x64xf32, #tpu.memory_space<vmem>>
        %parallel_loop3A_351 = tpu.vector_load_idx %parallel_loop3A_350[%parallel_loop3A_346, %parallel_loop3A_333] : memref<128x64xf32, #tpu.memory_space<vmem>>[vector<16xi32>, vector<16xi32>], vector<16xf32>,
        %parallel_loop3A_352 = arith.addi %parallel_loop3A_343, %parallel_loop3A_346 : vector<16xi32>
        %parallel_loop3A_353 = arith.addf %parallel_loop3A_351, %parallel_loop3A_334 : vector<16xf32>
        %parallel_loop3A_354 = arith.constant 0 : i32
        %parallel_loop3A_355 = arith.constant 0 : i32
        %parallel_loop3A_356 = tpu.memref_slice %arg9[%parallel_loop3A_248, %parallel_loop3A_354, %parallel_loop3A_355] : memref<4x8x1024xf32, #tpu.memory_space<vmem>> -> memref<1x8x1024xf32, #tpu.memory_space<vmem>>
        %parallel_loop3A_357 = tpu.memref_squeeze %parallel_loop3A_356 : memref<1x8x1024xf32, #tpu.memory_space<vmem>> -> memref<8x1024xf32, #tpu.memory_space<vmem>>
        tpu.vector_store_idx %parallel_loop3A_357[%parallel_loop3A_337, %parallel_loop3A_352], %parallel_loop3A_353 : memref<8x1024xf32, #tpu.memory_space<vmem>>[vector<16xi32>, vector<16xi32>], vector<16xf32>,
        %parallel_loop3A_358 = arith.constant 16 : i32
        %parallel_loop3A_359 = vector.broadcast %parallel_loop3A_358 : i32 to vector<16xi32>
        %parallel_loop3A_360 = arith.addi %parallel_loop3A_359, %iota3A : vector<16xi32>
        %parallel_loop3A_361 = arith.constant 0 : i32
        %parallel_loop3A_362 = arith.constant 0 : i32
        %parallel_loop3A_363 = tpu.memref_slice %arg8[%parallel_loop3A_247, %parallel_loop3A_361, %parallel_loop3A_362] : memref<4x128x64xf32, #tpu.memory_space<vmem>> -> memref<1x128x64xf32, #tpu.memory_space<vmem>>
        %parallel_loop3A_364 = tpu.memref_squeeze %parallel_loop3A_363 : memref<1x128x64xf32, #tpu.memory_space<vmem>> -> memref<128x64xf32, #tpu.memory_space<vmem>>
        %parallel_loop3A_365 = tpu.vector_load_idx %parallel_loop3A_364[%parallel_loop3A_360, %parallel_loop3A_333] : memref<128x64xf32, #tpu.memory_space<vmem>>[vector<16xi32>, vector<16xi32>], vector<16xf32>,
        %parallel_loop3A_366 = arith.addi %parallel_loop3A_343, %parallel_loop3A_360 : vector<16xi32>
        %parallel_loop3A_367 = arith.addf %parallel_loop3A_365, %parallel_loop3A_334 : vector<16xf32>
        %parallel_loop3A_368 = arith.constant 0 : i32
        %parallel_loop3A_369 = arith.constant 0 : i32
        %parallel_loop3A_370 = tpu.memref_slice %arg9[%parallel_loop3A_248, %parallel_loop3A_368, %parallel_loop3A_369] : memref<4x8x1024xf32, #tpu.memory_space<vmem>> -> memref<1x8x1024xf32, #tpu.memory_space<vmem>>
        %parallel_loop3A_371 = tpu.memref_squeeze %parallel_loop3A_370 : memref<1x8x1024xf32, #tpu.memory_space<vmem>> -> memref<8x1024xf32, #tpu.memory_space<vmem>>
        tpu.vector_store_idx %parallel_loop3A_371[%parallel_loop3A_337, %parallel_loop3A_366], %parallel_loop3A_367 : memref<8x1024xf32, #tpu.memory_space<vmem>>[vector<16xi32>, vector<16xi32>], vector<16xf32>,
        %parallel_loop3A_372 = arith.constant 32 : i32
        %parallel_loop3A_373 = vector.broadcast %parallel_loop3A_372 : i32 to vector<16xi32>
        %parallel_loop3A_374 = arith.addi %parallel_loop3A_373, %iota3A : vector<16xi32>
        %parallel_loop3A_375 = arith.constant 0 : i32
        %parallel_loop3A_376 = arith.constant 0 : i32
        %parallel_loop3A_377 = tpu.memref_slice %arg8[%parallel_loop3A_247, %parallel_loop3A_375, %parallel_loop3A_376] : memref<4x128x64xf32, #tpu.memory_space<vmem>> -> memref<1x128x64xf32, #tpu.memory_space<vmem>>
        %parallel_loop3A_378 = tpu.memref_squeeze %parallel_loop3A_377 : memref<1x128x64xf32, #tpu.memory_space<vmem>> -> memref<128x64xf32, #tpu.memory_space<vmem>>
        %parallel_loop3A_379 = tpu.vector_load_idx %parallel_loop3A_378[%parallel_loop3A_374, %parallel_loop3A_333] : memref<128x64xf32, #tpu.memory_space<vmem>>[vector<16xi32>, vector<16xi32>], vector<16xf32>,
        %parallel_loop3A_380 = arith.addi %parallel_loop3A_343, %parallel_loop3A_374 : vector<16xi32>
        %parallel_loop3A_381 = arith.addf %parallel_loop3A_379, %parallel_loop3A_334 : vector<16xf32>
        %parallel_loop3A_382 = arith.constant 0 : i32
        %parallel_loop3A_383 = arith.constant 0 : i32
        %parallel_loop3A_384 = tpu.memref_slice %arg9[%parallel_loop3A_248, %parallel_loop3A_382, %parallel_loop3A_383] : memref<4x8x1024xf32, #tpu.memory_space<vmem>> -> memref<1x8x1024xf32, #tpu.memory_space<vmem>>
        %parallel_loop3A_385 = tpu.memref_squeeze %parallel_loop3A_384 : memref<1x8x1024xf32, #tpu.memory_space<vmem>> -> memref<8x1024xf32, #tpu.memory_space<vmem>>
        tpu.vector_store_idx %parallel_loop3A_385[%parallel_loop3A_337, %parallel_loop3A_380], %parallel_loop3A_381 : memref<8x1024xf32, #tpu.memory_space<vmem>>[vector<16xi32>, vector<16xi32>], vector<16xf32>,
        %parallel_loop3A_386 = arith.constant 48 : i32
        %parallel_loop3A_387 = vector.broadcast %parallel_loop3A_386 : i32 to vector<16xi32>
        %parallel_loop3A_388 = arith.addi %parallel_loop3A_387, %iota3A : vector<16xi32>
        %parallel_loop3A_389 = arith.constant 0 : i32
        %parallel_loop3A_390 = arith.constant 0 : i32
        %parallel_loop3A_391 = tpu.memref_slice %arg8[%parallel_loop3A_247, %parallel_loop3A_389, %parallel_loop3A_390] : memref<4x128x64xf32, #tpu.memory_space<vmem>> -> memref<1x128x64xf32, #tpu.memory_space<vmem>>
        %parallel_loop3A_392 = tpu.memref_squeeze %parallel_loop3A_391 : memref<1x128x64xf32, #tpu.memory_space<vmem>> -> memref<128x64xf32, #tpu.memory_space<vmem>>
        %parallel_loop3A_393 = tpu.vector_load_idx %parallel_loop3A_392[%parallel_loop3A_388, %parallel_loop3A_333] : memref<128x64xf32, #tpu.memory_space<vmem>>[vector<16xi32>, vector<16xi32>], vector<16xf32>,
        %parallel_loop3A_394 = arith.addi %parallel_loop3A_343, %parallel_loop3A_388 : vector<16xi32>
        %parallel_loop3A_395 = arith.addf %parallel_loop3A_393, %parallel_loop3A_334 : vector<16xf32>
        %parallel_loop3A_396 = arith.constant 0 : i32
        %parallel_loop3A_397 = arith.constant 0 : i32
        %parallel_loop3A_398 = tpu.memref_slice %arg9[%parallel_loop3A_248, %parallel_loop3A_396, %parallel_loop3A_397] : memref<4x8x1024xf32, #tpu.memory_space<vmem>> -> memref<1x8x1024xf32, #tpu.memory_space<vmem>>
        %parallel_loop3A_399 = tpu.memref_squeeze %parallel_loop3A_398 : memref<1x8x1024xf32, #tpu.memory_space<vmem>> -> memref<8x1024xf32, #tpu.memory_space<vmem>>
        tpu.vector_store_idx %parallel_loop3A_399[%parallel_loop3A_337, %parallel_loop3A_394], %parallel_loop3A_395 : memref<8x1024xf32, #tpu.memory_space<vmem>>[vector<16xi32>, vector<16xi32>], vector<16xf32>,
        %parallel_loop3A_400 = arith.constant 64 : i32
        %parallel_loop3A_401 = vector.broadcast %parallel_loop3A_400 : i32 to vector<16xi32>
        %parallel_loop3A_402 = arith.addi %parallel_loop3A_401, %iota3A : vector<16xi32>
        %parallel_loop3A_403 = arith.constant 0 : i32
        %parallel_loop3A_404 = arith.constant 0 : i32
        %parallel_loop3A_405 = tpu.memref_slice %arg8[%parallel_loop3A_247, %parallel_loop3A_403, %parallel_loop3A_404] : memref<4x128x64xf32, #tpu.memory_space<vmem>> -> memref<1x128x64xf32, #tpu.memory_space<vmem>>
        %parallel_loop3A_406 = tpu.memref_squeeze %parallel_loop3A_405 : memref<1x128x64xf32, #tpu.memory_space<vmem>> -> memref<128x64xf32, #tpu.memory_space<vmem>>
        %parallel_loop3A_407 = tpu.vector_load_idx %parallel_loop3A_406[%parallel_loop3A_402, %parallel_loop3A_333] : memref<128x64xf32, #tpu.memory_space<vmem>>[vector<16xi32>, vector<16xi32>], vector<16xf32>,
        %parallel_loop3A_408 = arith.addi %parallel_loop3A_343, %parallel_loop3A_402 : vector<16xi32>
        %parallel_loop3A_409 = arith.addf %parallel_loop3A_407, %parallel_loop3A_334 : vector<16xf32>
        %parallel_loop3A_410 = arith.constant 0 : i32
        %parallel_loop3A_411 = arith.constant 0 : i32
        %parallel_loop3A_412 = tpu.memref_slice %arg9[%parallel_loop3A_248, %parallel_loop3A_410, %parallel_loop3A_411] : memref<4x8x1024xf32, #tpu.memory_space<vmem>> -> memref<1x8x1024xf32, #tpu.memory_space<vmem>>
        %parallel_loop3A_413 = tpu.memref_squeeze %parallel_loop3A_412 : memref<1x8x1024xf32, #tpu.memory_space<vmem>> -> memref<8x1024xf32, #tpu.memory_space<vmem>>
        tpu.vector_store_idx %parallel_loop3A_413[%parallel_loop3A_337, %parallel_loop3A_408], %parallel_loop3A_409 : memref<8x1024xf32, #tpu.memory_space<vmem>>[vector<16xi32>, vector<16xi32>], vector<16xf32>,
        %parallel_loop3A_414 = arith.constant 80 : i32
        %parallel_loop3A_415 = vector.broadcast %parallel_loop3A_414 : i32 to vector<16xi32>
        %parallel_loop3A_416 = arith.addi %parallel_loop3A_415, %iota3A : vector<16xi32>
        %parallel_loop3A_417 = arith.constant 0 : i32
        %parallel_loop3A_418 = arith.constant 0 : i32
        %parallel_loop3A_419 = tpu.memref_slice %arg8[%parallel_loop3A_247, %parallel_loop3A_417, %parallel_loop3A_418] : memref<4x128x64xf32, #tpu.memory_space<vmem>> -> memref<1x128x64xf32, #tpu.memory_space<vmem>>
        %parallel_loop3A_420 = tpu.memref_squeeze %parallel_loop3A_419 : memref<1x128x64xf32, #tpu.memory_space<vmem>> -> memref<128x64xf32, #tpu.memory_space<vmem>>
        %parallel_loop3A_421 = tpu.vector_load_idx %parallel_loop3A_420[%parallel_loop3A_416, %parallel_loop3A_333] : memref<128x64xf32, #tpu.memory_space<vmem>>[vector<16xi32>, vector<16xi32>], vector<16xf32>,
        %parallel_loop3A_422 = arith.addi %parallel_loop3A_343, %parallel_loop3A_416 : vector<16xi32>
        %parallel_loop3A_423 = arith.addf %parallel_loop3A_421, %parallel_loop3A_334 : vector<16xf32>
        %parallel_loop3A_424 = arith.constant 0 : i32
        %parallel_loop3A_425 = arith.constant 0 : i32
        %parallel_loop3A_426 = tpu.memref_slice %arg9[%parallel_loop3A_248, %parallel_loop3A_424, %parallel_loop3A_425] : memref<4x8x1024xf32, #tpu.memory_space<vmem>> -> memref<1x8x1024xf32, #tpu.memory_space<vmem>>
        %parallel_loop3A_427 = tpu.memref_squeeze %parallel_loop3A_426 : memref<1x8x1024xf32, #tpu.memory_space<vmem>> -> memref<8x1024xf32, #tpu.memory_space<vmem>>
        tpu.vector_store_idx %parallel_loop3A_427[%parallel_loop3A_337, %parallel_loop3A_422], %parallel_loop3A_423 : memref<8x1024xf32, #tpu.memory_space<vmem>>[vector<16xi32>, vector<16xi32>], vector<16xf32>,
        %parallel_loop3A_428 = arith.constant 96 : i32
        %parallel_loop3A_429 = vector.broadcast %parallel_loop3A_428 : i32 to vector<16xi32>
        %parallel_loop3A_430 = arith.addi %parallel_loop3A_429, %iota3A : vector<16xi32>
        %parallel_loop3A_431 = arith.constant 0 : i32
        %parallel_loop3A_432 = arith.constant 0 : i32
        %parallel_loop3A_433 = tpu.memref_slice %arg8[%parallel_loop3A_247, %parallel_loop3A_431, %parallel_loop3A_432] : memref<4x128x64xf32, #tpu.memory_space<vmem>> -> memref<1x128x64xf32, #tpu.memory_space<vmem>>
        %parallel_loop3A_434 = tpu.memref_squeeze %parallel_loop3A_433 : memref<1x128x64xf32, #tpu.memory_space<vmem>> -> memref<128x64xf32, #tpu.memory_space<vmem>>
        %parallel_loop3A_435 = tpu.vector_load_idx %parallel_loop3A_434[%parallel_loop3A_430, %parallel_loop3A_333] : memref<128x64xf32, #tpu.memory_space<vmem>>[vector<16xi32>, vector<16xi32>], vector<16xf32>,
        %parallel_loop3A_436 = arith.addi %parallel_loop3A_343, %parallel_loop3A_430 : vector<16xi32>
        %parallel_loop3A_437 = arith.addf %parallel_loop3A_435, %parallel_loop3A_334 : vector<16xf32>
        %parallel_loop3A_438 = arith.constant 0 : i32
        %parallel_loop3A_439 = arith.constant 0 : i32
        %parallel_loop3A_440 = tpu.memref_slice %arg9[%parallel_loop3A_248, %parallel_loop3A_438, %parallel_loop3A_439] : memref<4x8x1024xf32, #tpu.memory_space<vmem>> -> memref<1x8x1024xf32, #tpu.memory_space<vmem>>
        %parallel_loop3A_441 = tpu.memref_squeeze %parallel_loop3A_440 : memref<1x8x1024xf32, #tpu.memory_space<vmem>> -> memref<8x1024xf32, #tpu.memory_space<vmem>>
        tpu.vector_store_idx %parallel_loop3A_441[%parallel_loop3A_337, %parallel_loop3A_436], %parallel_loop3A_437 : memref<8x1024xf32, #tpu.memory_space<vmem>>[vector<16xi32>, vector<16xi32>], vector<16xf32>,
        %parallel_loop3A_442 = arith.constant 112 : i32
        %parallel_loop3A_443 = vector.broadcast %parallel_loop3A_442 : i32 to vector<16xi32>
        %parallel_loop3A_444 = arith.addi %parallel_loop3A_443, %iota3A : vector<16xi32>
        %parallel_loop3A_445 = arith.constant 0 : i32
        %parallel_loop3A_446 = arith.constant 0 : i32
        %parallel_loop3A_447 = tpu.memref_slice %arg8[%parallel_loop3A_247, %parallel_loop3A_445, %parallel_loop3A_446] : memref<4x128x64xf32, #tpu.memory_space<vmem>> -> memref<1x128x64xf32, #tpu.memory_space<vmem>>
        %parallel_loop3A_448 = tpu.memref_squeeze %parallel_loop3A_447 : memref<1x128x64xf32, #tpu.memory_space<vmem>> -> memref<128x64xf32, #tpu.memory_space<vmem>>
        %parallel_loop3A_449 = tpu.vector_load_idx %parallel_loop3A_448[%parallel_loop3A_444, %parallel_loop3A_333] : memref<128x64xf32, #tpu.memory_space<vmem>>[vector<16xi32>, vector<16xi32>], vector<16xf32>,
        %parallel_loop3A_450 = arith.addi %parallel_loop3A_343, %parallel_loop3A_444 : vector<16xi32>
        %parallel_loop3A_451 = arith.addf %parallel_loop3A_449, %parallel_loop3A_334 : vector<16xf32>
        %parallel_loop3A_452 = arith.constant 0 : i32
        %parallel_loop3A_453 = arith.constant 0 : i32
        %parallel_loop3A_454 = tpu.memref_slice %arg9[%parallel_loop3A_248, %parallel_loop3A_452, %parallel_loop3A_453] : memref<4x8x1024xf32, #tpu.memory_space<vmem>> -> memref<1x8x1024xf32, #tpu.memory_space<vmem>>
        %parallel_loop3A_455 = tpu.memref_squeeze %parallel_loop3A_454 : memref<1x8x1024xf32, #tpu.memory_space<vmem>> -> memref<8x1024xf32, #tpu.memory_space<vmem>>
        tpu.vector_store_idx %parallel_loop3A_455[%parallel_loop3A_337, %parallel_loop3A_450], %parallel_loop3A_451 : memref<8x1024xf32, #tpu.memory_space<vmem>>[vector<16xi32>, vector<16xi32>], vector<16xf32>,
      } {sc.loop_unroll_factor = 1 : i64, sc.parallel_access}
      %dma_start3A_249 = arith.constant 2 : i32
      %dma_start3A_250 = arith.constant 0 : i32
      %dma_start3A_251 = arith.constant 0 : i32
      %dma_start3A_252 = tpu.memref_slice %arg9[%dma_start3A_249, %dma_start3A_250, %dma_start3A_251] : memref<4x8x1024xf32, #tpu.memory_space<vmem>> -> memref<1x8x1024xf32, #tpu.memory_space<vmem>>
      %dma_start3A_253 = tpu.memref_squeeze %dma_start3A_252 : memref<1x8x1024xf32, #tpu.memory_space<vmem>> -> memref<8x1024xf32, #tpu.memory_space<vmem>>
      %dma_start3A_254 = arith.constant 0 : i32
      %dma_start3A_255 = arith.constant 0 : i32
      %dma_start3A_256 = tpu.memref_slice %arg5[%add3A_225, %dma_start3A_254, %add3A, %dma_start3A_255] : memref<200x8x32x1024xf32, #tpu.memory_space<hbm>> -> memref<1x8x1x1024xf32, #tpu.memory_space<hbm>>
      %dma_start3A_257 = tpu.memref_squeeze %dma_start3A_256 : memref<1x8x1x1024xf32, #tpu.memory_space<hbm>> -> memref<8x1024xf32, #tpu.memory_space<hbm>>
      %dma_start3A_258 = arith.constant 0 : i32
      %dma_start3A_259 = arith.constant 0 : i32
      %dma_start3A_260 = tpu.memref_slice %arg5[%add3A_225, %dma_start3A_258, %add3A, %dma_start3A_259] : memref<200x8x32x1024xf32, #tpu.memory_space<hbm>> -> memref<1x8x1x1024xf32, #tpu.memory_space<hbm>>
      %dma_start3A_261 = tpu.memref_squeeze %dma_start3A_260 : memref<1x8x1x1024xf32, #tpu.memory_space<hbm>> -> memref<8x1024xf32, #tpu.memory_space<hbm>>
      %dma_start3A_262 = arith.constant 0 : i32
      %dma_start3A_263 = arith.constant 0 : i32
      %dma_start3A_264 = tpu.memref_slice %arg9[%dma_start3A_249, %dma_start3A_262, %dma_start3A_263] : memref<4x8x1024xf32, #tpu.memory_space<vmem>> -> memref<1x8x1024xf32, #tpu.memory_space<vmem>>
      %dma_start3A_265 = tpu.memref_squeeze %dma_start3A_264 : memref<1x8x1024xf32, #tpu.memory_space<vmem>> -> memref<8x1024xf32, #tpu.memory_space<vmem>>
      tpu.enqueue_dma source(%dma_start3A_265 : memref<8x1024xf32, #tpu.memory_space<vmem>>) target(%dma_start3A_261 : memref<8x1024xf32, #tpu.memory_space<hbm>>) target_semaphore(%arg16 : memref<!tpu.dma_semaphore, #tpu.memory_space<semaphore_mem>>)
      %add3A_266 = arith.constant 4 : i32
      %add3A_267 = arith.addi %add3A_225, %add3A_266 : i32
      %lt3A_268 = arith.constant 200 : i32
      %lt3A_269 = arith.cmpi slt, %add3A_267, %lt3A_268 : i32
      %convert_element_type3A_270 = arith.extui %lt3A_269 : i1 to i32
      %cond3A_271 = arith.constant 2 : i32
      %cond3A_272 = arith.constant 0 : i32
      %cond3A_273 = arith.cmpi ne, %convert_element_type3A_270, %cond3A_272 : i32
      scf.if %cond3A_273 {
        %add3A_324 = arith.constant 4 : i32
        %add3A_325 = arith.addi %add3A_225, %add3A_324 : i32
        %dma_start3A_326 = arith.constant 0 : i32
        %dma_start3A_327 = arith.constant 0 : i32
        %dma_start3A_328 = tpu.memref_slice %arg8[%cond3A_271, %dma_start3A_326, %dma_start3A_327] : memref<4x128x64xf32, #tpu.memory_space<vmem>> -> memref<1x128x64xf32, #tpu.memory_space<vmem>>
        %dma_start3A_329 = tpu.memref_squeeze %dma_start3A_328 : memref<1x128x64xf32, #tpu.memory_space<vmem>> -> memref<128x64xf32, #tpu.memory_space<vmem>>
        %dma_start3A_330 = arith.constant 0 : i32
        %dma_start3A_331 = tpu.memref_slice %arg6[%add3A_325, %dma_start3A_330] : memref<200x128xi32, #tpu.memory_space<vmem>> -> memref<1x128xi32, #tpu.memory_space<vmem>>
        %dma_start3A_332 = tpu.memref_squeeze %dma_start3A_331 : memref<1x128xi32, #tpu.memory_space<vmem>> -> memref<128xi32, #tpu.memory_space<vmem>>
        %dma_start3A_333 = arith.constant 0 : i32
        %dma_start3A_334 = arith.constant 0 : i32
        %dma_start3A_335 = tpu.memref_slice %arg3[%dma_start3A_333, %dma_start3A_334] : memref<100096x64xf32, #tpu.memory_space<hbm>> -> memref<100096x64xf32, #tpu.memory_space<hbm>>
        tpu.enqueue_indirect_dma source(%dma_start3A_335 : memref<100096x64xf32, #tpu.memory_space<hbm>>) target(%dma_start3A_329 : memref<128x64xf32, #tpu.memory_space<vmem>>) offsets(%dma_start3A_332 : memref<128xi32, #tpu.memory_space<vmem>>) semaphore(%arg12 : memref<!tpu.dma_semaphore, #tpu.memory_space<semaphore_mem>>)
      } else {
      }
      %add3A_274 = arith.constant 3 : i32
      %add3A_275 = arith.addi %add3A_129, %add3A_274 : i32
      %dma_wait3A_276 = arith.constant 3 : i32
      %dma_wait3A_277 = arith.constant 0 : i32
      %dma_wait3A_278 = arith.constant 0 : i32
      %dma_wait3A_279 = tpu.memref_slice %arg8[%dma_wait3A_276, %dma_wait3A_277, %dma_wait3A_278] : memref<4x128x64xf32, #tpu.memory_space<vmem>> -> memref<1x128x64xf32, #tpu.memory_space<vmem>>
      %dma_wait3A_280 = tpu.memref_squeeze %dma_wait3A_279 : memref<1x128x64xf32, #tpu.memory_space<vmem>> -> memref<128x64xf32, #tpu.memory_space<vmem>>
      %dma_wait3A_281 = arith.constant 0 : i32
      %dma_wait3A_282 = tpu.memref_slice %arg6[%add3A_275, %dma_wait3A_281] : memref<200x128xi32, #tpu.memory_space<vmem>> -> memref<1x128xi32, #tpu.memory_space<vmem>>
      %dma_wait3A_283 = tpu.memref_squeeze %dma_wait3A_282 : memref<1x128xi32, #tpu.memory_space<vmem>> -> memref<128xi32, #tpu.memory_space<vmem>>
      %dma_wait3A_284 = arith.constant 0 : i32
      %dma_wait3A_285 = arith.constant 0 : i32
      %dma_wait3A_286 = tpu.memref_slice %arg3[%dma_wait3A_284, %dma_wait3A_285] : memref<100096x64xf32, #tpu.memory_space<hbm>> -> memref<100096x64xf32, #tpu.memory_space<hbm>>
      tpu.wait_indirect_dma semaphore(%arg13 : memref<!tpu.dma_semaphore, #tpu.memory_space<semaphore_mem>>) src(%dma_wait3A_286 : memref<100096x64xf32, #tpu.memory_space<hbm>>) dst(%dma_wait3A_280 : memref<128x64xf32, #tpu.memory_space<vmem>>)
      %ge3A_287 = arith.constant 4 : i32
      %ge3A_288 = arith.cmpi sge, %add3A_275, %ge3A_287 : i32
      %convert_element_type3A_289 = arith.extui %ge3A_288 : i1 to i32
      %cond3A_290 = arith.constant 3 : i32
      %cond3A_291 = arith.constant 0 : i32
      %cond3A_292 = arith.cmpi ne, %convert_element_type3A_289, %cond3A_291 : i32
      scf.if %cond3A_292 {
        %sub3A = arith.constant 4 : i32
        %sub3A_324 = arith.subi %add3A_275, %sub3A : i32
        %dma_wait3A_325 = arith.constant 0 : i32
        %dma_wait3A_326 = arith.constant 0 : i32
        %dma_wait3A_327 = tpu.memref_slice %arg9[%cond3A_290, %dma_wait3A_325, %dma_wait3A_326] : memref<4x8x1024xf32, #tpu.memory_space<vmem>> -> memref<1x8x1024xf32, #tpu.memory_space<vmem>>
        %dma_wait3A_328 = tpu.memref_squeeze %dma_wait3A_327 : memref<1x8x1024xf32, #tpu.memory_space<vmem>> -> memref<8x1024xf32, #tpu.memory_space<vmem>>
        %dma_wait3A_329 = arith.constant 0 : i32
        %dma_wait3A_330 = arith.constant 0 : i32
        %dma_wait3A_331 = tpu.memref_slice %arg5[%sub3A_324, %dma_wait3A_329, %add3A, %dma_wait3A_330] : memref<200x8x32x1024xf32, #tpu.memory_space<hbm>> -> memref<1x8x1x1024xf32, #tpu.memory_space<hbm>>
        %dma_wait3A_332 = tpu.memref_squeeze %dma_wait3A_331 : memref<1x8x1x1024xf32, #tpu.memory_space<hbm>> -> memref<8x1024xf32, #tpu.memory_space<hbm>>
        %dma_wait3A_333 = arith.constant 0 : i32
        %dma_wait3A_334 = arith.constant 0 : i32
        %dma_wait3A_335 = tpu.memref_slice %arg5[%sub3A_324, %dma_wait3A_333, %add3A, %dma_wait3A_334] : memref<200x8x32x1024xf32, #tpu.memory_space<hbm>> -> memref<1x8x1x1024xf32, #tpu.memory_space<hbm>>
        %dma_wait3A_336 = tpu.memref_squeeze %dma_wait3A_335 : memref<1x8x1x1024xf32, #tpu.memory_space<hbm>> -> memref<8x1024xf32, #tpu.memory_space<hbm>>
        %dma_wait3A_337 = arith.constant 0 : i32
        %dma_wait3A_338 = arith.constant 0 : i32
        %dma_wait3A_339 = tpu.memref_slice %arg9[%cond3A_290, %dma_wait3A_337, %dma_wait3A_338] : memref<4x8x1024xf32, #tpu.memory_space<vmem>> -> memref<1x8x1024xf32, #tpu.memory_space<vmem>>
        %dma_wait3A_340 = tpu.memref_squeeze %dma_wait3A_339 : memref<1x8x1024xf32, #tpu.memory_space<vmem>> -> memref<8x1024xf32, #tpu.memory_space<vmem>>
        tpu.wait_dma2 semaphore(%arg17 : memref<!tpu.dma_semaphore, #tpu.memory_space<semaphore_mem>>) src(%dma_wait3A_340 : memref<8x1024xf32, #tpu.memory_space<vmem>>) dst(%dma_wait3A_336 : memref<8x1024xf32, #tpu.memory_space<hbm>>)
      } else {
      }
      %broadcast_in_dim3A_293 = vector.broadcast %add3A_275 : i32 to vector<16xi32>
      %parallel_loop3A_294 = arith.constant 0 : i32
      %parallel_loop3A_295 = arith.constant 64 : i32
      %parallel_loop3A_296 = arith.constant 1 : i32
      %parallel_loop3A_297 = arith.constant 3 : i32
      %parallel_loop3A_298 = arith.constant 3 : i32
      scf.for %parallel_loop3A_324 = %parallel_loop3A_294 to %parallel_loop3A_295 step %parallel_loop3A_296  : i32 {
        %parallel_loop3A_325 = arith.constant -16 : i32
        %parallel_loop3A_326 = arith.andi %parallel_loop3A_324, %parallel_loop3A_325 : i32
        %parallel_loop3A_327 = vector.broadcast %parallel_loop3A_324 : i32 to vector<16xi32>
        %parallel_loop3A_328 = arith.addi %parallel_loop3A_327, %iota3A : vector<16xi32>
        %parallel_loop3A_329 = arith.constant 15 : i32
        %parallel_loop3A_330 = vector.broadcast %parallel_loop3A_329 : i32 to vector<16xi32>
        %parallel_loop3A_331 = arith.andi %parallel_loop3A_328, %parallel_loop3A_330 : vector<16xi32>
        %parallel_loop3A_332 = vector.broadcast %parallel_loop3A_326 : i32 to vector<16xi32>
        %parallel_loop3A_333 = arith.ori %parallel_loop3A_332, %parallel_loop3A_331 : vector<16xi32>
        %parallel_loop3A_334 = tpu.vector_load_idx %arg7[%broadcast_in_dim3A_293, %parallel_loop3A_333] : memref<200x64xf32, #tpu.memory_space<vmem>>[vector<16xi32>, vector<16xi32>], vector<16xf32>,
        %parallel_loop3A_335 = arith.constant 3 : i32
        %parallel_loop3A_336 = vector.broadcast %parallel_loop3A_335 : i32 to vector<16xi32>
        %parallel_loop3A_337 = arith.shrsi %parallel_loop3A_333, %parallel_loop3A_336 : vector<16xi32>
        %parallel_loop3A_338 = arith.constant 7 : i32
        %parallel_loop3A_339 = vector.broadcast %parallel_loop3A_338 : i32 to vector<16xi32>
        %parallel_loop3A_340 = arith.andi %parallel_loop3A_333, %parallel_loop3A_339 : vector<16xi32>
        %parallel_loop3A_341 = arith.constant 7 : i32
        %parallel_loop3A_342 = vector.broadcast %parallel_loop3A_341 : i32 to vector<16xi32>
        %parallel_loop3A_343 = arith.shli %parallel_loop3A_340, %parallel_loop3A_342 : vector<16xi32>
        %parallel_loop3A_344 = arith.constant 0 : i32
        %parallel_loop3A_345 = vector.broadcast %parallel_loop3A_344 : i32 to vector<16xi32>
        %parallel_loop3A_346 = arith.addi %parallel_loop3A_345, %iota3A : vector<16xi32>
        %parallel_loop3A_347 = arith.constant 0 : i32
        %parallel_loop3A_348 = arith.constant 0 : i32
        %parallel_loop3A_349 = tpu.memref_slice %arg8[%parallel_loop3A_297, %parallel_loop3A_347, %parallel_loop3A_348] : memref<4x128x64xf32, #tpu.memory_space<vmem>> -> memref<1x128x64xf32, #tpu.memory_space<vmem>>
        %parallel_loop3A_350 = tpu.memref_squeeze %parallel_loop3A_349 : memref<1x128x64xf32, #tpu.memory_space<vmem>> -> memref<128x64xf32, #tpu.memory_space<vmem>>
        %parallel_loop3A_351 = tpu.vector_load_idx %parallel_loop3A_350[%parallel_loop3A_346, %parallel_loop3A_333] : memref<128x64xf32, #tpu.memory_space<vmem>>[vector<16xi32>, vector<16xi32>], vector<16xf32>,
        %parallel_loop3A_352 = arith.addi %parallel_loop3A_343, %parallel_loop3A_346 : vector<16xi32>
        %parallel_loop3A_353 = arith.addf %parallel_loop3A_351, %parallel_loop3A_334 : vector<16xf32>
        %parallel_loop3A_354 = arith.constant 0 : i32
        %parallel_loop3A_355 = arith.constant 0 : i32
        %parallel_loop3A_356 = tpu.memref_slice %arg9[%parallel_loop3A_298, %parallel_loop3A_354, %parallel_loop3A_355] : memref<4x8x1024xf32, #tpu.memory_space<vmem>> -> memref<1x8x1024xf32, #tpu.memory_space<vmem>>
        %parallel_loop3A_357 = tpu.memref_squeeze %parallel_loop3A_356 : memref<1x8x1024xf32, #tpu.memory_space<vmem>> -> memref<8x1024xf32, #tpu.memory_space<vmem>>
        tpu.vector_store_idx %parallel_loop3A_357[%parallel_loop3A_337, %parallel_loop3A_352], %parallel_loop3A_353 : memref<8x1024xf32, #tpu.memory_space<vmem>>[vector<16xi32>, vector<16xi32>], vector<16xf32>,
        %parallel_loop3A_358 = arith.constant 16 : i32
        %parallel_loop3A_359 = vector.broadcast %parallel_loop3A_358 : i32 to vector<16xi32>
        %parallel_loop3A_360 = arith.addi %parallel_loop3A_359, %iota3A : vector<16xi32>
        %parallel_loop3A_361 = arith.constant 0 : i32
        %parallel_loop3A_362 = arith.constant 0 : i32
        %parallel_loop3A_363 = tpu.memref_slice %arg8[%parallel_loop3A_297, %parallel_loop3A_361, %parallel_loop3A_362] : memref<4x128x64xf32, #tpu.memory_space<vmem>> -> memref<1x128x64xf32, #tpu.memory_space<vmem>>
        %parallel_loop3A_364 = tpu.memref_squeeze %parallel_loop3A_363 : memref<1x128x64xf32, #tpu.memory_space<vmem>> -> memref<128x64xf32, #tpu.memory_space<vmem>>
        %parallel_loop3A_365 = tpu.vector_load_idx %parallel_loop3A_364[%parallel_loop3A_360, %parallel_loop3A_333] : memref<128x64xf32, #tpu.memory_space<vmem>>[vector<16xi32>, vector<16xi32>], vector<16xf32>,
        %parallel_loop3A_366 = arith.addi %parallel_loop3A_343, %parallel_loop3A_360 : vector<16xi32>
        %parallel_loop3A_367 = arith.addf %parallel_loop3A_365, %parallel_loop3A_334 : vector<16xf32>
        %parallel_loop3A_368 = arith.constant 0 : i32
        %parallel_loop3A_369 = arith.constant 0 : i32
        %parallel_loop3A_370 = tpu.memref_slice %arg9[%parallel_loop3A_298, %parallel_loop3A_368, %parallel_loop3A_369] : memref<4x8x1024xf32, #tpu.memory_space<vmem>> -> memref<1x8x1024xf32, #tpu.memory_space<vmem>>
        %parallel_loop3A_371 = tpu.memref_squeeze %parallel_loop3A_370 : memref<1x8x1024xf32, #tpu.memory_space<vmem>> -> memref<8x1024xf32, #tpu.memory_space<vmem>>
        tpu.vector_store_idx %parallel_loop3A_371[%parallel_loop3A_337, %parallel_loop3A_366], %parallel_loop3A_367 : memref<8x1024xf32, #tpu.memory_space<vmem>>[vector<16xi32>, vector<16xi32>], vector<16xf32>,
        %parallel_loop3A_372 = arith.constant 32 : i32
        %parallel_loop3A_373 = vector.broadcast %parallel_loop3A_372 : i32 to vector<16xi32>
        %parallel_loop3A_374 = arith.addi %parallel_loop3A_373, %iota3A : vector<16xi32>
        %parallel_loop3A_375 = arith.constant 0 : i32
        %parallel_loop3A_376 = arith.constant 0 : i32
        %parallel_loop3A_377 = tpu.memref_slice %arg8[%parallel_loop3A_297, %parallel_loop3A_375, %parallel_loop3A_376] : memref<4x128x64xf32, #tpu.memory_space<vmem>> -> memref<1x128x64xf32, #tpu.memory_space<vmem>>
        %parallel_loop3A_378 = tpu.memref_squeeze %parallel_loop3A_377 : memref<1x128x64xf32, #tpu.memory_space<vmem>> -> memref<128x64xf32, #tpu.memory_space<vmem>>
        %parallel_loop3A_379 = tpu.vector_load_idx %parallel_loop3A_378[%parallel_loop3A_374, %parallel_loop3A_333] : memref<128x64xf32, #tpu.memory_space<vmem>>[vector<16xi32>, vector<16xi32>], vector<16xf32>,
        %parallel_loop3A_380 = arith.addi %parallel_loop3A_343, %parallel_loop3A_374 : vector<16xi32>
        %parallel_loop3A_381 = arith.addf %parallel_loop3A_379, %parallel_loop3A_334 : vector<16xf32>
        %parallel_loop3A_382 = arith.constant 0 : i32
        %parallel_loop3A_383 = arith.constant 0 : i32
        %parallel_loop3A_384 = tpu.memref_slice %arg9[%parallel_loop3A_298, %parallel_loop3A_382, %parallel_loop3A_383] : memref<4x8x1024xf32, #tpu.memory_space<vmem>> -> memref<1x8x1024xf32, #tpu.memory_space<vmem>>
        %parallel_loop3A_385 = tpu.memref_squeeze %parallel_loop3A_384 : memref<1x8x1024xf32, #tpu.memory_space<vmem>> -> memref<8x1024xf32, #tpu.memory_space<vmem>>
        tpu.vector_store_idx %parallel_loop3A_385[%parallel_loop3A_337, %parallel_loop3A_380], %parallel_loop3A_381 : memref<8x1024xf32, #tpu.memory_space<vmem>>[vector<16xi32>, vector<16xi32>], vector<16xf32>,
        %parallel_loop3A_386 = arith.constant 48 : i32
        %parallel_loop3A_387 = vector.broadcast %parallel_loop3A_386 : i32 to vector<16xi32>
        %parallel_loop3A_388 = arith.addi %parallel_loop3A_387, %iota3A : vector<16xi32>
        %parallel_loop3A_389 = arith.constant 0 : i32
        %parallel_loop3A_390 = arith.constant 0 : i32
        %parallel_loop3A_391 = tpu.memref_slice %arg8[%parallel_loop3A_297, %parallel_loop3A_389, %parallel_loop3A_390] : memref<4x128x64xf32, #tpu.memory_space<vmem>> -> memref<1x128x64xf32, #tpu.memory_space<vmem>>
        %parallel_loop3A_392 = tpu.memref_squeeze %parallel_loop3A_391 : memref<1x128x64xf32, #tpu.memory_space<vmem>> -> memref<128x64xf32, #tpu.memory_space<vmem>>
        %parallel_loop3A_393 = tpu.vector_load_idx %parallel_loop3A_392[%parallel_loop3A_388, %parallel_loop3A_333] : memref<128x64xf32, #tpu.memory_space<vmem>>[vector<16xi32>, vector<16xi32>], vector<16xf32>,
        %parallel_loop3A_394 = arith.addi %parallel_loop3A_343, %parallel_loop3A_388 : vector<16xi32>
        %parallel_loop3A_395 = arith.addf %parallel_loop3A_393, %parallel_loop3A_334 : vector<16xf32>
        %parallel_loop3A_396 = arith.constant 0 : i32
        %parallel_loop3A_397 = arith.constant 0 : i32
        %parallel_loop3A_398 = tpu.memref_slice %arg9[%parallel_loop3A_298, %parallel_loop3A_396, %parallel_loop3A_397] : memref<4x8x1024xf32, #tpu.memory_space<vmem>> -> memref<1x8x1024xf32, #tpu.memory_space<vmem>>
        %parallel_loop3A_399 = tpu.memref_squeeze %parallel_loop3A_398 : memref<1x8x1024xf32, #tpu.memory_space<vmem>> -> memref<8x1024xf32, #tpu.memory_space<vmem>>
        tpu.vector_store_idx %parallel_loop3A_399[%parallel_loop3A_337, %parallel_loop3A_394], %parallel_loop3A_395 : memref<8x1024xf32, #tpu.memory_space<vmem>>[vector<16xi32>, vector<16xi32>], vector<16xf32>,
        %parallel_loop3A_400 = arith.constant 64 : i32
        %parallel_loop3A_401 = vector.broadcast %parallel_loop3A_400 : i32 to vector<16xi32>
        %parallel_loop3A_402 = arith.addi %parallel_loop3A_401, %iota3A : vector<16xi32>
        %parallel_loop3A_403 = arith.constant 0 : i32
        %parallel_loop3A_404 = arith.constant 0 : i32
        %parallel_loop3A_405 = tpu.memref_slice %arg8[%parallel_loop3A_297, %parallel_loop3A_403, %parallel_loop3A_404] : memref<4x128x64xf32, #tpu.memory_space<vmem>> -> memref<1x128x64xf32, #tpu.memory_space<vmem>>
        %parallel_loop3A_406 = tpu.memref_squeeze %parallel_loop3A_405 : memref<1x128x64xf32, #tpu.memory_space<vmem>> -> memref<128x64xf32, #tpu.memory_space<vmem>>
        %parallel_loop3A_407 = tpu.vector_load_idx %parallel_loop3A_406[%parallel_loop3A_402, %parallel_loop3A_333] : memref<128x64xf32, #tpu.memory_space<vmem>>[vector<16xi32>, vector<16xi32>], vector<16xf32>,
        %parallel_loop3A_408 = arith.addi %parallel_loop3A_343, %parallel_loop3A_402 : vector<16xi32>
        %parallel_loop3A_409 = arith.addf %parallel_loop3A_407, %parallel_loop3A_334 : vector<16xf32>
        %parallel_loop3A_410 = arith.constant 0 : i32
        %parallel_loop3A_411 = arith.constant 0 : i32
        %parallel_loop3A_412 = tpu.memref_slice %arg9[%parallel_loop3A_298, %parallel_loop3A_410, %parallel_loop3A_411] : memref<4x8x1024xf32, #tpu.memory_space<vmem>> -> memref<1x8x1024xf32, #tpu.memory_space<vmem>>
        %parallel_loop3A_413 = tpu.memref_squeeze %parallel_loop3A_412 : memref<1x8x1024xf32, #tpu.memory_space<vmem>> -> memref<8x1024xf32, #tpu.memory_space<vmem>>
        tpu.vector_store_idx %parallel_loop3A_413[%parallel_loop3A_337, %parallel_loop3A_408], %parallel_loop3A_409 : memref<8x1024xf32, #tpu.memory_space<vmem>>[vector<16xi32>, vector<16xi32>], vector<16xf32>,
        %parallel_loop3A_414 = arith.constant 80 : i32
        %parallel_loop3A_415 = vector.broadcast %parallel_loop3A_414 : i32 to vector<16xi32>
        %parallel_loop3A_416 = arith.addi %parallel_loop3A_415, %iota3A : vector<16xi32>
        %parallel_loop3A_417 = arith.constant 0 : i32
        %parallel_loop3A_418 = arith.constant 0 : i32
        %parallel_loop3A_419 = tpu.memref_slice %arg8[%parallel_loop3A_297, %parallel_loop3A_417, %parallel_loop3A_418] : memref<4x128x64xf32, #tpu.memory_space<vmem>> -> memref<1x128x64xf32, #tpu.memory_space<vmem>>
        %parallel_loop3A_420 = tpu.memref_squeeze %parallel_loop3A_419 : memref<1x128x64xf32, #tpu.memory_space<vmem>> -> memref<128x64xf32, #tpu.memory_space<vmem>>
        %parallel_loop3A_421 = tpu.vector_load_idx %parallel_loop3A_420[%parallel_loop3A_416, %parallel_loop3A_333] : memref<128x64xf32, #tpu.memory_space<vmem>>[vector<16xi32>, vector<16xi32>], vector<16xf32>,
        %parallel_loop3A_422 = arith.addi %parallel_loop3A_343, %parallel_loop3A_416 : vector<16xi32>
        %parallel_loop3A_423 = arith.addf %parallel_loop3A_421, %parallel_loop3A_334 : vector<16xf32>
        %parallel_loop3A_424 = arith.constant 0 : i32
        %parallel_loop3A_425 = arith.constant 0 : i32
        %parallel_loop3A_426 = tpu.memref_slice %arg9[%parallel_loop3A_298, %parallel_loop3A_424, %parallel_loop3A_425] : memref<4x8x1024xf32, #tpu.memory_space<vmem>> -> memref<1x8x1024xf32, #tpu.memory_space<vmem>>
        %parallel_loop3A_427 = tpu.memref_squeeze %parallel_loop3A_426 : memref<1x8x1024xf32, #tpu.memory_space<vmem>> -> memref<8x1024xf32, #tpu.memory_space<vmem>>
        tpu.vector_store_idx %parallel_loop3A_427[%parallel_loop3A_337, %parallel_loop3A_422], %parallel_loop3A_423 : memref<8x1024xf32, #tpu.memory_space<vmem>>[vector<16xi32>, vector<16xi32>], vector<16xf32>,
        %parallel_loop3A_428 = arith.constant 96 : i32
        %parallel_loop3A_429 = vector.broadcast %parallel_loop3A_428 : i32 to vector<16xi32>
        %parallel_loop3A_430 = arith.addi %parallel_loop3A_429, %iota3A : vector<16xi32>
        %parallel_loop3A_431 = arith.constant 0 : i32
        %parallel_loop3A_432 = arith.constant 0 : i32
        %parallel_loop3A_433 = tpu.memref_slice %arg8[%parallel_loop3A_297, %parallel_loop3A_431, %parallel_loop3A_432] : memref<4x128x64xf32, #tpu.memory_space<vmem>> -> memref<1x128x64xf32, #tpu.memory_space<vmem>>
        %parallel_loop3A_434 = tpu.memref_squeeze %parallel_loop3A_433 : memref<1x128x64xf32, #tpu.memory_space<vmem>> -> memref<128x64xf32, #tpu.memory_space<vmem>>
        %parallel_loop3A_435 = tpu.vector_load_idx %parallel_loop3A_434[%parallel_loop3A_430, %parallel_loop3A_333] : memref<128x64xf32, #tpu.memory_space<vmem>>[vector<16xi32>, vector<16xi32>], vector<16xf32>,
        %parallel_loop3A_436 = arith.addi %parallel_loop3A_343, %parallel_loop3A_430 : vector<16xi32>
        %parallel_loop3A_437 = arith.addf %parallel_loop3A_435, %parallel_loop3A_334 : vector<16xf32>
        %parallel_loop3A_438 = arith.constant 0 : i32
        %parallel_loop3A_439 = arith.constant 0 : i32
        %parallel_loop3A_440 = tpu.memref_slice %arg9[%parallel_loop3A_298, %parallel_loop3A_438, %parallel_loop3A_439] : memref<4x8x1024xf32, #tpu.memory_space<vmem>> -> memref<1x8x1024xf32, #tpu.memory_space<vmem>>
        %parallel_loop3A_441 = tpu.memref_squeeze %parallel_loop3A_440 : memref<1x8x1024xf32, #tpu.memory_space<vmem>> -> memref<8x1024xf32, #tpu.memory_space<vmem>>
        tpu.vector_store_idx %parallel_loop3A_441[%parallel_loop3A_337, %parallel_loop3A_436], %parallel_loop3A_437 : memref<8x1024xf32, #tpu.memory_space<vmem>>[vector<16xi32>, vector<16xi32>], vector<16xf32>,
        %parallel_loop3A_442 = arith.constant 112 : i32
        %parallel_loop3A_443 = vector.broadcast %parallel_loop3A_442 : i32 to vector<16xi32>
        %parallel_loop3A_444 = arith.addi %parallel_loop3A_443, %iota3A : vector<16xi32>
        %parallel_loop3A_445 = arith.constant 0 : i32
        %parallel_loop3A_446 = arith.constant 0 : i32
        %parallel_loop3A_447 = tpu.memref_slice %arg8[%parallel_loop3A_297, %parallel_loop3A_445, %parallel_loop3A_446] : memref<4x128x64xf32, #tpu.memory_space<vmem>> -> memref<1x128x64xf32, #tpu.memory_space<vmem>>
        %parallel_loop3A_448 = tpu.memref_squeeze %parallel_loop3A_447 : memref<1x128x64xf32, #tpu.memory_space<vmem>> -> memref<128x64xf32, #tpu.memory_space<vmem>>
        %parallel_loop3A_449 = tpu.vector_load_idx %parallel_loop3A_448[%parallel_loop3A_444, %parallel_loop3A_333] : memref<128x64xf32, #tpu.memory_space<vmem>>[vector<16xi32>, vector<16xi32>], vector<16xf32>,
        %parallel_loop3A_450 = arith.addi %parallel_loop3A_343, %parallel_loop3A_444 : vector<16xi32>
        %parallel_loop3A_451 = arith.addf %parallel_loop3A_449, %parallel_loop3A_334 : vector<16xf32>
        %parallel_loop3A_452 = arith.constant 0 : i32
        %parallel_loop3A_453 = arith.constant 0 : i32
        %parallel_loop3A_454 = tpu.memref_slice %arg9[%parallel_loop3A_298, %parallel_loop3A_452, %parallel_loop3A_453] : memref<4x8x1024xf32, #tpu.memory_space<vmem>> -> memref<1x8x1024xf32, #tpu.memory_space<vmem>>
        %parallel_loop3A_455 = tpu.memref_squeeze %parallel_loop3A_454 : memref<1x8x1024xf32, #tpu.memory_space<vmem>> -> memref<8x1024xf32, #tpu.memory_space<vmem>>
        tpu.vector_store_idx %parallel_loop3A_455[%parallel_loop3A_337, %parallel_loop3A_450], %parallel_loop3A_451 : memref<8x1024xf32, #tpu.memory_space<vmem>>[vector<16xi32>, vector<16xi32>], vector<16xf32>,
      } {sc.loop_unroll_factor = 1 : i64, sc.parallel_access}
      %dma_start3A_299 = arith.constant 3 : i32
      %dma_start3A_300 = arith.constant 0 : i32
      %dma_start3A_301 = arith.constant 0 : i32
      %dma_start3A_302 = tpu.memref_slice %arg9[%dma_start3A_299, %dma_start3A_300, %dma_start3A_301] : memref<4x8x1024xf32, #tpu.memory_space<vmem>> -> memref<1x8x1024xf32, #tpu.memory_space<vmem>>
      %dma_start3A_303 = tpu.memref_squeeze %dma_start3A_302 : memref<1x8x1024xf32, #tpu.memory_space<vmem>> -> memref<8x1024xf32, #tpu.memory_space<vmem>>
      %dma_start3A_304 = arith.constant 0 : i32
      %dma_start3A_305 = arith.constant 0 : i32
      %dma_start3A_306 = tpu.memref_slice %arg5[%add3A_275, %dma_start3A_304, %add3A, %dma_start3A_305] : memref<200x8x32x1024xf32, #tpu.memory_space<hbm>> -> memref<1x8x1x1024xf32, #tpu.memory_space<hbm>>
      %dma_start3A_307 = tpu.memref_squeeze %dma_start3A_306 : memref<1x8x1x1024xf32, #tpu.memory_space<hbm>> -> memref<8x1024xf32, #tpu.memory_space<hbm>>
      %dma_start3A_308 = arith.constant 0 : i32
      %dma_start3A_309 = arith.constant 0 : i32
      %dma_start3A_310 = tpu.memref_slice %arg5[%add3A_275, %dma_start3A_308, %add3A, %dma_start3A_309] : memref<200x8x32x1024xf32, #tpu.memory_space<hbm>> -> memref<1x8x1x1024xf32, #tpu.memory_space<hbm>>
      %dma_start3A_311 = tpu.memref_squeeze %dma_start3A_310 : memref<1x8x1x1024xf32, #tpu.memory_space<hbm>> -> memref<8x1024xf32, #tpu.memory_space<hbm>>
      %dma_start3A_312 = arith.constant 0 : i32
      %dma_start3A_313 = arith.constant 0 : i32
      %dma_start3A_314 = tpu.memref_slice %arg9[%dma_start3A_299, %dma_start3A_312, %dma_start3A_313] : memref<4x8x1024xf32, #tpu.memory_space<vmem>> -> memref<1x8x1024xf32, #tpu.memory_space<vmem>>
      %dma_start3A_315 = tpu.memref_squeeze %dma_start3A_314 : memref<1x8x1024xf32, #tpu.memory_space<vmem>> -> memref<8x1024xf32, #tpu.memory_space<vmem>>
      tpu.enqueue_dma source(%dma_start3A_315 : memref<8x1024xf32, #tpu.memory_space<vmem>>) target(%dma_start3A_311 : memref<8x1024xf32, #tpu.memory_space<hbm>>) target_semaphore(%arg17 : memref<!tpu.dma_semaphore, #tpu.memory_space<semaphore_mem>>)
      %add3A_316 = arith.constant 4 : i32
      %add3A_317 = arith.addi %add3A_275, %add3A_316 : i32
      %lt3A_318 = arith.constant 200 : i32
      %lt3A_319 = arith.cmpi slt, %add3A_317, %lt3A_318 : i32
      %convert_element_type3A_320 = arith.extui %lt3A_319 : i1 to i32
      %cond3A_321 = arith.constant 3 : i32
      %cond3A_322 = arith.constant 0 : i32
      %cond3A_323 = arith.cmpi ne, %convert_element_type3A_320, %cond3A_322 : i32
      scf.if %cond3A_323 {
        %add3A_324 = arith.constant 4 : i32
        %add3A_325 = arith.addi %add3A_275, %add3A_324 : i32
        %dma_start3A_326 = arith.constant 0 : i32
        %dma_start3A_327 = arith.constant 0 : i32
        %dma_start3A_328 = tpu.memref_slice %arg8[%cond3A_321, %dma_start3A_326, %dma_start3A_327] : memref<4x128x64xf32, #tpu.memory_space<vmem>> -> memref<1x128x64xf32, #tpu.memory_space<vmem>>
        %dma_start3A_329 = tpu.memref_squeeze %dma_start3A_328 : memref<1x128x64xf32, #tpu.memory_space<vmem>> -> memref<128x64xf32, #tpu.memory_space<vmem>>
        %dma_start3A_330 = arith.constant 0 : i32
        %dma_start3A_331 = tpu.memref_slice %arg6[%add3A_325, %dma_start3A_330] : memref<200x128xi32, #tpu.memory_space<vmem>> -> memref<1x128xi32, #tpu.memory_space<vmem>>
        %dma_start3A_332 = tpu.memref_squeeze %dma_start3A_331 : memref<1x128xi32, #tpu.memory_space<vmem>> -> memref<128xi32, #tpu.memory_space<vmem>>
        %dma_start3A_333 = arith.constant 0 : i32
        %dma_start3A_334 = arith.constant 0 : i32
        %dma_start3A_335 = tpu.memref_slice %arg3[%dma_start3A_333, %dma_start3A_334] : memref<100096x64xf32, #tpu.memory_space<hbm>> -> memref<100096x64xf32, #tpu.memory_space<hbm>>
        tpu.enqueue_indirect_dma source(%dma_start3A_335 : memref<100096x64xf32, #tpu.memory_space<hbm>>) target(%dma_start3A_329 : memref<128x64xf32, #tpu.memory_space<vmem>>) offsets(%dma_start3A_332 : memref<128xi32, #tpu.memory_space<vmem>>) semaphore(%arg13 : memref<!tpu.dma_semaphore, #tpu.memory_space<semaphore_mem>>)
      } else {
      }
    }
    %scan3A_53 = arith.constant 50 : i32
    %dma_wait3A = arith.constant 0 : i32
    %dma_wait3A_54 = arith.constant 196 : i32
    %dma_wait3A_55 = arith.constant 0 : i32
    %dma_wait3A_56 = arith.constant 0 : i32
    %dma_wait3A_57 = tpu.memref_slice %arg9[%dma_wait3A, %dma_wait3A_55, %dma_wait3A_56] : memref<4x8x1024xf32, #tpu.memory_space<vmem>> -> memref<1x8x1024xf32, #tpu.memory_space<vmem>>
    %dma_wait3A_58 = tpu.memref_squeeze %dma_wait3A_57 : memref<1x8x1024xf32, #tpu.memory_space<vmem>> -> memref<8x1024xf32, #tpu.memory_space<vmem>>
    %dma_wait3A_59 = arith.constant 0 : i32
    %dma_wait3A_60 = arith.constant 0 : i32
    %dma_wait3A_61 = tpu.memref_slice %arg5[%dma_wait3A_54, %dma_wait3A_59, %add3A, %dma_wait3A_60] : memref<200x8x32x1024xf32, #tpu.memory_space<hbm>> -> memref<1x8x1x1024xf32, #tpu.memory_space<hbm>>
    %dma_wait3A_62 = tpu.memref_squeeze %dma_wait3A_61 : memref<1x8x1x1024xf32, #tpu.memory_space<hbm>> -> memref<8x1024xf32, #tpu.memory_space<hbm>>
    %dma_wait3A_63 = arith.constant 0 : i32
    %dma_wait3A_64 = arith.constant 0 : i32
    %dma_wait3A_65 = tpu.memref_slice %arg5[%dma_wait3A_54, %dma_wait3A_63, %add3A, %dma_wait3A_64] : memref<200x8x32x1024xf32, #tpu.memory_space<hbm>> -> memref<1x8x1x1024xf32, #tpu.memory_space<hbm>>
    %dma_wait3A_66 = tpu.memref_squeeze %dma_wait3A_65 : memref<1x8x1x1024xf32, #tpu.memory_space<hbm>> -> memref<8x1024xf32, #tpu.memory_space<hbm>>
    %dma_wait3A_67 = arith.constant 0 : i32
    %dma_wait3A_68 = arith.constant 0 : i32
    %dma_wait3A_69 = tpu.memref_slice %arg9[%dma_wait3A, %dma_wait3A_67, %dma_wait3A_68] : memref<4x8x1024xf32, #tpu.memory_space<vmem>> -> memref<1x8x1024xf32, #tpu.memory_space<vmem>>
    %dma_wait3A_70 = tpu.memref_squeeze %dma_wait3A_69 : memref<1x8x1024xf32, #tpu.memory_space<vmem>> -> memref<8x1024xf32, #tpu.memory_space<vmem>>
    tpu.wait_dma2 semaphore(%arg14 : memref<!tpu.dma_semaphore, #tpu.memory_space<semaphore_mem>>) src(%dma_wait3A_70 : memref<8x1024xf32, #tpu.memory_space<vmem>>) dst(%dma_wait3A_66 : memref<8x1024xf32, #tpu.memory_space<hbm>>)
    %dma_wait3A_71 = arith.constant 1 : i32
    %dma_wait3A_72 = arith.constant 197 : i32
    %dma_wait3A_73 = arith.constant 0 : i32
    %dma_wait3A_74 = arith.constant 0 : i32
    %dma_wait3A_75 = tpu.memref_slice %arg9[%dma_wait3A_71, %dma_wait3A_73, %dma_wait3A_74] : memref<4x8x1024xf32, #tpu.memory_space<vmem>> -> memref<1x8x1024xf32, #tpu.memory_space<vmem>>
    %dma_wait3A_76 = tpu.memref_squeeze %dma_wait3A_75 : memref<1x8x1024xf32, #tpu.memory_space<vmem>> -> memref<8x1024xf32, #tpu.memory_space<vmem>>
    %dma_wait3A_77 = arith.constant 0 : i32
    %dma_wait3A_78 = arith.constant 0 : i32
    %dma_wait3A_79 = tpu.memref_slice %arg5[%dma_wait3A_72, %dma_wait3A_77, %add3A, %dma_wait3A_78] : memref<200x8x32x1024xf32, #tpu.memory_space<hbm>> -> memref<1x8x1x1024xf32, #tpu.memory_space<hbm>>
    %dma_wait3A_80 = tpu.memref_squeeze %dma_wait3A_79 : memref<1x8x1x1024xf32, #tpu.memory_space<hbm>> -> memref<8x1024xf32, #tpu.memory_space<hbm>>
    %dma_wait3A_81 = arith.constant 0 : i32
    %dma_wait3A_82 = arith.constant 0 : i32
    %dma_wait3A_83 = tpu.memref_slice %arg5[%dma_wait3A_72, %dma_wait3A_81, %add3A, %dma_wait3A_82] : memref<200x8x32x1024xf32, #tpu.memory_space<hbm>> -> memref<1x8x1x1024xf32, #tpu.memory_space<hbm>>
    %dma_wait3A_84 = tpu.memref_squeeze %dma_wait3A_83 : memref<1x8x1x1024xf32, #tpu.memory_space<hbm>> -> memref<8x1024xf32, #tpu.memory_space<hbm>>
    %dma_wait3A_85 = arith.constant 0 : i32
    %dma_wait3A_86 = arith.constant 0 : i32
    %dma_wait3A_87 = tpu.memref_slice %arg9[%dma_wait3A_71, %dma_wait3A_85, %dma_wait3A_86] : memref<4x8x1024xf32, #tpu.memory_space<vmem>> -> memref<1x8x1024xf32, #tpu.memory_space<vmem>>
    %dma_wait3A_88 = tpu.memref_squeeze %dma_wait3A_87 : memref<1x8x1024xf32, #tpu.memory_space<vmem>> -> memref<8x1024xf32, #tpu.memory_space<vmem>>
    tpu.wait_dma2 semaphore(%arg15 : memref<!tpu.dma_semaphore, #tpu.memory_space<semaphore_mem>>) src(%dma_wait3A_88 : memref<8x1024xf32, #tpu.memory_space<vmem>>) dst(%dma_wait3A_84 : memref<8x1024xf32, #tpu.memory_space<hbm>>)
    %dma_wait3A_89 = arith.constant 2 : i32
    %dma_wait3A_90 = arith.constant 198 : i32
    %dma_wait3A_91 = arith.constant 0 : i32
    %dma_wait3A_92 = arith.constant 0 : i32
    %dma_wait3A_93 = tpu.memref_slice %arg9[%dma_wait3A_89, %dma_wait3A_91, %dma_wait3A_92] : memref<4x8x1024xf32, #tpu.memory_space<vmem>> -> memref<1x8x1024xf32, #tpu.memory_space<vmem>>
    %dma_wait3A_94 = tpu.memref_squeeze %dma_wait3A_93 : memref<1x8x1024xf32, #tpu.memory_space<vmem>> -> memref<8x1024xf32, #tpu.memory_space<vmem>>
    %dma_wait3A_95 = arith.constant 0 : i32
    %dma_wait3A_96 = arith.constant 0 : i32
    %dma_wait3A_97 = tpu.memref_slice %arg5[%dma_wait3A_90, %dma_wait3A_95, %add3A, %dma_wait3A_96] : memref<200x8x32x1024xf32, #tpu.memory_space<hbm>> -> memref<1x8x1x1024xf32, #tpu.memory_space<hbm>>
    %dma_wait3A_98 = tpu.memref_squeeze %dma_wait3A_97 : memref<1x8x1x1024xf32, #tpu.memory_space<hbm>> -> memref<8x1024xf32, #tpu.memory_space<hbm>>
    %dma_wait3A_99 = arith.constant 0 : i32
    %dma_wait3A_100 = arith.constant 0 : i32
    %dma_wait3A_101 = tpu.memref_slice %arg5[%dma_wait3A_90, %dma_wait3A_99, %add3A, %dma_wait3A_100] : memref<200x8x32x1024xf32, #tpu.memory_space<hbm>> -> memref<1x8x1x1024xf32, #tpu.memory_space<hbm>>
    %dma_wait3A_102 = tpu.memref_squeeze %dma_wait3A_101 : memref<1x8x1x1024xf32, #tpu.memory_space<hbm>> -> memref<8x1024xf32, #tpu.memory_space<hbm>>
    %dma_wait3A_103 = arith.constant 0 : i32
    %dma_wait3A_104 = arith.constant 0 : i32
    %dma_wait3A_105 = tpu.memref_slice %arg9[%dma_wait3A_89, %dma_wait3A_103, %dma_wait3A_104] : memref<4x8x1024xf32, #tpu.memory_space<vmem>> -> memref<1x8x1024xf32, #tpu.memory_space<vmem>>
    %dma_wait3A_106 = tpu.memref_squeeze %dma_wait3A_105 : memref<1x8x1024xf32, #tpu.memory_space<vmem>> -> memref<8x1024xf32, #tpu.memory_space<vmem>>
    tpu.wait_dma2 semaphore(%arg16 : memref<!tpu.dma_semaphore, #tpu.memory_space<semaphore_mem>>) src(%dma_wait3A_106 : memref<8x1024xf32, #tpu.memory_space<vmem>>) dst(%dma_wait3A_102 : memref<8x1024xf32, #tpu.memory_space<hbm>>)
    %dma_wait3A_107 = arith.constant 3 : i32
    %dma_wait3A_108 = arith.constant 199 : i32
    %dma_wait3A_109 = arith.constant 0 : i32
    %dma_wait3A_110 = arith.constant 0 : i32
    %dma_wait3A_111 = tpu.memref_slice %arg9[%dma_wait3A_107, %dma_wait3A_109, %dma_wait3A_110] : memref<4x8x1024xf32, #tpu.memory_space<vmem>> -> memref<1x8x1024xf32, #tpu.memory_space<vmem>>
    %dma_wait3A_112 = tpu.memref_squeeze %dma_wait3A_111 : memref<1x8x1024xf32, #tpu.memory_space<vmem>> -> memref<8x1024xf32, #tpu.memory_space<vmem>>
    %dma_wait3A_113 = arith.constant 0 : i32
    %dma_wait3A_114 = arith.constant 0 : i32
    %dma_wait3A_115 = tpu.memref_slice %arg5[%dma_wait3A_108, %dma_wait3A_113, %add3A, %dma_wait3A_114] : memref<200x8x32x1024xf32, #tpu.memory_space<hbm>> -> memref<1x8x1x1024xf32, #tpu.memory_space<hbm>>
    %dma_wait3A_116 = tpu.memref_squeeze %dma_wait3A_115 : memref<1x8x1x1024xf32, #tpu.memory_space<hbm>> -> memref<8x1024xf32, #tpu.memory_space<hbm>>
    %dma_wait3A_117 = arith.constant 0 : i32
    %dma_wait3A_118 = arith.constant 0 : i32
    %dma_wait3A_119 = tpu.memref_slice %arg5[%dma_wait3A_108, %dma_wait3A_117, %add3A, %dma_wait3A_118] : memref<200x8x32x1024xf32, #tpu.memory_space<hbm>> -> memref<1x8x1x1024xf32, #tpu.memory_space<hbm>>
    %dma_wait3A_120 = tpu.memref_squeeze %dma_wait3A_119 : memref<1x8x1x1024xf32, #tpu.memory_space<hbm>> -> memref<8x1024xf32, #tpu.memory_space<hbm>>
    %dma_wait3A_121 = arith.constant 0 : i32
    %dma_wait3A_122 = arith.constant 0 : i32
    %dma_wait3A_123 = tpu.memref_slice %arg9[%dma_wait3A_107, %dma_wait3A_121, %dma_wait3A_122] : memref<4x8x1024xf32, #tpu.memory_space<vmem>> -> memref<1x8x1024xf32, #tpu.memory_space<vmem>>
    %dma_wait3A_124 = tpu.memref_squeeze %dma_wait3A_123 : memref<1x8x1024xf32, #tpu.memory_space<vmem>> -> memref<8x1024xf32, #tpu.memory_space<vmem>>
    tpu.wait_dma2 semaphore(%arg17 : memref<!tpu.dma_semaphore, #tpu.memory_space<semaphore_mem>>) src(%dma_wait3A_124 : memref<8x1024xf32, #tpu.memory_space<vmem>>) dst(%dma_wait3A_120 : memref<8x1024xf32, #tpu.memory_space<hbm>>)
    return
  }
}

module attributes {stable_mosaic.version = 14 : i64} {
  func.func @body(%arg0: i32, %arg1: memref<64x2176xf32, #tpu.memory_space<vmem>>, %arg2: memref<64x2176xf32, #tpu.memory_space<vmem>>, %arg3: memref<2176x128xf32, #tpu.memory_space<vmem>>) attributes {dimension_semantics = [#tpu.dimension_semantics<arbitrary>], iteration_bounds = array<i64: 23>, scalar_prefetch = 0 : i64, scratch_operands = 0 : i64, tpu.core_type = #tpu.core_type<tc>, window_params = [{transform_indices = @transform_0, window_bounds = array<i64: 64, 2176>}, {transform_indices = @transform_1, window_bounds = array<i64: 64, 2176>}, {transform_indices = @transform_2, window_bounds = array<i64: 2176, 128>}]} {
    %get3A = arith.constant 0 : index
    %get3A_0 = arith.constant 0 : index
    %get3A_1 = vector.load %arg1[%get3A, %get3A_0] : memref<64x2176xf32, #tpu.memory_space<vmem>>, vector<64x2176xf32>
    %transpose3A = tpu.transpose %get3A_1, [1, 0] : vector<64x2176xf32> -> vector<2176x64xf32>
    %swap3A = arith.constant 0 : index
    %swap3A_2 = arith.constant 0 : index
    %swap3A_3 = vector.load %arg3[%swap3A, %swap3A_2] : memref<2176x128xf32, #tpu.memory_space<vmem>>, vector<2176x64xf32>
    tpu.vector_store %arg3[%swap3A, %swap3A_2], %transpose3A {strides = array<i32>} : memref<2176x128xf32, #tpu.memory_space<vmem>>, vector<2176x64xf32>,
    %get3A_4 = arith.constant 0 : index
    %get3A_5 = arith.constant 0 : index
    %get3A_6 = vector.load %arg2[%get3A_4, %get3A_5] : memref<64x2176xf32, #tpu.memory_space<vmem>>, vector<64x2176xf32>
    %transpose3A_7 = tpu.transpose %get3A_6, [1, 0] : vector<64x2176xf32> -> vector<2176x64xf32>
    %swap3A_8 = arith.constant 0 : index
    %swap3A_9 = arith.constant 64 : index
    %swap3A_10 = vector.load %arg3[%swap3A_8, %swap3A_9] : memref<2176x128xf32, #tpu.memory_space<vmem>>, vector<2176x64xf32>
    tpu.vector_store %arg3[%swap3A_8, %swap3A_9], %transpose3A_7 {strides = array<i32>} : memref<2176x128xf32, #tpu.memory_space<vmem>>, vector<2176x64xf32>,
    return
  }
  func.func @transform_0(%arg0: i32) -> (i32, i32) {
    %c0_i32 = arith.constant 0 : i32
    %c0_i32_0 = arith.constant 0 : i32
    return %c0_i32, %arg0 : i32, i32
  }
  func.func @transform_1(%arg0: i32) -> (i32, i32) {
    %add3A = arith.constant 23 : i32
    %add3A_0 = arith.addi %arg0, %add3A : i32
    %c0_i32 = arith.constant 0 : i32
    %c0_i32_1 = arith.constant 0 : i32
    return %c0_i32, %add3A_0 : i32, i32
  }
  func.func @transform_2(%arg0: i32) -> (i32, i32) {
    %c0_i32 = arith.constant 0 : i32
    %c0_i32_0 = arith.constant 0 : i32
    return %arg0, %c0_i32 : i32, i32
  }
}

</mosaic_0001>

<sc_bundles>
// kernel: kernel.4.cloned.1.call-start
scs
__scs_entry_jumppad:
0x0: {  	(pc) =	sbr.rel $0x88, $3  }
0x1: {  	(tag) =	ssettag $0x0;
	lr =	simm.s32 $0x1  }
0x2: {  	[smem:$0x3F9E] =	sst lr;
	_ =	strace $0xD0000000  }
0x3: {  	_ = 	snop  }
0x4: {  	_ = 	snop  }
0x5: {  	_ = 	snop  }
0x6: {  	_ = 	snop  }
0x7: {  	_ = 	snop  }
__scs_overlays_trampoline_lowered:
0x8: {  	[smem:$0x3FAD] =	sst s0  }
0x9: {  	[smem:$0x3FAE] =	sst s1  }
0xa: {  	[smem:$0x3FAF] =	sst s2  }
0xb: {  	[smem:$0x3FB0] =	sst s3  }
0xc: {  	[smem:$0x3FB1] =	sst s4  }
0xd: {  	[smem:$0x3FB2] =	sst s5  }
0xe: {  	[smem:$0x3FB3] =	sst s6  }
0xf: {  	[smem:$0x3FB4] =	sst s7  }
0x10: {  	[smem:$0x3FB5] =	sst s8  }
0x11: {  	[smem:$0x3FB6] =	sst s9;
	s0 =	simm.s32 @!p0 $0x0  }
0x12: {  	s1 =	sld [smem:$0x3F9C];
	s0 =	simm.s32 @p0 $0x1  }
0x13: {  	[smem:$0x3FB7] =	sst s0;
	s0 =	simm.s32 @!p1 $0x0  }
0x14: {  	s2 =	sld [smem:$0x3F9B];
	s0 =	simm.s32 @p1 $0x1  }
0x15: {  	[smem:$0x3FB8] =	sst s0;
	s0 =	simm.s32 @!p2 $0x0  }
0x16: {  	s3 =	sld [smem:$0x3FDB];
	s0 =	simm.s32 @p2 $0x1  }
0x17: {  	s4 =	simm.s32 $0x1BF5;
	[smem:$0x3FBA] =	sst s0  }
0x18: {  	s0 =	sld [smem:$0x3F9D];
	_ =	swait.ge [sflag:s4], $0x0  }
0x19: {  	s7 =	sld [smem:$0x3F9E]  }
0x1a: {  	s8 =	sadd.s32 $0xFFFFE003, lr  }
0x1b: {  	s9 =	sadd.s32 $0xFFFFFEF7, lr;
	s5 =	simm.s32 $0xFFFFFFFF;
	p2 =	slt.u32 s8, $0xFFFFF086  }
0x1c: {  	p1 =	slt.u32 s9, $0xF7A;
	s5 =	simm.s32 @!p2 $0x0  }
0x1d: {  	s5 =	simm.s32 @p1 $0x1;
	p0 =	seq.s32 s7, s2  }
0x1e: {  	s7 =	smul.u32 @!p0 $0xF7A, s2;
	p2 =	seq.s32 @!p0 s5, $0x0  }
0x1f: {  	s9 =	smul.u32 $0xF7A, s1;
	s8 =	simm.s32 @!p0 $0x1BF5;
	p2 =	por !p2, p0  }
0x20: {  	[sflag:s8] =	ssyncset.s32 @!p0 $0xFFFFF086;
	s6 =	sadd.s32 @!p0 s3, s7;
	s7 =	simm.s32 @!p0 $0x108  }
0x21: {  	s3 =	sadd.s32 s3, s9;
	s6 =	sadd.s32 @!p0 $0x88, s6;
	s7 =	simm.s32 @p2 $0x1082  }
0x22: {  	[simem:s7], [sflag:s8] =	dma.local @!p0 [hbm:s6], $0xF7A  }
0x23: {  	s9 =	sor.u32 $0xD0000000, s2;
	s6 =	simm.s32 $0x108;
	_ =	swait.ge @!p0 [sflag:s8], $0x0  }
0x24: {  	s3 =	sadd.s32 $0x88, s3;
	s6 =	simm.s32 @!p1 $0x1082;
	[sflag:s4] =	ssyncset.s32 $0xFFFFF086  }
0x25: {  	[simem:s6], [sflag:s4] =	dma.local [hbm:s3], $0xF7A  }
0x26: {  	[smem:$0x3F9E] =	sst s1;
	(tag) =	ssettag s2;
	_ =	strace s9  }
0x27: {  	s1 =	sld [smem:$0x3FAE]  }
0x28: {  	s2 =	sld [smem:$0x3FAF]  }
0x29: {  	s4 =	sld [smem:$0x3FB1]  }
0x2a: {  	p0 =	seq.s32 s5, $0x0;
	s5 =	sld [smem:$0x3FB2]  }
0x2b: {  	s6 =	sld [smem:$0x3FB3]  }
0x2c: {  	s7 =	sld [smem:$0x3FB4]  }
0x2d: {  	s3 =	simm.s32 $0x108;
	s8 =	sld [smem:$0x3FB5]  }
0x2e: {  	s3 =	simm.s32 @!p0 $0x1082;
	s9 =	sld [smem:$0x3FB6]  }
0x2f: {  	lr =	sadd.s32 s0, s3;
	s0 =	sld [smem:$0x3FAD]  }
0x30: {  	s3 =	sld [smem:$0x3FB0]  }
0x31: {  	[smem:$0x3FB9] =	sst s10  }
0x32: {  	s10 =	sld [smem:$0x3FB7];
	_ =	sdelay $0x3  }
0x33: {  	p0 =	seq.s32 s10, $0x1;
	s10 =	sld [smem:$0x3FB9];
	_ =	sdelay $0x3  }
0x34: {  	[smem:$0x3FB9] =	sst s10  }
0x35: {  	s10 =	sld [smem:$0x3FB8];
	_ =	sdelay $0x3  }
0x36: {  	p1 =	seq.s32 s10, $0x1;
	s10 =	sld [smem:$0x3FB9];
	_ =	sdelay $0x3  }
0x37: {  	[smem:$0x3FB9] =	sst s10  }
0x38: {  	s10 =	sld [smem:$0x3FBA]  }
0x39: {  	_ = 	snop;
	(pc) =	sbr.ind lr, $3  }
0x3a: {  	_ = 	snop  }
0x3b: {  	_ = 	snop  }
0x3c: {  	p2 =	seq.s32 s10, $0x1;
	s10 =	sld [smem:$0x3FB9]  }
0x3d: {  	_ =	shalt  }
0x3e: {  	_ =	shalt  }
0x3f: {  	_ =	shalt  }
0x40: {  	_ =	shalt  }
0x41: {  	_ =	shalt  }
0x42: {  	_ =	shalt  }
0x43: {  	_ =	shalt  }
0x44: {  	_ =	shalt  }
0x45: {  	_ =	shalt  }
0x46: {  	_ =	shalt  }
0x47: {  	_ =	shalt  }
0x48: {  	_ =	shalt  }
0x49: {  	_ =	shalt  }
0x4a: {  	_ =	shalt  }
0x4b: {  	_ =	shalt  }
0x4c: {  	_ =	shalt  }
0x4d: {  	_ =	shalt  }
0x4e: {  	_ =	shalt  }
0x4f: {  	_ =	shalt  }
0x50: {  	_ =	shalt  }
0x51: {  	_ =	shalt  }
0x52: {  	_ =	shalt  }
0x53: {  	_ =	shalt  }
0x54: {  	_ =	shalt  }
0x55: {  	_ =	shalt  }
0x56: {  	_ =	shalt  }
0x57: {  	_ =	shalt  }
0x58: {  	_ =	shalt  }
0x59: {  	_ =	shalt  }
0x5a: {  	_ =	shalt  }
0x5b: {  	_ =	shalt  }
0x5c: {  	_ =	shalt  }
0x5d: {  	_ =	shalt  }
0x5e: {  	_ =	shalt  }
0x5f: {  	_ =	shalt  }
0x60: {  	_ =	shalt  }
0x61: {  	_ =	shalt  }
0x62: {  	_ =	shalt  }
0x63: {  	_ =	shalt  }
0x64: {  	_ =	shalt  }
0x65: {  	_ =	shalt  }
0x66: {  	_ =	shalt  }
0x67: {  	_ =	shalt  }
0x68: {  	_ =	shalt  }
0x69: {  	_ =	shalt  }
0x6a: {  	_ =	shalt  }
0x6b: {  	_ =	shalt  }
0x6c: {  	_ =	shalt  }
0x6d: {  	_ =	shalt  }
0x6e: {  	_ =	shalt  }
0x6f: {  	_ =	shalt  }
0x70: {  	_ =	shalt  }
0x71: {  	_ =	shalt  }
0x72: {  	_ =	shalt  }
0x73: {  	_ =	shalt  }
0x74: {  	_ =	shalt  }
0x75: {  	_ =	shalt  }
0x76: {  	_ =	shalt  }
0x77: {  	_ =	shalt  }
0x78: {  	_ =	shalt  }
0x79: {  	_ =	shalt  }
0x7a: {  	_ =	shalt  }
0x7b: {  	_ =	shalt  }
0x7c: {  	_ =	shalt  }
0x7d: {  	_ =	shalt  }
0x7e: {  	_ =	shalt  }
0x7f: {  	_ =	shalt  }
0x80: {  	_ =	shalt  }
0x81: {  	_ =	shalt  }
0x82: {  	_ =	shalt  }
0x83: {  	_ =	shalt  }
0x84: {  	_ =	shalt  }
0x85: {  	_ =	shalt  }
0x86: {  	_ =	shalt  }
0x87: {  	_ =	shalt  }
.Lfunc_end0:
.L_simem_size_0:
called_computation_lowered:
.L_overlay_start_0:
0x88: {  	s2 =	sld [smem:$0x3FD9]  }
0x89: {  	s3 =	sld [smem:$0x3FFE];
	_ =	sdelay $0x1  }
0x8a: {  	s1 =	srdreg.scid  }
0x8b: {  	s0 =	sand.u32 $0x1, s1  }
0x8c: {  	s17 =	sshll.u32 s0, $0xA;
	s2 =	sadd.s32 s3, s2  }
0x8d: {  	s2 =	sadd.s32 s2, s17  }
0x8e: {  	[smem:$0x3FC5] =	sst s2  }
0x8f: {  	_ = 	snop  }
0x90: {  	s2 =	sld [smem:$0x3FD0];
	(tm) =	ssettm $0x1  }
0x91: {  	s18 =	sld [smem:$0x3FFB];
	_ =	sdelay $0x3  }
0x92: {  	_ =	strace s18  }
0x93: {  	s3 =	sld [smem:$0x3FFC];
	_ =	sdelay $0x3  }
0x94: {  	_ =	strace s3  }
0x95: {  	s3 =	sld [smem:$0x3FFD];
	_ =	sdelay $0x3  }
0x96: {  	_ =	strace s3  }
0x97: {  	_ =	strace $0x8FFFFFFF  }
0x98: {  	s19 =	sld [smem:$0x3FDB];
	_ =	sdelay $0x1  }
0x99: {  	s4 =	simm.s32 $_scs_section_size  }
0x9a: {  	s5 =	simm.s32 $_size__tile_overlayer_lowered;
	s6 =	simm.s32 $_tile_overlayer_lowered  }
0x9b: {  	s22 =	simm.s32 $0x1BFF;
	s21 =	sshll.u32 s6, $0x1;
	s3 =	sadd.s32 s4, s19  }
0x9c: {  	s7 =	simm.s32 $0x0;
	s20 =	sshll.u32 s5, $0x1;
	s5 =	sadd.s32 s21, s3  }
0x9d: {  	[timem:s7], [sflag:s22] =	dma.local [hbm:s5], s20  }
0x9e: {  	_ =	swait.ge [sflag:s22], s20  }
0x9f: {  	s4 =	ssub.s32 $0x0, s20;
	[sflag:s22] =	ssyncset.done $0x0  }
0xa0: {  	[sflag:s22] =	ssyncadd.s32 s4;
	_ =	sdelay $0x1  }
0xa1: {  	s23 =	simm.s32 $0x1B8B  }
0xa2: {  	_ =	swait.ge [sflag:s23], $0x1  }
0xa3: {  	[sflag:s23] =	ssyncset.done $0x0  }
0xa4: {  	s25 =	simm.s32 $0x1B8E;
	s24 =	sld [smem:$0x3FFE];
	[sflag:s23] =	ssyncadd.s32 $0xFFFFFFFF  }
0xa5: {  	s26 =	simm.s32 $execute0_lowered;
	[smem:$0x3FD2] =	sst s25  }
0xa6: {  	s5 =	sshll.u32 s26, $0x1;
	_ =	strace $0x80000046;
	[dreg:$0x1] =	wrdreg $0xFFFFFFFF  }
0xa7: {  	s28 =	simm.s32 $_size_execute0_lowered;
	s3 =	sadd.s32 s3, s5;
	[dreg:$0x0] =	wrdreg $0x0  }
0xa8: {  	s5 =	sshll.u32 s28, $0x1;
	[dreg:$0x2] =	wrdreg s3  }
0xa9: {  	[dreg:$0x3] =	wrdreg s5  }
0xaa: {  	[dreg:$0x4] =	wrdreg $0xC0  }
0xab: {  	_ =	task [dreg:s7], $0x5FFFF  }
0xac: {  	[dreg:$0x1] =	wrdreg $0xFFFFFFFF  }
0xad: {  	[dreg:$0x0] =	wrdreg $0x60  }
0xae: {  	[dreg:$0x2] =	wrdreg s24  }
0xaf: {  	[dreg:$0x3] =	wrdreg s2  }
0xb0: {  	[dreg:$0x4] =	wrdreg $0x9  }
0xb1: {  	_ =	task.clear_ibuf [dreg:s7], $0x5FFFF;
	_ =	strace $0x90000046  }
0xb2: {  	s29 =	simm.s32 $0x9;
	_ =	strace $0x80000048  }
0xb3: {  	_ =	swait.ge [sflag:s29], $0x1  }
0xb4: {  	[sflag:s29] =	ssyncadd.s32 $0xFFFFFFFF  }
0xb5: {  	_ =	strace $0x90000048  }
0xb6: {  	_ =	sfence  }
0xb7: {  	s30 =	sld [smem:$0x0];
	_ =	sdelay $0x2  }
0xb8: {  	s31 =	sshll.u32 s1, $0xD;
	s1 =	sshrl.u32 s1, $0x2  }
0xb9: {  	s3 =	sand.u32 $0x4000, s31;
	s1 =	sadd.s32 s1, s30  }
0xba: {  	s0 =	sor.u32 s3, s0;
	s1 =	sshll.u32 s1, $0x11  }
0xbb: {  	s0 =	sor.u32 s1, s0  }
0xbc: {  	s0 =	sadd.s32 $0x8F2B, s0  }
0xbd: {  	[sflag:s0] =	ssyncadd.remote.s32 $0x1  }
0xbe: {  	_ =	sfence.sel $0xFFFF  }
0xbf: {  	[dreg:$0x0] =	wrdreg $0xFFFFFFFF;
	(pc) =	sbr.abs _section_cstart, $3  }
0xc0: {  	[dreg:$0x1] =	wrdreg $0xFFFFFFFF  }
0xc1: {  	_ =	task.clear_ibuf [dreg:s7], $0x2FFFF;
	_ =	strace $0x9FFFFFFF  }
0xc2: {  	(tm) =	ssettm $0x7FFFFFFF  }
0xc3: {  	_ =	shalt  }
tec
execute0_lowered:
.L_overlay_start_1:
0x0: {  	(tag) =	ssettag $0x1  }
0x1: {  	s0 =	rddreg [dreg:$0x0]  }
0x2: {  	s2 =	rddreg [dreg:$0x1]  }
0x3: {  	s1 =	srdreg.scid;
	s3 =	stileid.u32  }
0x4: {  	s5 =	simm.s32 $0x0;
	s9 =	simm.s32 $0x80;
	s11 =	simm.s32 $0x9  }
0x5: {  	s12 =	simm.s32 $0x6400;
	s13 =	simm.s32 $0x9600;
	s14 =	simm.s32 $0xB600  }
0x6: {  	s16 =	simm.s32 $0xD600;
	s18 =	simm.s32 $0xF600;
	s19 =	simm.s32 $0x1  }
0x7: {  	s20 =	simm.s32 $0x11600;
	s21 =	simm.s32 $0x400;
	s22 =	simm.s32 $0x8000  }
0x8: {  	s23 =	simm.s32 $0x2;
	s24 =	simm.s32 $0x13600;
	s25 =	simm.s32 $0x3  }
0x9: {  	s28 =	simm.s32 $0x4;
	s29 =	simm.s32 $0x17600;
	s10 =	simm.s32 $0x0  }
0xa: {  	v0 =	vlaneseq.u32;
	s1 =	sand.u32 $0x1, s1;
	s4 =	sshll.u32 s3, $0x1;
	[smem:$0x7FF] =	sst s5  }
0xb: {  	v1 =	vmul.u32 $0x40, v0;
	s26 =	sor.u32 s1, s4;
	_ =	strace $0x80000047;
	s1 =	ssub.s32 $0x2, s1  }
.Ltmp0:
0xc: {  	v2 =	vand.u32 $0x7, v0;
	v4 =	vor.u32 $0x10, v0;
	v6 =	vor.u32 $0x20, v0;
	s4 =	sshll.u32 s26, $0x4;
	s7 =	sshrl.u32 s1, $0x1;
	(pc) =	sbr.rel .LBB2_1-.Ltmp0, $4  }
0xd: {  	v8 =	vor.u32 $0x30, v0;
	v10 =	vor.u32 $0x40, v0;
	v12 =	vor.u32 $0x50, v0;
	s6 =	sadd.s32 s4, s0;
	s4 =	sadd.s32 $0x19C00, s0;
	s0 =	sadd.s32 $0x400, s0  }
0xe: {  	v14 =	vor.u32 $0x60, v0;
	v16 =	vor.u32 $0x70, v0;
	v3 =	vor.u32 $0x400, v1;
	s30 =	ssub.s32 s1, s7;
	[dreg:$0x3] =	wrdreg s0;
	s31 =	sadd.s32 $0xC00, s6  }
0xf: {  	v5 =	vor.u32 $0x800, v1;
	v7 =	vor.u32 $0xC00, v1;
	v9 =	vor.u32 $0x1000, v1;
	s7 =	sshll.u32 s26, $0xA;
	s0 =	smax.u32 s30, $0x1;
	[dreg:$0x4] =	wrdreg s31  }
0x10: {  	v11 =	vor.u32 $0x1400, v1;
	v13 =	vor.u32 $0x1800, v1;
	v15 =	vor.u32 $0x1C00, v1;
	s26 =	simm.s32 $0x15600;
	s1 =	simm.s32 $0x8;
	[dreg:$0x5] =	wrdreg s0  }
.LBB2_12:
0x11: {  	s0 =	simm.s32 $0x5  }
0x12: {  	_ =	swait.ge [sflag:s0], $0x2000  }
0x13: {  	[sflag:s0] =	ssyncset.done $0x0  }
0x14: {  	s17 =	simm.s32 $0x6;
	[sflag:s0] =	ssyncadd.s32 $0xFFFFE000  }
0x15: {  	_ =	swait.ge [sflag:s17], $0x2000  }
0x16: {  	[sflag:s17] =	ssyncset.done $0x0  }
0x17: {  	s30 =	simm.s32 $0x7;
	[sflag:s17] =	ssyncadd.s32 $0xFFFFE000  }
0x18: {  	_ =	swait.ge [sflag:s30], $0x2000  }
0x19: {  	[sflag:s30] =	ssyncset.done $0x0  }
0x1a: {  	[sflag:s30] =	ssyncadd.s32 $0xFFFFE000  }
0x1b: {  	_ =	swait.ge [sflag:s1], $0x2000  }
0x1c: {  	s10 =	sadd.s32 $0x1, s10;
	s31 =	rddreg [dreg:$0x5]  }
0x1d: {  	p0 =	sne.s32 s10, s31  }
.Ltmp1:
0x1e: {  	_ = 	snop;
	(pc) =	sbr.rel @!p0 .LBB2_13-.Ltmp1, $3  }
0x1f: {  	_ =	sdelay $0x1  }
0x20: {  	[sflag:s1] =	ssyncset.done $0x0  }
0x21: {  	[sflag:s1] =	ssyncadd.s32 $0xFFFFE000  }
.LBB2_1:
0x22: {  	s0 =	simm.s32 $0x0;
	s3 =	rddreg [dreg:$0x4];
	s5 =	simm.s32 $0x1000  }
0x23: {  	[tilespmem:s0], [sflag:$0x9] =	stream.strided.gather [hbm4b:s3+s9], $0x6400, s5, s9, $0x38;
	[tilespmem:$0x19600] =	vst v63  }
0x24: {  	_ =	swait.ge [sflag:s11], $0x6400  }
0x25: {  	[sflag:s11] =	ssyncset.done $0x0  }
0x26: {  	s17 =	rddreg [dreg:$0x3];
	[sflag:s11] =	ssyncadd.s32 $0xFFFF9C00  }
0x27: {  	[tilespmem:s12], [sflag:$0x9] =	stream.linear.gather [hbm4b:s17+s0], $0x3200, $0x38;
	[tilespmem:$0x19600] =	vst v63  }
0x28: {  	_ =	swait.ge [sflag:s11], $0x3200  }
0x29: {  	[sflag:s11] =	ssyncset.done $0x0  }
0x2a: {  	[sflag:s11] =	ssyncadd.s32 $0xFFFFCE00  }
0x2b: {  	[tilespmem:s13], [sflag:$0x1] =	stream.indirect.gather [hbm4b:s4+s9], $0x40, s0, s9, $0xb8;
	[tilespmem:$0x19600] =	vst v63  }
0x2c: {  	_ = 	snop  }
0x2d: {  	[tilespmem:s14], [sflag:$0x2] =	stream.indirect.gather [hbm4b:s4+s9], $0x40, s9, s9, $0xb8;
	[tilespmem:$0x19600] =	vst v63  }
0x2e: {  	s30 =	simm.s32 $0x100  }
0x2f: {  	[tilespmem:s16], [sflag:$0x3] =	stream.indirect.gather [hbm4b:s4+s9], $0x40, s30, s9, $0xb8;
	[tilespmem:$0x19600] =	vst v63  }
0x30: {  	s31 =	simm.s32 $0x180;
	s15 =	simm.s32 $0x0  }
0x31: {  	[tilespmem:s18], [sflag:$0x4] =	stream.indirect.gather [hbm4b:s4+s9], $0x40, s31, s9, $0xb8;
	[tilespmem:$0x19600] =	vst v63  }
.LBB2_2:
0x32: {  	s5 =	simm.s32 $0x0  }
0x33: {  	s17 =	sshll.u32 s15, $0x2;
	v18 =	vadd.s32 s5, v0  }
0x34: {  	s6 =	sshll.u32 s17, $0x6;
	s5 =	sand.u32 $0x30, s5;
	v17 =	vand.u32 $0xF, v18  }
0x35: {  	v27 =	vmov s6;
	v19 =	vand.u32 $0x7, v18;
	v20 =	vor.u32 s5, v17  }
0x36: {  	_ =	swait.ge [sflag:s19], $0x2000;
	v17 =	vor.u32 v27, v19;
	v21 =	vand.u32 $0x38, v20  }
0x37: {  	p0 =	seq.s32 s15, $0x0;
	[sflag:s19] =	ssyncset.done $0x0;
	v17 =	vor.u32 v21, v17;
	v30 =	vor.u32 v19, v21  }
0x38: {  	[sflag:s19] =	ssyncadd.s32 $0xFFFFE000;
	s5 =	simm.s32 @!p0 $0x5;
	v19 =	vor.u32 v1, v30  }
0x39: {  	_ =	swait.ge @!p0 [sflag:s5], $0x2000  }
0x3a: {  	[sflag:s5] =	ssyncset.done @!p0 $0x0  }
0x3b: {  	[sflag:s5] =	ssyncadd.s32 @!p0 $0xFFFFE000  }
0x3c: {  	v31 =	vshll.u32 v18, $0x7;
	v18 =	vshll.u32 v20, $0x7;
	v17 =	vld.idx.msk [tilespmem:v17+s12+$0x0], $0xffff  }
0x3d: {  	v20 =	vor.u32 v0, v31;
	v18 =	vand.u32 $0x1C00, v18;
	v19 =	vld.idx.msk [tilespmem:v19+s13+$0x0], $0xffff  }
0x3e: {  	v20 =	vand.u32 $0x388, v20;
	v32 =	vor.u32 v2, v18  }
0x3f: {  	v18 =	vor.u32 v20, v32  }
0x40: {  	v20 =	vor.u32 v3, v30;
	_ =	sdelay $0x1  }
0x41: {  	s6 =	simm.s32 $0x1;
	v19 =	vadd.f32 v19, v17  }
0x42: {  	v21 =	vadd.s32 s6, v0  }
0x43: {  	v22 =	vand.u32 $0xF, v21;
	s5 =	sand.u32 $0x30, s6;
	[tilespmem:v18+s20+$0x0] =	vst.idx.msk $0xffff, v19  }
0x44: {  	v23 =	vor.u32 s5, v22;
	v18 =	vand.u32 $0x7, v21;
	v19 =	vor.u32 v4, v31;
	v22 =	vld.idx.msk [tilespmem:v20+s13+$0x0], $0xffff  }
0x45: {  	v24 =	vand.u32 $0x38, v23;
	v20 =	vor.u32 v27, v18;
	v19 =	vand.u32 $0x398, v19  }
0x46: {  	v25 =	vor.u32 v24, v20;
	v19 =	vor.u32 v19, v32  }
0x47: {  	v20 =	vor.u32 v18, v24;
	v24 =	vor.u32 v5, v30  }
0x48: {  	v26 =	vor.u32 v1, v20  }
0x49: {  	v22 =	vadd.f32 v22, v17;
	_ =	sdelay $0x1  }
0x4a: {  	v18 =	vld.idx.msk [tilespmem:v25+s12+$0x0], $0xffff;
	[tilespmem:v19+s20+$0x0] =	vst.idx.msk $0xffff, v22  }
0x4b: {  	v23 =	vshll.u32 v23, $0x7;
	v22 =	vshll.u32 v21, $0x7;
	v19 =	vor.u32 v6, v31;
	v21 =	vld.idx.msk [tilespmem:v24+s13+$0x0], $0xffff  }
0x4c: {  	v26 =	vld.idx.msk [tilespmem:v26+s13+$0x0], $0xffff;
	v24 =	vor.u32 v0, v22;
	v25 =	vand.u32 $0x3A8, v19;
	v19 =	vand.u32 $0x1C00, v23  }
0x4d: {  	v23 =	vand.u32 $0x388, v24;
	v19 =	vor.u32 v2, v19;
	v24 =	vor.u32 v25, v32  }
0x4e: {  	v25 =	vor.u32 v7, v30;
	v23 =	vor.u32 v23, v19  }
0x4f: {  	v28 =	vor.u32 v3, v20  }
0x50: {  	s8 =	simm.s32 $0x2;
	v21 =	vadd.f32 v21, v17  }
0x51: {  	v29 =	vadd.s32 s8, v0;
	v26 =	vadd.f32 v26, v18  }
0x52: {  	v33 =	vand.u32 $0xF, v29;
	s5 =	sand.u32 $0x30, s8;
	v34 =	vor.u32 v4, v22;
	[tilespmem:v24+s20+$0x0] =	vst.idx.msk $0xffff, v21  }
0x53: {  	v33 =	vor.u32 s5, v33;
	v21 =	vand.u32 $0x7, v29;
	v24 =	vor.u32 v8, v31;
	[tilespmem:v23+s20+$0x0] =	vst.idx.msk $0xffff, v26;
	v23 =	vld.idx.msk [tilespmem:v25+s13+$0x0], $0xffff  }
0x54: {  	v26 =	vand.u32 $0x38, v33;
	v25 =	vor.u32 v27, v21;
	v28 =	vld.idx.msk [tilespmem:v28+s13+$0x0], $0xffff;
	v24 =	vand.u32 $0x3B8, v24  }
0x55: {  	v35 =	vor.u32 v26, v25;
	v25 =	vand.u32 $0x398, v34;
	v24 =	vor.u32 v24, v32  }
0x56: {  	v36 =	vor.u32 v9, v30;
	v34 =	vor.u32 v25, v19  }
0x57: {  	v25 =	vor.u32 v21, v26;
	v26 =	vor.u32 v5, v20  }
0x58: {  	v23 =	vadd.f32 v23, v17  }
0x59: {  	s30 =	simm.s32 $0x3;
	v37 =	vor.u32 v1, v25;
	v28 =	vadd.f32 v28, v18  }
0x5a: {  	v38 =	vadd.s32 s30, v0;
	[tilespmem:v24+s20+$0x0] =	vst.idx.msk $0xffff, v23  }
0x5b: {  	v56 =	vor.u32 v11, v30;
	v24 =	vor.u32 v10, v31;
	[tilespmem:v34+s20+$0x0] =	vst.idx.msk $0xffff, v28;
	v28 =	vld.idx.msk [tilespmem:v36+s13+$0x0], $0xffff  }
0x5c: {  	v52 =	vor.u32 v6, v22;
	v33 =	vshll.u32 v33, $0x7;
	v26 =	vld.idx.msk [tilespmem:v26+s13+$0x0], $0xffff;
	v24 =	vand.u32 $0x3C8, v24  }
0x5d: {  	v21 =	vld.idx.msk [tilespmem:v35+s12+$0x0], $0xffff;
	v23 =	vshll.u32 v29, $0x7;
	v34 =	vand.u32 $0x3A8, v52;
	v54 =	vor.u32 v24, v32  }
0x5e: {  	v29 =	vor.u32 v0, v23;
	v53 =	vld.idx.msk [tilespmem:v37+s13+$0x0], $0xffff;
	v55 =	vor.u32 v34, v19;
	v24 =	vand.u32 $0x1C00, v33  }
0x5f: {  	v57 =	vor.u32 v7, v20;
	v29 =	vand.u32 $0x388, v29;
	v24 =	vor.u32 v2, v24  }
0x60: {  	v40 =	vand.u32 $0xF, v38;
	v29 =	vor.u32 v29, v24;
	v28 =	vadd.f32 v28, v17  }
0x61: {  	v58 =	vand.u32 $0x7, v38;
	s5 =	sand.u32 $0x30, s30;
	v39 =	vor.u32 v3, v25;
	v26 =	vadd.f32 v26, v18  }
0x62: {  	v61 =	vor.u32 v27, v58;
	v42 =	vor.u32 v13, v30;
	v60 =	vor.u32 s5, v40;
	[tilespmem:v54+s20+$0x0] =	vst.idx.msk $0xffff, v28  }
0x63: {  	v35 =	vadd.f32 v53, v21;
	v28 =	vor.u32 v12, v31;
	[tilespmem:v55+s20+$0x0] =	vst.idx.msk $0xffff, v26;
	v59 =	vld.idx.msk [tilespmem:v56+s13+$0x0], $0xffff  }
0x64: {  	v41 =	vand.u32 $0x38, v60;
	v26 =	vor.u32 v8, v22;
	v37 =	vld.idx.msk [tilespmem:v57+s13+$0x0], $0xffff;
	v28 =	vand.u32 $0x3D8, v28  }
0x65: {  	[tilespmem:v29+s20+$0x0] =	vst.idx.msk $0xffff, v35;
	v29 =	vor.u32 v41, v61;
	v26 =	vand.u32 $0x3B8, v26;
	v62 =	vor.u32 v28, v32  }
0x66: {  	v44 =	vor.u32 v9, v20;
	v28 =	vor.u32 v4, v23;
	v39 =	vld.idx.msk [tilespmem:v39+s13+$0x0], $0xffff;
	v63 =	vor.u32 v26, v19  }
0x67: {  	v50 =	vor.u32 v10, v22;
	v26 =	vand.u32 $0x398, v28;
	v28 =	vor.u32 v58, v41  }
0x68: {  	v43 =	vor.u32 v26, v24;
	v41 =	vor.u32 v1, v28;
	v45 =	vadd.f32 v59, v17  }
0x69: {  	v48 =	vor.u32 v5, v25;
	v52 =	vor.u32 v14, v31;
	v37 =	vadd.f32 v37, v18  }
0x6a: {  	s31 =	simm.s32 $0x4;
	v34 =	vshll.u32 v60, $0x7;
	v54 =	vor.u32 v6, v23;
	v26 =	vld.idx.msk [tilespmem:v29+s12+$0x0], $0xffff;
	[tilespmem:v62+s20+$0x0] =	vst.idx.msk $0xffff, v45  }
0x6b: {  	v33 =	vadd.s32 s31, v0;
	v29 =	vshll.u32 v38, $0x7;
	v49 =	vadd.f32 v39, v21;
	[tilespmem:v63+s20+$0x0] =	vst.idx.msk $0xffff, v37;
	v51 =	vld.idx.msk [tilespmem:v42+s13+$0x0], $0xffff  }
0x6c: {  	v56 =	vor.u32 v15, v30;
	v53 =	vor.u32 v0, v29;
	v39 =	vand.u32 $0x3E8, v52;
	v55 =	vld.idx.msk [tilespmem:v44+s13+$0x0], $0xffff  }
0x6d: {  	v34 =	vand.u32 $0x1C00, v34;
	v37 =	vand.u32 $0x3C8, v50;
	v39 =	vor.u32 v39, v32;
	[tilespmem:v43+s20+$0x0] =	vst.idx.msk $0xffff, v49;
	v41 =	vld.idx.msk [tilespmem:v41+s13+$0x0], $0xffff  }
0x6e: {  	v30 =	vor.u32 v2, v34;
	v40 =	vand.u32 $0x388, v53;
	v37 =	vor.u32 v37, v19;
	v36 =	vld.idx.msk [tilespmem:v48+s13+$0x0], $0xffff  }
0x6f: {  	v58 =	vor.u32 v11, v20;
	v42 =	vand.u32 $0x3A8, v54;
	v40 =	vor.u32 v40, v30  }
0x70: {  	v46 =	vor.u32 v3, v28;
	v57 =	vor.u32 v42, v24;
	v60 =	vadd.f32 v51, v17  }
0x71: {  	v61 =	vor.u32 v16, v31;
	v59 =	vor.u32 v7, v25;
	v35 =	vadd.f32 v55, v18  }
0x72: {  	v47 =	vand.u32 $0xF, v33;
	v62 =	vor.u32 v12, v22;
	v48 =	vadd.f32 v41, v26;
	[tilespmem:v39+s20+$0x0] =	vst.idx.msk $0xffff, v60  }
0x73: {  	v38 =	vand.u32 $0x7, v33;
	v63 =	vand.u32 $0x3F8, v61;
	v36 =	vadd.f32 v36, v21;
	[tilespmem:v37+s20+$0x0] =	vst.idx.msk $0xffff, v35;
	v31 =	vld.idx.msk [tilespmem:v56+s13+$0x0], $0xffff  }
0x74: {  	s5 =	sand.u32 $0x30, s31;
	v43 =	vor.u32 v27, v38;
	v32 =	vor.u32 v63, v32;
	[tilespmem:v40+s20+$0x0] =	vst.idx.msk $0xffff, v48;
	v34 =	vld.idx.msk [tilespmem:v58+s13+$0x0], $0xffff  }
0x75: {  	v41 =	vor.u32 v4, v29;
	v35 =	vor.u32 s5, v47;
	[tilespmem:v57+s20+$0x0] =	vst.idx.msk $0xffff, v36;
	v40 =	vld.idx.msk [tilespmem:v46+s13+$0x0], $0xffff  }
0x76: {  	v39 =	vor.u32 v8, v23;
	s5 =	simm.s32 $0x5;
	v37 =	vand.u32 $0x3D8, v62;
	v42 =	vand.u32 $0x38, v35;
	v36 =	vld.idx.msk [tilespmem:v59+s13+$0x0], $0xffff  }
.LBB2_3:
0x77: {  	p1 =	sne.s32 s5, $0x3F;
	v43 =	vor.u32 v42, v43;
	v39 =	vand.u32 $0x3B8, v39;
	v37 =	vor.u32 v37, v19;
	v44 =	vmovc v29;
	v45 =	vmovc v19  }
0x78: {  	v29 =	vand.u32 $0x398, v41;
	v41 =	vor.u32 v13, v20;
	v19 =	vmovc v24;
	v39 =	vor.u32 v39, v24;
	v24 =	vmovc v30  }
0x79: {  	v46 =	vor.u32 v9, v25;
	v30 =	vor.u32 v29, v24;
	v29 =	vadd.f32 v31, v17;
	v17 =	vmovc v18  }
0x7a: {  	v31 =	vor.u32 v38, v42;
	v38 =	vor.u32 v5, v28;
	v18 =	vmovc v21;
	v34 =	vadd.f32 v34, v17  }
0x7b: {  	v21 =	vmov v26;
	v42 =	vor.u32 v1, v31;
	v36 =	vadd.f32 v36, v18;
	[tilespmem:v32+s20+$0x0] =	vst.idx.msk $0xffff, v29  }
0x7c: {  	v29 =	vshll.u32 v33, $0x7;
	v33 =	vadd.s32 s5, v0;
	v32 =	vadd.f32 v40, v21;
	v26 =	vld.idx.msk [tilespmem:v43+s12+$0x0], $0xffff;
	[tilespmem:v37+s20+$0x0] =	vst.idx.msk $0xffff, v34  }
0x7d: {  	v34 =	vor.u32 v10, v23;
	v37 =	vor.u32 v14, v22;
	[tilespmem:v39+s20+$0x0] =	vst.idx.msk $0xffff, v36;
	v36 =	vld.idx.msk [tilespmem:v41+s13+$0x0], $0xffff  }
0x7e: {  	v39 =	vor.u32 v0, v29;
	[tilespmem:v30+s20+$0x0] =	vst.idx.msk $0xffff, v32;
	v30 =	vor.u32 v6, v44;
	v32 =	vld.idx.msk [tilespmem:v46+s13+$0x0], $0xffff  }
0x7f: {  	v40 =	vld.idx.msk [tilespmem:v38+s13+$0x0], $0xffff;
	v38 =	vand.u32 $0x3A8, v30;
	v30 =	vand.u32 $0x3C8, v34;
	v34 =	vand.u32 $0x3E8, v37  }
0x80: {  	v35 =	vshll.u32 v35, $0x7;
	v39 =	vand.u32 $0x388, v39;
	v37 =	vld.idx.msk [tilespmem:v42+s13+$0x0], $0xffff;
	v34 =	vor.u32 v34, v45  }
0x81: {  	v35 =	vand.u32 $0x1C00, v35;
	v41 =	vor.u32 v30, v19;
	v42 =	vor.u32 v15, v20;
	v20 =	vmovc v25;
	v25 =	vmovc v28  }
0x82: {  	v30 =	vor.u32 v2, v35;
	v35 =	vor.u32 v38, v24;
	v28 =	vmovc v31;
	v43 =	vor.u32 v11, v20  }
0x83: {  	v46 =	vor.u32 v39, v30;
	v47 =	vor.u32 v7, v25;
	v31 =	vadd.f32 v36, v17  }
0x84: {  	v38 =	vand.u32 $0x7, v33;
	v48 =	vor.u32 v3, v28;
	v32 =	vadd.f32 v32, v18  }
.Ltmp2:
0x85: {  	v22 =	vor.u32 v16, v22;
	v36 =	vand.u32 $0xF, v33;
	v39 =	vadd.f32 v40, v21;
	[tilespmem:v34+s20+$0x0] =	vst.idx.msk $0xffff, v31;
	(pc) =	sbr.rel @p1 .LBB2_3-.Ltmp2, $4  }
0x86: {  	v37 =	vadd.f32 v37, v26;
	[tilespmem:v41+s20+$0x0] =	vst.idx.msk $0xffff, v32;
	v32 =	vor.u32 v12, v23;
	v31 =	vld.idx.msk [tilespmem:v42+s13+$0x0], $0xffff  }
0x87: {  	s6 =	sand.u32 $0x30, s5;
	v41 =	vor.u32 v4, v29;
	[tilespmem:v35+s20+$0x0] =	vst.idx.msk $0xffff, v39;
	v39 =	vor.u32 v8, v44;
	v34 =	vld.idx.msk [tilespmem:v43+s13+$0x0], $0xffff  }
0x88: {  	v35 =	vor.u32 s6, v36;
	v43 =	vor.u32 v27, v38;
	[tilespmem:v46+s20+$0x0] =	vst.idx.msk $0xffff, v37;
	v36 =	vld.idx.msk [tilespmem:v47+s13+$0x0], $0xffff;
	v46 =	vand.u32 $0x3F8, v22  }
0x89: {  	s5 =	sadd.s32 $0x1, s5;
	v42 =	vand.u32 $0x38, v35;
	v37 =	vand.u32 $0x3D8, v32;
	v22 =	vmovc v23;
	v23 =	vmovc v44;
	v40 =	vld.idx.msk [tilespmem:v48+s13+$0x0], $0xffff;
	v32 =	vor.u32 v46, v45  }
0x8a: {  	v27 =	vor.u32 v42, v43;
	v38 =	vor.u32 v38, v42  }
0x8b: {  	v42 =	vor.u32 v1, v38;
	_ =	sdelay $0x3  }
0x8c: {  	v33 =	vshll.u32 v33, $0x7;
	v35 =	vshll.u32 v35, $0x7;
	v27 =	vld.idx.msk [tilespmem:v27+s12+$0x0], $0xffff  }
0x8d: {  	v48 =	vor.u32 v0, v33;
	v35 =	vand.u32 $0x1C00, v35;
	v42 =	vld.idx.msk [tilespmem:v42+s13+$0x0], $0xffff  }
0x8e: {  	v43 =	vand.u32 $0x388, v48;
	v35 =	vor.u32 v2, v35  }
0x8f: {  	v43 =	vor.u32 v43, v35  }
0x90: {  	v44 =	vor.u32 v3, v38;
	_ =	sdelay $0x1  }
0x91: {  	v42 =	vadd.f32 v42, v27;
	_ =	sdelay $0x1  }
0x92: {  	[tilespmem:v43+s20+$0x0] =	vst.idx.msk $0xffff, v42  }
0x93: {  	v41 =	vand.u32 $0x398, v41;
	v49 =	vor.u32 v4, v33;
	v43 =	vld.idx.msk [tilespmem:v44+s13+$0x0], $0xffff  }
0x94: {  	v41 =	vor.u32 v41, v30;
	v42 =	vand.u32 $0x398, v49  }
0x95: {  	v50 =	vor.u32 v5, v28;
	v42 =	vor.u32 v42, v35  }
0x96: {  	v45 =	vor.u32 v5, v38  }
0x97: {  	v40 =	vadd.f32 v40, v26  }
0x98: {  	v43 =	vadd.f32 v43, v27  }
0x99: {  	[tilespmem:v41+s20+$0x0] =	vst.idx.msk $0xffff, v40  }
0x9a: {  	v51 =	vor.u32 v6, v29;
	v41 =	vld.idx.msk [tilespmem:v50+s13+$0x0], $0xffff;
	[tilespmem:v42+s20+$0x0] =	vst.idx.msk $0xffff, v43  }
0x9b: {  	v52 =	vor.u32 v6, v33;
	v40 =	vand.u32 $0x3A8, v51;
	v43 =	vld.idx.msk [tilespmem:v45+s13+$0x0], $0xffff  }
0x9c: {  	v40 =	vor.u32 v40, v30;
	v42 =	vand.u32 $0x3A8, v52  }
0x9d: {  	v53 =	vor.u32 v7, v28;
	v42 =	vor.u32 v42, v35  }
0x9e: {  	v54 =	vor.u32 v7, v38  }
0x9f: {  	v41 =	vadd.f32 v41, v26  }
0xa0: {  	v43 =	vadd.f32 v43, v27  }
0xa1: {  	[tilespmem:v40+s20+$0x0] =	vst.idx.msk $0xffff, v41  }
0xa2: {  	v39 =	vand.u32 $0x3B8, v39;
	v55 =	vor.u32 v8, v29;
	v41 =	vld.idx.msk [tilespmem:v53+s13+$0x0], $0xffff;
	[tilespmem:v42+s20+$0x0] =	vst.idx.msk $0xffff, v43  }
0xa3: {  	v39 =	vor.u32 v39, v24;
	v56 =	vor.u32 v8, v33;
	v40 =	vand.u32 $0x3B8, v55;
	v43 =	vld.idx.msk [tilespmem:v54+s13+$0x0], $0xffff  }
0xa4: {  	v57 =	vor.u32 v9, v25;
	v40 =	vor.u32 v40, v30;
	v42 =	vand.u32 $0x3B8, v56  }
0xa5: {  	v58 =	vor.u32 v9, v28;
	v42 =	vor.u32 v42, v35  }
0xa6: {  	v46 =	vor.u32 v9, v38;
	v36 =	vadd.f32 v36, v21  }
0xa7: {  	v41 =	vadd.f32 v41, v26  }
0xa8: {  	[tilespmem:v39+s20+$0x0] =	vst.idx.msk $0xffff, v36;
	v59 =	vadd.f32 v43, v27  }
0xa9: {  	v60 =	vor.u32 v10, v23;
	v61 =	vld.idx.msk [tilespmem:v57+s13+$0x0], $0xffff;
	[tilespmem:v40+s20+$0x0] =	vst.idx.msk $0xffff, v41  }
0xaa: {  	v62 =	vor.u32 v10, v29;
	v39 =	vand.u32 $0x3C8, v60;
	v41 =	vld.idx.msk [tilespmem:v58+s13+$0x0], $0xffff;
	[tilespmem:v42+s20+$0x0] =	vst.idx.msk $0xffff, v59  }
0xab: {  	v48 =	vand.u32 $0x3C8, v62;
	v63 =	vor.u32 v39, v24;
	v49 =	vor.u32 v10, v33;
	v42 =	vld.idx.msk [tilespmem:v46+s13+$0x0], $0xffff  }
0xac: {  	v50 =	vor.u32 v11, v25;
	v39 =	vor.u32 v48, v30;
	v40 =	vand.u32 $0x3C8, v49  }
0xad: {  	v51 =	vor.u32 v11, v28;
	v40 =	vor.u32 v40, v35  }
0xae: {  	v52 =	vor.u32 v11, v38;
	v43 =	vadd.f32 v61, v21  }
0xaf: {  	v41 =	vadd.f32 v41, v26  }
0xb0: {  	v37 =	vor.u32 v37, v19;
	[tilespmem:v63+s20+$0x0] =	vst.idx.msk $0xffff, v43;
	v53 =	vadd.f32 v42, v27  }
0xb1: {  	v60 =	vor.u32 v12, v33;
	v54 =	vor.u32 v12, v23;
	[tilespmem:v39+s20+$0x0] =	vst.idx.msk $0xffff, v41;
	v44 =	vld.idx.msk [tilespmem:v50+s13+$0x0], $0xffff  }
0xb2: {  	v56 =	vor.u32 v12, v29;
	v55 =	vand.u32 $0x3D8, v54;
	v57 =	vld.idx.msk [tilespmem:v51+s13+$0x0], $0xffff;
	[tilespmem:v40+s20+$0x0] =	vst.idx.msk $0xffff, v53  }
0xb3: {  	v58 =	vor.u32 v55, v24;
	v59 =	vand.u32 $0x3D8, v56;
	v42 =	vor.u32 v13, v20;
	v61 =	vld.idx.msk [tilespmem:v52+s13+$0x0], $0xffff  }
0xb4: {  	v62 =	vor.u32 v13, v25;
	v39 =	vor.u32 v59, v30;
	v40 =	vand.u32 $0x3D8, v60  }
0xb5: {  	v34 =	vadd.f32 v34, v18;
	v63 =	vor.u32 v13, v28;
	v40 =	vor.u32 v40, v35  }
0xb6: {  	v48 =	vor.u32 v13, v38;
	v44 =	vadd.f32 v44, v21  }
0xb7: {  	v47 =	vor.u32 v14, v22;
	[tilespmem:v37+s20+$0x0] =	vst.idx.msk $0xffff, v34;
	v53 =	vadd.f32 v57, v26  }
0xb8: {  	v56 =	vor.u32 v14, v23;
	[tilespmem:v58+s20+$0x0] =	vst.idx.msk $0xffff, v44;
	v42 =	vld.idx.msk [tilespmem:v42+s13+$0x0], $0xffff;
	v54 =	vadd.f32 v61, v27  }
0xb9: {  	v20 =	vor.u32 v15, v20;
	v57 =	vand.u32 $0x3E8, v56;
	v52 =	vand.u32 $0x3E8, v47;
	v55 =	vld.idx.msk [tilespmem:v62+s13+$0x0], $0xffff;
	[tilespmem:v39+s20+$0x0] =	vst.idx.msk $0xffff, v53  }
0xba: {  	v58 =	vor.u32 v14, v29;
	v34 =	vor.u32 v52, v19;
	v39 =	vld.idx.msk [tilespmem:v63+s13+$0x0], $0xffff;
	[tilespmem:v40+s20+$0x0] =	vst.idx.msk $0xffff, v54  }
0xbb: {  	v59 =	vor.u32 v57, v24;
	v60 =	vand.u32 $0x3E8, v58;
	v61 =	vor.u32 v14, v33;
	v40 =	vld.idx.msk [tilespmem:v48+s13+$0x0], $0xffff  }
0xbc: {  	v25 =	vor.u32 v15, v25;
	v37 =	vor.u32 v60, v30;
	v43 =	vand.u32 $0x3E8, v61  }
0xbd: {  	v28 =	vor.u32 v15, v28;
	v42 =	vadd.f32 v42, v18;
	v43 =	vor.u32 v43, v35  }
0xbe: {  	v38 =	vor.u32 v15, v38;
	v41 =	vadd.f32 v55, v21  }
0xbf: {  	v22 =	vor.u32 v16, v22;
	v62 =	vadd.f32 v39, v26;
	[tilespmem:v34+s20+$0x0] =	vst.idx.msk $0xffff, v42  }
0xc0: {  	v22 =	vand.u32 $0x3F8, v22;
	[tilespmem:v59+s20+$0x0] =	vst.idx.msk $0xffff, v41;
	v20 =	vld.idx.msk [tilespmem:v20+s13+$0x0], $0xffff;
	v63 =	vadd.f32 v40, v27  }
0xc1: {  	v19 =	vor.u32 v22, v19;
	v22 =	vor.u32 v16, v23;
	v23 =	vld.idx.msk [tilespmem:v25+s13+$0x0], $0xffff;
	[tilespmem:v37+s20+$0x0] =	vst.idx.msk $0xffff, v62  }
0xc2: {  	v22 =	vand.u32 $0x3F8, v22;
	v25 =	vor.u32 v16, v29;
	v28 =	vld.idx.msk [tilespmem:v28+s13+$0x0], $0xffff;
	[tilespmem:v43+s20+$0x0] =	vst.idx.msk $0xffff, v63  }
0xc3: {  	v22 =	vor.u32 v22, v24;
	v24 =	vand.u32 $0x3F8, v25;
	v25 =	vor.u32 v16, v33;
	v29 =	vld.idx.msk [tilespmem:v38+s13+$0x0], $0xffff  }
0xc4: {  	v17 =	vadd.f32 v31, v17;
	v24 =	vor.u32 v24, v30;
	v25 =	vand.u32 $0x3F8, v25  }
0xc5: {  	v18 =	vadd.f32 v20, v18;
	v20 =	vor.u32 v25, v35  }
0xc6: {  	[tilespmem:v32+s20+$0x0] =	vst.idx.msk $0xffff, v17;
	v17 =	vadd.f32 v23, v21  }
0xc7: {  	s5 =	sshll.u32 s15, $0x14;
	[tilespmem:v19+s20+$0x0] =	vst.idx.msk $0xffff, v18;
	v18 =	vadd.f32 v28, v26  }
0xc8: {  	s5 =	sor.u32 s7, s5;
	[tilespmem:v22+s20+$0x0] =	vst.idx.msk $0xffff, v17;
	v17 =	vadd.f32 v29, v27  }
0xc9: {  	s5 =	sshrl.u32 s5, $0x3;
	[tilespmem:v24+s20+$0x0] =	vst.idx.msk $0xffff, v18  }
0xca: {  	p1 =	seq.s32 s15, $0x31;
	s5 =	sadd.s32 s2, s5;
	[tilespmem:v20+s20+$0x0] =	vst.idx.msk $0xffff, v17  }
0xcb: {  	[hbm4b:s5+s21] =	stream.strided.scatter [tilespmem:s20], [sflag:$0x5], $0x2000, s22, s21, $0x38;
	[tilespmem:$0x19600] =	vst v63  }
0xcc: {  	s8 =	simm.s32 $0x0;
	s6 =	sor.u32 $0x1, s17;
	s5 =	sshll.u32 @!p1 s15, $0x9  }
0xcd: {  	s30 =	simm.s32 @!p1 $0x80;
	s31 =	simm.s32 @!p1 $0x9600;
	v18 =	vadd.s32 s8, v0;
	s5 =	sand.u32 @!p1 $0x3FFFFE00, s5  }
0xce: {  	s0 =	sshll.u32 s6, $0x6;
	s8 =	sand.u32 $0x30, s8;
	v17 =	vand.u32 $0xF, v18;
	s3 =	sadd.s32 @!p1 $0x200, s5  }
0xcf: {  	v19 =	vand.u32 $0x7, v18;
	v27 =	vmov s0;
	v20 =	vor.u32 s8, v17;
	[tilespmem:s31], [sflag:$0x1] =	stream.indirect.gather @!p1 [hbm4b:s4+s30], $0x40, s3, s30, $0xb8;
	[tilespmem:$0x19600] =	vst v63  }
0xd0: {  	v17 =	vor.u32 v27, v19;
	v21 =	vand.u32 $0x38, v20;
	_ =	swait.ge [sflag:s23], $0x2000  }
0xd1: {  	v17 =	vor.u32 v21, v17;
	v30 =	vor.u32 v19, v21;
	[sflag:s23] =	ssyncset.done $0x0  }
0xd2: {  	s0 =	simm.s32 @!p0 $0x6;
	v19 =	vor.u32 v1, v30;
	[sflag:s23] =	ssyncadd.s32 $0xFFFFE000  }
0xd3: {  	_ =	swait.ge @!p0 [sflag:s0], $0x2000  }
0xd4: {  	[sflag:s0] =	ssyncset.done @!p0 $0x0  }
0xd5: {  	[sflag:s0] =	ssyncadd.s32 @!p0 $0xFFFFE000  }
0xd6: {  	v31 =	vshll.u32 v18, $0x7;
	v18 =	vshll.u32 v20, $0x7;
	v17 =	vld.idx.msk [tilespmem:v17+s12+$0x0], $0xffff  }
0xd7: {  	v20 =	vor.u32 v0, v31;
	v18 =	vand.u32 $0x1C00, v18;
	v19 =	vld.idx.msk [tilespmem:v19+s14+$0x0], $0xffff  }
0xd8: {  	v20 =	vand.u32 $0x388, v20;
	v32 =	vor.u32 v2, v18  }
0xd9: {  	v18 =	vor.u32 v20, v32  }
0xda: {  	v20 =	vor.u32 v3, v30;
	_ =	sdelay $0x1  }
0xdb: {  	s3 =	simm.s32 $0x1;
	v19 =	vadd.f32 v19, v17  }
0xdc: {  	v21 =	vadd.s32 s3, v0  }
0xdd: {  	v22 =	vand.u32 $0xF, v21;
	s0 =	sand.u32 $0x30, s3;
	[tilespmem:v18+s24+$0x0] =	vst.idx.msk $0xffff, v19  }
0xde: {  	v23 =	vor.u32 s0, v22;
	v18 =	vand.u32 $0x7, v21;
	v19 =	vor.u32 v4, v31;
	v22 =	vld.idx.msk [tilespmem:v20+s14+$0x0], $0xffff  }
0xdf: {  	v24 =	vand.u32 $0x38, v23;
	v20 =	vor.u32 v27, v18;
	v19 =	vand.u32 $0x398, v19  }
0xe0: {  	v25 =	vor.u32 v24, v20;
	v19 =	vor.u32 v19, v32  }
0xe1: {  	v20 =	vor.u32 v18, v24;
	v24 =	vor.u32 v5, v30  }
0xe2: {  	v26 =	vor.u32 v1, v20  }
0xe3: {  	v22 =	vadd.f32 v22, v17;
	_ =	sdelay $0x1  }
0xe4: {  	v18 =	vld.idx.msk [tilespmem:v25+s12+$0x0], $0xffff;
	[tilespmem:v19+s24+$0x0] =	vst.idx.msk $0xffff, v22  }
0xe5: {  	v23 =	vshll.u32 v23, $0x7;
	v22 =	vshll.u32 v21, $0x7;
	v19 =	vor.u32 v6, v31;
	v21 =	vld.idx.msk [tilespmem:v24+s14+$0x0], $0xffff  }
0xe6: {  	v26 =	vld.idx.msk [tilespmem:v26+s14+$0x0], $0xffff;
	v24 =	vor.u32 v0, v22;
	v25 =	vand.u32 $0x3A8, v19;
	v19 =	vand.u32 $0x1C00, v23  }
0xe7: {  	v23 =	vand.u32 $0x388, v24;
	v19 =	vor.u32 v2, v19;
	v24 =	vor.u32 v25, v32  }
0xe8: {  	v25 =	vor.u32 v7, v30;
	v23 =	vor.u32 v23, v19  }
0xe9: {  	v28 =	vor.u32 v3, v20  }
0xea: {  	s8 =	simm.s32 $0x2;
	v21 =	vadd.f32 v21, v17  }
0xeb: {  	v29 =	vadd.s32 s8, v0;
	v26 =	vadd.f32 v26, v18  }
0xec: {  	v38 =	vand.u32 $0xF, v29;
	s0 =	sand.u32 $0x30, s8;
	v39 =	vor.u32 v4, v22;
	[tilespmem:v24+s24+$0x0] =	vst.idx.msk $0xffff, v21  }
0xed: {  	v33 =	vor.u32 s0, v38;
	v21 =	vand.u32 $0x7, v29;
	v24 =	vor.u32 v8, v31;
	[tilespmem:v23+s24+$0x0] =	vst.idx.msk $0xffff, v26;
	v23 =	vld.idx.msk [tilespmem:v25+s14+$0x0], $0xffff  }
0xee: {  	v26 =	vand.u32 $0x38, v33;
	v25 =	vor.u32 v27, v21;
	v28 =	vld.idx.msk [tilespmem:v28+s14+$0x0], $0xffff;
	v24 =	vand.u32 $0x3B8, v24  }
0xef: {  	v40 =	vor.u32 v26, v25;
	v25 =	vand.u32 $0x398, v39;
	v24 =	vor.u32 v24, v32  }
0xf0: {  	v41 =	vor.u32 v9, v30;
	v34 =	vor.u32 v25, v19  }
0xf1: {  	v25 =	vor.u32 v21, v26;
	v26 =	vor.u32 v5, v20  }
0xf2: {  	v23 =	vadd.f32 v23, v17  }
0xf3: {  	s30 =	simm.s32 $0x3;
	v42 =	vor.u32 v1, v25;
	v28 =	vadd.f32 v28, v18  }
0xf4: {  	v47 =	vor.u32 v11, v30;
	v59 =	vor.u32 v13, v30;
	v49 =	vadd.s32 s30, v0;
	[tilespmem:v24+s24+$0x0] =	vst.idx.msk $0xffff, v23  }
0xf5: {  	v51 =	vand.u32 $0xF, v49;
	v24 =	vor.u32 v10, v31;
	[tilespmem:v34+s24+$0x0] =	vst.idx.msk $0xffff, v28;
	v28 =	vld.idx.msk [tilespmem:v41+s14+$0x0], $0xffff  }
0xf6: {  	v43 =	vor.u32 v6, v22;
	v33 =	vshll.u32 v33, $0x7;
	v26 =	vld.idx.msk [tilespmem:v26+s14+$0x0], $0xffff;
	v24 =	vand.u32 $0x3C8, v24  }
0xf7: {  	v21 =	vld.idx.msk [tilespmem:v40+s12+$0x0], $0xffff;
	v23 =	vshll.u32 v29, $0x7;
	v34 =	vand.u32 $0x3A8, v43;
	v45 =	vor.u32 v24, v32  }
0xf8: {  	v29 =	vor.u32 v0, v23;
	v44 =	vld.idx.msk [tilespmem:v42+s14+$0x0], $0xffff;
	v46 =	vor.u32 v34, v19;
	v24 =	vand.u32 $0x1C00, v33  }
0xf9: {  	v48 =	vor.u32 v7, v20;
	v29 =	vand.u32 $0x388, v29;
	v24 =	vor.u32 v2, v24  }
0xfa: {  	v52 =	vand.u32 $0x7, v49;
	s0 =	sand.u32 $0x30, s30;
	v29 =	vor.u32 v29, v24;
	v28 =	vadd.f32 v28, v17  }
0xfb: {  	v54 =	vor.u32 s0, v51;
	v50 =	vor.u32 v3, v25;
	v26 =	vadd.f32 v26, v18  }
0xfc: {  	v55 =	vor.u32 v27, v52;
	v56 =	vand.u32 $0x38, v54;
	v61 =	vor.u32 v9, v20;
	[tilespmem:v45+s24+$0x0] =	vst.idx.msk $0xffff, v28  }
0xfd: {  	v35 =	vadd.f32 v44, v21;
	v28 =	vor.u32 v12, v31;
	[tilespmem:v46+s24+$0x0] =	vst.idx.msk $0xffff, v26;
	v53 =	vld.idx.msk [tilespmem:v47+s14+$0x0], $0xffff  }
0xfe: {  	v63 =	vor.u32 v5, v25;
	v26 =	vor.u32 v8, v22;
	v37 =	vld.idx.msk [tilespmem:v48+s14+$0x0], $0xffff;
	v28 =	vand.u32 $0x3D8, v28  }
0xff: {  	[tilespmem:v29+s24+$0x0] =	vst.idx.msk $0xffff, v35;
	v29 =	vor.u32 v56, v55;
	v26 =	vand.u32 $0x3B8, v26;
	v57 =	vor.u32 v28, v32  }
0x100: {  	v51 =	vor.u32 v6, v23;
	v28 =	vor.u32 v4, v23;
	v39 =	vld.idx.msk [tilespmem:v50+s14+$0x0], $0xffff;
	v58 =	vor.u32 v26, v19  }
0x101: {  	v34 =	vshll.u32 v54, $0x7;
	v26 =	vand.u32 $0x398, v28;
	v28 =	vor.u32 v52, v56  }
0x102: {  	s31 =	simm.s32 $0x4;
	v60 =	vor.u32 v26, v24;
	v41 =	vor.u32 v1, v28;
	v62 =	vadd.f32 v53, v17  }
0x103: {  	v33 =	vadd.s32 s31, v0;
	v42 =	vand.u32 $0x3A8, v51;
	v37 =	vadd.f32 v37, v18  }
0x104: {  	v34 =	vand.u32 $0x1C00, v34;
	v47 =	vor.u32 v10, v22;
	v26 =	vld.idx.msk [tilespmem:v29+s12+$0x0], $0xffff;
	v29 =	vshll.u32 v49, $0x7;
	[tilespmem:v57+s24+$0x0] =	vst.idx.msk $0xffff, v62  }
0x105: {  	v49 =	vor.u32 v14, v31;
	v46 =	vadd.f32 v39, v21;
	[tilespmem:v58+s24+$0x0] =	vst.idx.msk $0xffff, v37;
	v48 =	vld.idx.msk [tilespmem:v59+s14+$0x0], $0xffff  }
0x106: {  	v53 =	vor.u32 v15, v30;
	v50 =	vor.u32 v0, v29;
	v39 =	vand.u32 $0x3E8, v49;
	v52 =	vld.idx.msk [tilespmem:v61+s14+$0x0], $0xffff  }
0x107: {  	v38 =	vand.u32 $0x7, v33;
	v37 =	vand.u32 $0x3C8, v47;
	v39 =	vor.u32 v39, v32;
	[tilespmem:v60+s24+$0x0] =	vst.idx.msk $0xffff, v46;
	v41 =	vld.idx.msk [tilespmem:v41+s14+$0x0], $0xffff  }
0x108: {  	v30 =	vor.u32 v2, v34;
	v40 =	vand.u32 $0x388, v50;
	v37 =	vor.u32 v37, v19;
	v36 =	vld.idx.msk [tilespmem:v63+s14+$0x0], $0xffff  }
0x109: {  	v54 =	vor.u32 v42, v24;
	v55 =	vor.u32 v11, v20;
	v40 =	vor.u32 v40, v30  }
0x10a: {  	v43 =	vor.u32 v27, v38;
	v58 =	vor.u32 v3, v28;
	v57 =	vadd.f32 v48, v17  }
0x10b: {  	v56 =	vor.u32 v7, v25;
	v62 =	vor.u32 v12, v22;
	v35 =	vadd.f32 v52, v18  }
0x10c: {  	v60 =	vor.u32 v16, v31;
	v61 =	vadd.f32 v41, v26;
	[tilespmem:v39+s24+$0x0] =	vst.idx.msk $0xffff, v57  }
0x10d: {  	v63 =	vand.u32 $0x3F8, v60;
	v36 =	vadd.f32 v36, v21;
	[tilespmem:v37+s24+$0x0] =	vst.idx.msk $0xffff, v35;
	v31 =	vld.idx.msk [tilespmem:v53+s14+$0x0], $0xffff  }
0x10e: {  	s0 =	sand.u32 $0x30, s31;
	v59 =	vand.u32 $0xF, v33;
	v32 =	vor.u32 v63, v32;
	[tilespmem:v40+s24+$0x0] =	vst.idx.msk $0xffff, v61;
	v34 =	vld.idx.msk [tilespmem:v55+s14+$0x0], $0xffff  }
0x10f: {  	v41 =	vor.u32 v4, v29;
	v35 =	vor.u32 s0, v59;
	[tilespmem:v54+s24+$0x0] =	vst.idx.msk $0xffff, v36;
	v40 =	vld.idx.msk [tilespmem:v58+s14+$0x0], $0xffff  }
0x110: {  	s8 =	simm.s32 $0x5;
	v39 =	vor.u32 v8, v23;
	v37 =	vand.u32 $0x3D8, v62;
	v42 =	vand.u32 $0x38, v35;
	v36 =	vld.idx.msk [tilespmem:v56+s14+$0x0], $0xffff  }
.LBB2_5:
0x111: {  	p2 =	sne.s32 s8, $0x3F;
	v43 =	vor.u32 v42, v43;
	v39 =	vand.u32 $0x3B8, v39;
	v37 =	vor.u32 v37, v19;
	v44 =	vmovc v29;
	v45 =	vmovc v19  }
0x112: {  	v29 =	vand.u32 $0x398, v41;
	v41 =	vor.u32 v13, v20;
	v19 =	vmovc v24;
	v39 =	vor.u32 v39, v24;
	v24 =	vmovc v30  }
0x113: {  	v46 =	vor.u32 v9, v25;
	v30 =	vor.u32 v29, v24;
	v29 =	vadd.f32 v31, v17;
	v17 =	vmovc v18  }
0x114: {  	v31 =	vor.u32 v38, v42;
	v38 =	vor.u32 v5, v28;
	v18 =	vmovc v21;
	v34 =	vadd.f32 v34, v17  }
0x115: {  	v21 =	vmov v26;
	v42 =	vor.u32 v1, v31;
	v36 =	vadd.f32 v36, v18;
	[tilespmem:v32+s24+$0x0] =	vst.idx.msk $0xffff, v29  }
0x116: {  	v29 =	vshll.u32 v33, $0x7;
	v33 =	vadd.s32 s8, v0;
	v32 =	vadd.f32 v40, v21;
	v26 =	vld.idx.msk [tilespmem:v43+s12+$0x0], $0xffff;
	[tilespmem:v37+s24+$0x0] =	vst.idx.msk $0xffff, v34  }
0x117: {  	v34 =	vor.u32 v10, v23;
	v37 =	vor.u32 v14, v22;
	[tilespmem:v39+s24+$0x0] =	vst.idx.msk $0xffff, v36;
	v36 =	vld.idx.msk [tilespmem:v41+s14+$0x0], $0xffff  }
0x118: {  	v39 =	vor.u32 v0, v29;
	[tilespmem:v30+s24+$0x0] =	vst.idx.msk $0xffff, v32;
	v30 =	vor.u32 v6, v44;
	v32 =	vld.idx.msk [tilespmem:v46+s14+$0x0], $0xffff  }
0x119: {  	v40 =	vld.idx.msk [tilespmem:v38+s14+$0x0], $0xffff;
	v38 =	vand.u32 $0x3A8, v30;
	v30 =	vand.u32 $0x3C8, v34;
	v34 =	vand.u32 $0x3E8, v37  }
0x11a: {  	v35 =	vshll.u32 v35, $0x7;
	v39 =	vand.u32 $0x388, v39;
	v37 =	vld.idx.msk [tilespmem:v42+s14+$0x0], $0xffff;
	v34 =	vor.u32 v34, v45  }
0x11b: {  	v35 =	vand.u32 $0x1C00, v35;
	v41 =	vor.u32 v30, v19;
	v42 =	vor.u32 v15, v20;
	v20 =	vmovc v25;
	v25 =	vmovc v28  }
0x11c: {  	v30 =	vor.u32 v2, v35;
	v35 =	vor.u32 v38, v24;
	v28 =	vmovc v31;
	v43 =	vor.u32 v11, v20  }
0x11d: {  	v46 =	vor.u32 v39, v30;
	v47 =	vor.u32 v7, v25;
	v31 =	vadd.f32 v36, v17  }
0x11e: {  	v38 =	vand.u32 $0x7, v33;
	v48 =	vor.u32 v3, v28;
	v32 =	vadd.f32 v32, v18  }
.Ltmp3:
0x11f: {  	v22 =	vor.u32 v16, v22;
	v36 =	vand.u32 $0xF, v33;
	v39 =	vadd.f32 v40, v21;
	[tilespmem:v34+s24+$0x0] =	vst.idx.msk $0xffff, v31;
	(pc) =	sbr.rel @p2 .LBB2_5-.Ltmp3, $4  }
0x120: {  	v37 =	vadd.f32 v37, v26;
	[tilespmem:v41+s24+$0x0] =	vst.idx.msk $0xffff, v32;
	v32 =	vor.u32 v12, v23;
	v31 =	vld.idx.msk [tilespmem:v42+s14+$0x0], $0xffff  }
0x121: {  	s0 =	sand.u32 $0x30, s8;
	v41 =	vor.u32 v4, v29;
	[tilespmem:v35+s24+$0x0] =	vst.idx.msk $0xffff, v39;
	v39 =	vor.u32 v8, v44;
	v34 =	vld.idx.msk [tilespmem:v43+s14+$0x0], $0xffff  }
0x122: {  	v35 =	vor.u32 s0, v36;
	v43 =	vor.u32 v27, v38;
	[tilespmem:v46+s24+$0x0] =	vst.idx.msk $0xffff, v37;
	v36 =	vld.idx.msk [tilespmem:v47+s14+$0x0], $0xffff;
	v46 =	vand.u32 $0x3F8, v22  }
0x123: {  	s8 =	sadd.s32 $0x1, s8;
	v42 =	vand.u32 $0x38, v35;
	v37 =	vand.u32 $0x3D8, v32;
	v22 =	vmovc v23;
	v23 =	vmovc v44;
	v40 =	vld.idx.msk [tilespmem:v48+s14+$0x0], $0xffff;
	v32 =	vor.u32 v46, v45  }
0x124: {  	v27 =	vor.u32 v42, v43;
	v38 =	vor.u32 v38, v42  }
0x125: {  	v42 =	vor.u32 v1, v38;
	_ =	sdelay $0x3  }
0x126: {  	v33 =	vshll.u32 v33, $0x7;
	v35 =	vshll.u32 v35, $0x7;
	v27 =	vld.idx.msk [tilespmem:v27+s12+$0x0], $0xffff  }
0x127: {  	v48 =	vor.u32 v0, v33;
	v35 =	vand.u32 $0x1C00, v35;
	v42 =	vld.idx.msk [tilespmem:v42+s14+$0x0], $0xffff  }
0x128: {  	v43 =	vand.u32 $0x388, v48;
	v35 =	vor.u32 v2, v35  }
0x129: {  	v43 =	vor.u32 v43, v35  }
0x12a: {  	v44 =	vor.u32 v3, v38;
	_ =	sdelay $0x1  }
0x12b: {  	v42 =	vadd.f32 v42, v27;
	_ =	sdelay $0x1  }
0x12c: {  	[tilespmem:v43+s24+$0x0] =	vst.idx.msk $0xffff, v42  }
0x12d: {  	v41 =	vand.u32 $0x398, v41;
	v49 =	vor.u32 v4, v33;
	v43 =	vld.idx.msk [tilespmem:v44+s14+$0x0], $0xffff  }
0x12e: {  	v41 =	vor.u32 v41, v30;
	v42 =	vand.u32 $0x398, v49  }
0x12f: {  	v50 =	vor.u32 v5, v28;
	v42 =	vor.u32 v42, v35  }
0x130: {  	v45 =	vor.u32 v5, v38  }
0x131: {  	v40 =	vadd.f32 v40, v26  }
0x132: {  	v43 =	vadd.f32 v43, v27  }
0x133: {  	[tilespmem:v41+s24+$0x0] =	vst.idx.msk $0xffff, v40  }
0x134: {  	v51 =	vor.u32 v6, v29;
	v41 =	vld.idx.msk [tilespmem:v50+s14+$0x0], $0xffff;
	[tilespmem:v42+s24+$0x0] =	vst.idx.msk $0xffff, v43  }
0x135: {  	v52 =	vor.u32 v6, v33;
	v40 =	vand.u32 $0x3A8, v51;
	v43 =	vld.idx.msk [tilespmem:v45+s14+$0x0], $0xffff  }
0x136: {  	v40 =	vor.u32 v40, v30;
	v42 =	vand.u32 $0x3A8, v52  }
0x137: {  	v53 =	vor.u32 v7, v28;
	v42 =	vor.u32 v42, v35  }
0x138: {  	v54 =	vor.u32 v7, v38  }
0x139: {  	v41 =	vadd.f32 v41, v26  }
0x13a: {  	v43 =	vadd.f32 v43, v27  }
0x13b: {  	[tilespmem:v40+s24+$0x0] =	vst.idx.msk $0xffff, v41  }
0x13c: {  	v39 =	vand.u32 $0x3B8, v39;
	v55 =	vor.u32 v8, v29;
	v41 =	vld.idx.msk [tilespmem:v53+s14+$0x0], $0xffff;
	[tilespmem:v42+s24+$0x0] =	vst.idx.msk $0xffff, v43  }
0x13d: {  	v39 =	vor.u32 v39, v24;
	v56 =	vor.u32 v8, v33;
	v40 =	vand.u32 $0x3B8, v55;
	v43 =	vld.idx.msk [tilespmem:v54+s14+$0x0], $0xffff  }
0x13e: {  	v57 =	vor.u32 v9, v25;
	v40 =	vor.u32 v40, v30;
	v42 =	vand.u32 $0x3B8, v56  }
0x13f: {  	v58 =	vor.u32 v9, v28;
	v42 =	vor.u32 v42, v35  }
0x140: {  	v46 =	vor.u32 v9, v38;
	v36 =	vadd.f32 v36, v21  }
0x141: {  	v41 =	vadd.f32 v41, v26  }
0x142: {  	[tilespmem:v39+s24+$0x0] =	vst.idx.msk $0xffff, v36;
	v59 =	vadd.f32 v43, v27  }
0x143: {  	v60 =	vor.u32 v10, v23;
	v61 =	vld.idx.msk [tilespmem:v57+s14+$0x0], $0xffff;
	[tilespmem:v40+s24+$0x0] =	vst.idx.msk $0xffff, v41  }
0x144: {  	v62 =	vor.u32 v10, v29;
	v39 =	vand.u32 $0x3C8, v60;
	v41 =	vld.idx.msk [tilespmem:v58+s14+$0x0], $0xffff;
	[tilespmem:v42+s24+$0x0] =	vst.idx.msk $0xffff, v59  }
0x145: {  	v48 =	vand.u32 $0x3C8, v62;
	v63 =	vor.u32 v39, v24;
	v49 =	vor.u32 v10, v33;
	v42 =	vld.idx.msk [tilespmem:v46+s14+$0x0], $0xffff  }
0x146: {  	v50 =	vor.u32 v11, v25;
	v39 =	vor.u32 v48, v30;
	v40 =	vand.u32 $0x3C8, v49  }
0x147: {  	v51 =	vor.u32 v11, v28;
	v40 =	vor.u32 v40, v35  }
0x148: {  	v52 =	vor.u32 v11, v38;
	v43 =	vadd.f32 v61, v21  }
0x149: {  	v41 =	vadd.f32 v41, v26  }
0x14a: {  	v37 =	vor.u32 v37, v19;
	[tilespmem:v63+s24+$0x0] =	vst.idx.msk $0xffff, v43;
	v53 =	vadd.f32 v42, v27  }
0x14b: {  	v60 =	vor.u32 v12, v33;
	v54 =	vor.u32 v12, v23;
	[tilespmem:v39+s24+$0x0] =	vst.idx.msk $0xffff, v41;
	v44 =	vld.idx.msk [tilespmem:v50+s14+$0x0], $0xffff  }
0x14c: {  	v56 =	vor.u32 v12, v29;
	v55 =	vand.u32 $0x3D8, v54;
	v57 =	vld.idx.msk [tilespmem:v51+s14+$0x0], $0xffff;
	[tilespmem:v40+s24+$0x0] =	vst.idx.msk $0xffff, v53  }
0x14d: {  	v58 =	vor.u32 v55, v24;
	v59 =	vand.u32 $0x3D8, v56;
	v42 =	vor.u32 v13, v20;
	v61 =	vld.idx.msk [tilespmem:v52+s14+$0x0], $0xffff  }
0x14e: {  	v62 =	vor.u32 v13, v25;
	v39 =	vor.u32 v59, v30;
	v40 =	vand.u32 $0x3D8, v60  }
0x14f: {  	v34 =	vadd.f32 v34, v18;
	v63 =	vor.u32 v13, v28;
	v40 =	vor.u32 v40, v35  }
0x150: {  	v48 =	vor.u32 v13, v38;
	v44 =	vadd.f32 v44, v21  }
0x151: {  	v47 =	vor.u32 v14, v22;
	[tilespmem:v37+s24+$0x0] =	vst.idx.msk $0xffff, v34;
	v53 =	vadd.f32 v57, v26  }
0x152: {  	v56 =	vor.u32 v14, v23;
	[tilespmem:v58+s24+$0x0] =	vst.idx.msk $0xffff, v44;
	v42 =	vld.idx.msk [tilespmem:v42+s14+$0x0], $0xffff;
	v54 =	vadd.f32 v61, v27  }
0x153: {  	v20 =	vor.u32 v15, v20;
	v57 =	vand.u32 $0x3E8, v56;
	v52 =	vand.u32 $0x3E8, v47;
	v55 =	vld.idx.msk [tilespmem:v62+s14+$0x0], $0xffff;
	[tilespmem:v39+s24+$0x0] =	vst.idx.msk $0xffff, v53  }
0x154: {  	v58 =	vor.u32 v14, v29;
	v34 =	vor.u32 v52, v19;
	v39 =	vld.idx.msk [tilespmem:v63+s14+$0x0], $0xffff;
	[tilespmem:v40+s24+$0x0] =	vst.idx.msk $0xffff, v54  }
0x155: {  	v59 =	vor.u32 v57, v24;
	v60 =	vand.u32 $0x3E8, v58;
	v61 =	vor.u32 v14, v33;
	v40 =	vld.idx.msk [tilespmem:v48+s14+$0x0], $0xffff  }
0x156: {  	v25 =	vor.u32 v15, v25;
	v37 =	vor.u32 v60, v30;
	v43 =	vand.u32 $0x3E8, v61  }
0x157: {  	v28 =	vor.u32 v15, v28;
	v42 =	vadd.f32 v42, v18;
	v43 =	vor.u32 v43, v35  }
0x158: {  	v38 =	vor.u32 v15, v38;
	v41 =	vadd.f32 v55, v21  }
0x159: {  	v22 =	vor.u32 v16, v22;
	v62 =	vadd.f32 v39, v26;
	[tilespmem:v34+s24+$0x0] =	vst.idx.msk $0xffff, v42  }
0x15a: {  	v22 =	vand.u32 $0x3F8, v22;
	[tilespmem:v59+s24+$0x0] =	vst.idx.msk $0xffff, v41;
	v20 =	vld.idx.msk [tilespmem:v20+s14+$0x0], $0xffff;
	v63 =	vadd.f32 v40, v27  }
0x15b: {  	v19 =	vor.u32 v22, v19;
	v22 =	vor.u32 v16, v23;
	v23 =	vld.idx.msk [tilespmem:v25+s14+$0x0], $0xffff;
	[tilespmem:v37+s24+$0x0] =	vst.idx.msk $0xffff, v62  }
0x15c: {  	v22 =	vand.u32 $0x3F8, v22;
	v25 =	vor.u32 v16, v29;
	v28 =	vld.idx.msk [tilespmem:v28+s14+$0x0], $0xffff;
	[tilespmem:v43+s24+$0x0] =	vst.idx.msk $0xffff, v63  }
0x15d: {  	v22 =	vor.u32 v22, v24;
	v24 =	vand.u32 $0x3F8, v25;
	v25 =	vor.u32 v16, v33;
	v29 =	vld.idx.msk [tilespmem:v38+s14+$0x0], $0xffff  }
0x15e: {  	v17 =	vadd.f32 v31, v17;
	v24 =	vor.u32 v24, v30;
	v25 =	vand.u32 $0x3F8, v25  }
0x15f: {  	v18 =	vadd.f32 v20, v18;
	v20 =	vor.u32 v25, v35  }
0x160: {  	[tilespmem:v32+s24+$0x0] =	vst.idx.msk $0xffff, v17;
	v17 =	vadd.f32 v23, v21  }
0x161: {  	s0 =	sshll.u32 s6, $0x12;
	[tilespmem:v19+s24+$0x0] =	vst.idx.msk $0xffff, v18;
	v18 =	vadd.f32 v28, v26  }
0x162: {  	s0 =	sor.u32 s7, s0;
	[tilespmem:v22+s24+$0x0] =	vst.idx.msk $0xffff, v17;
	v17 =	vadd.f32 v29, v27  }
0x163: {  	s0 =	sshrl.u32 s0, $0x3;
	[tilespmem:v24+s24+$0x0] =	vst.idx.msk $0xffff, v18  }
0x164: {  	s0 =	sadd.s32 s2, s0;
	[tilespmem:v20+s24+$0x0] =	vst.idx.msk $0xffff, v17  }
0x165: {  	[hbm4b:s0+s21] =	stream.strided.scatter [tilespmem:s24], [sflag:$0x6], $0x2000, s22, s21, $0x38;
	[tilespmem:$0x19600] =	vst v63  }
0x166: {  	s0 =	simm.s32 $0x0  }
0x167: {  	s3 =	sadd.s32 @!p1 $0x280, s5;
	s8 =	simm.s32 @!p1 $0x80;
	s6 =	sor.u32 $0x2, s17;
	v18 =	vadd.s32 s0, v0  }
0x168: {  	s30 =	simm.s32 @!p1 $0xB600;
	s31 =	sshll.u32 s6, $0x6;
	s0 =	sand.u32 $0x30, s0;
	v17 =	vand.u32 $0xF, v18  }
0x169: {  	v27 =	vmov s31;
	[tilespmem:s30], [sflag:$0x2] =	stream.indirect.gather @!p1 [hbm4b:s4+s8], $0x40, s3, s8, $0xb8;
	v19 =	vand.u32 $0x7, v18;
	v20 =	vor.u32 s0, v17;
	[tilespmem:$0x19600] =	vst v63  }
0x16a: {  	_ =	swait.ge [sflag:s25], $0x2000;
	v17 =	vor.u32 v27, v19;
	v21 =	vand.u32 $0x38, v20  }
0x16b: {  	[sflag:s25] =	ssyncset.done $0x0;
	v17 =	vor.u32 v21, v17;
	v30 =	vor.u32 v19, v21  }
0x16c: {  	s0 =	simm.s32 @!p0 $0x7;
	[sflag:s25] =	ssyncadd.s32 $0xFFFFE000;
	v19 =	vor.u32 v1, v30  }
0x16d: {  	_ =	swait.ge @!p0 [sflag:s0], $0x2000  }
0x16e: {  	[sflag:s0] =	ssyncset.done @!p0 $0x0  }
0x16f: {  	[sflag:s0] =	ssyncadd.s32 @!p0 $0xFFFFE000  }
0x170: {  	v31 =	vshll.u32 v18, $0x7;
	v18 =	vshll.u32 v20, $0x7;
	v17 =	vld.idx.msk [tilespmem:v17+s12+$0x0], $0xffff  }
0x171: {  	v20 =	vor.u32 v0, v31;
	v18 =	vand.u32 $0x1C00, v18;
	v19 =	vld.idx.msk [tilespmem:v19+s16+$0x0], $0xffff  }
0x172: {  	v20 =	vand.u32 $0x388, v20;
	v32 =	vor.u32 v2, v18  }
0x173: {  	v18 =	vor.u32 v20, v32  }
0x174: {  	v20 =	vor.u32 v3, v30;
	_ =	sdelay $0x1  }
0x175: {  	s3 =	simm.s32 $0x1;
	v19 =	vadd.f32 v19, v17  }
0x176: {  	v21 =	vadd.s32 s3, v0  }
0x177: {  	v22 =	vand.u32 $0xF, v21;
	s0 =	sand.u32 $0x30, s3;
	[tilespmem:v18+s26+$0x0] =	vst.idx.msk $0xffff, v19  }
0x178: {  	v23 =	vor.u32 s0, v22;
	v18 =	vand.u32 $0x7, v21;
	v19 =	vor.u32 v4, v31;
	v22 =	vld.idx.msk [tilespmem:v20+s16+$0x0], $0xffff  }
0x179: {  	v24 =	vand.u32 $0x38, v23;
	v20 =	vor.u32 v27, v18;
	v19 =	vand.u32 $0x398, v19  }
0x17a: {  	v25 =	vor.u32 v24, v20;
	v19 =	vor.u32 v19, v32  }
0x17b: {  	v20 =	vor.u32 v18, v24;
	v24 =	vor.u32 v5, v30  }
0x17c: {  	v26 =	vor.u32 v1, v20  }
0x17d: {  	v22 =	vadd.f32 v22, v17;
	_ =	sdelay $0x1  }
0x17e: {  	v18 =	vld.idx.msk [tilespmem:v25+s12+$0x0], $0xffff;
	[tilespmem:v19+s26+$0x0] =	vst.idx.msk $0xffff, v22  }
0x17f: {  	v23 =	vshll.u32 v23, $0x7;
	v22 =	vshll.u32 v21, $0x7;
	v19 =	vor.u32 v6, v31;
	v21 =	vld.idx.msk [tilespmem:v24+s16+$0x0], $0xffff  }
0x180: {  	v26 =	vld.idx.msk [tilespmem:v26+s16+$0x0], $0xffff;
	v24 =	vor.u32 v0, v22;
	v25 =	vand.u32 $0x3A8, v19;
	v19 =	vand.u32 $0x1C00, v23  }
0x181: {  	v23 =	vand.u32 $0x388, v24;
	v19 =	vor.u32 v2, v19;
	v24 =	vor.u32 v25, v32  }
0x182: {  	v25 =	vor.u32 v7, v30;
	v23 =	vor.u32 v23, v19  }
0x183: {  	v28 =	vor.u32 v3, v20  }
0x184: {  	s8 =	simm.s32 $0x2;
	v21 =	vadd.f32 v21, v17  }
0x185: {  	v29 =	vadd.s32 s8, v0;
	v26 =	vadd.f32 v26, v18  }
0x186: {  	v38 =	vand.u32 $0xF, v29;
	s0 =	sand.u32 $0x30, s8;
	v39 =	vor.u32 v4, v22;
	[tilespmem:v24+s26+$0x0] =	vst.idx.msk $0xffff, v21  }
0x187: {  	v33 =	vor.u32 s0, v38;
	v21 =	vand.u32 $0x7, v29;
	v24 =	vor.u32 v8, v31;
	[tilespmem:v23+s26+$0x0] =	vst.idx.msk $0xffff, v26;
	v23 =	vld.idx.msk [tilespmem:v25+s16+$0x0], $0xffff  }
0x188: {  	v26 =	vand.u32 $0x38, v33;
	v25 =	vor.u32 v27, v21;
	v28 =	vld.idx.msk [tilespmem:v28+s16+$0x0], $0xffff;
	v24 =	vand.u32 $0x3B8, v24  }
0x189: {  	v40 =	vor.u32 v26, v25;
	v25 =	vand.u32 $0x398, v39;
	v24 =	vor.u32 v24, v32  }
0x18a: {  	v41 =	vor.u32 v9, v30;
	v34 =	vor.u32 v25, v19  }
0x18b: {  	v25 =	vor.u32 v21, v26;
	v26 =	vor.u32 v5, v20  }
0x18c: {  	s30 =	simm.s32 $0x3;
	v23 =	vadd.f32 v23, v17  }
0x18d: {  	v49 =	vadd.s32 s30, v0;
	v42 =	vor.u32 v1, v25;
	v28 =	vadd.f32 v28, v18  }
0x18e: {  	v51 =	vand.u32 $0xF, v49;
	v52 =	vand.u32 $0x7, v49;
	[tilespmem:v24+s26+$0x0] =	vst.idx.msk $0xffff, v23  }
0x18f: {  	v47 =	vor.u32 v11, v30;
	v24 =	vor.u32 v10, v31;
	[tilespmem:v34+s26+$0x0] =	vst.idx.msk $0xffff, v28;
	v28 =	vld.idx.msk [tilespmem:v41+s16+$0x0], $0xffff  }
0x190: {  	v43 =	vor.u32 v6, v22;
	v33 =	vshll.u32 v33, $0x7;
	v26 =	vld.idx.msk [tilespmem:v26+s16+$0x0], $0xffff;
	v24 =	vand.u32 $0x3C8, v24  }
0x191: {  	v21 =	vld.idx.msk [tilespmem:v40+s12+$0x0], $0xffff;
	v23 =	vshll.u32 v29, $0x7;
	v34 =	vand.u32 $0x3A8, v43;
	v45 =	vor.u32 v24, v32  }
0x192: {  	v29 =	vor.u32 v0, v23;
	v44 =	vld.idx.msk [tilespmem:v42+s16+$0x0], $0xffff;
	v46 =	vor.u32 v34, v19;
	v24 =	vand.u32 $0x1C00, v33  }
0x193: {  	v48 =	vor.u32 v7, v20;
	v29 =	vand.u32 $0x388, v29;
	v24 =	vor.u32 v2, v24  }
0x194: {  	v55 =	vor.u32 v27, v52;
	s0 =	sand.u32 $0x30, s30;
	v29 =	vor.u32 v29, v24;
	v28 =	vadd.f32 v28, v17  }
0x195: {  	v54 =	vor.u32 s0, v51;
	v50 =	vor.u32 v3, v25;
	v26 =	vadd.f32 v26, v18  }
0x196: {  	v59 =	vor.u32 v13, v30;
	v56 =	vand.u32 $0x38, v54;
	v61 =	vor.u32 v9, v20;
	[tilespmem:v45+s26+$0x0] =	vst.idx.msk $0xffff, v28  }
0x197: {  	v35 =	vadd.f32 v44, v21;
	v28 =	vor.u32 v12, v31;
	[tilespmem:v46+s26+$0x0] =	vst.idx.msk $0xffff, v26;
	v53 =	vld.idx.msk [tilespmem:v47+s16+$0x0], $0xffff  }
0x198: {  	v63 =	vor.u32 v5, v25;
	v26 =	vor.u32 v8, v22;
	v37 =	vld.idx.msk [tilespmem:v48+s16+$0x0], $0xffff;
	v28 =	vand.u32 $0x3D8, v28  }
0x199: {  	[tilespmem:v29+s26+$0x0] =	vst.idx.msk $0xffff, v35;
	v29 =	vor.u32 v56, v55;
	v26 =	vand.u32 $0x3B8, v26;
	v57 =	vor.u32 v28, v32  }
0x19a: {  	v51 =	vor.u32 v6, v23;
	v28 =	vor.u32 v4, v23;
	v39 =	vld.idx.msk [tilespmem:v50+s16+$0x0], $0xffff;
	v58 =	vor.u32 v26, v19  }
0x19b: {  	v34 =	vshll.u32 v54, $0x7;
	v26 =	vand.u32 $0x398, v28;
	v28 =	vor.u32 v52, v56  }
0x19c: {  	s31 =	simm.s32 $0x4;
	v60 =	vor.u32 v26, v24;
	v41 =	vor.u32 v1, v28;
	v62 =	vadd.f32 v53, v17  }
0x19d: {  	v33 =	vadd.s32 s31, v0;
	v42 =	vand.u32 $0x3A8, v51;
	v37 =	vadd.f32 v37, v18  }
0x19e: {  	v34 =	vand.u32 $0x1C00, v34;
	v47 =	vor.u32 v10, v22;
	v26 =	vld.idx.msk [tilespmem:v29+s12+$0x0], $0xffff;
	v29 =	vshll.u32 v49, $0x7;
	[tilespmem:v57+s26+$0x0] =	vst.idx.msk $0xffff, v62  }
0x19f: {  	v49 =	vor.u32 v14, v31;
	v46 =	vadd.f32 v39, v21;
	[tilespmem:v58+s26+$0x0] =	vst.idx.msk $0xffff, v37;
	v48 =	vld.idx.msk [tilespmem:v59+s16+$0x0], $0xffff  }
0x1a0: {  	v53 =	vor.u32 v15, v30;
	v50 =	vor.u32 v0, v29;
	v39 =	vand.u32 $0x3E8, v49;
	v52 =	vld.idx.msk [tilespmem:v61+s16+$0x0], $0xffff  }
0x1a1: {  	v38 =	vand.u32 $0x7, v33;
	v37 =	vand.u32 $0x3C8, v47;
	v39 =	vor.u32 v39, v32;
	[tilespmem:v60+s26+$0x0] =	vst.idx.msk $0xffff, v46;
	v41 =	vld.idx.msk [tilespmem:v41+s16+$0x0], $0xffff  }
0x1a2: {  	v30 =	vor.u32 v2, v34;
	v40 =	vand.u32 $0x388, v50;
	v37 =	vor.u32 v37, v19;
	v36 =	vld.idx.msk [tilespmem:v63+s16+$0x0], $0xffff  }
0x1a3: {  	v54 =	vor.u32 v42, v24;
	v55 =	vor.u32 v11, v20;
	v40 =	vor.u32 v40, v30  }
0x1a4: {  	v43 =	vor.u32 v27, v38;
	v58 =	vor.u32 v3, v28;
	v57 =	vadd.f32 v48, v17  }
0x1a5: {  	v56 =	vor.u32 v7, v25;
	v62 =	vor.u32 v12, v22;
	v35 =	vadd.f32 v52, v18  }
0x1a6: {  	v60 =	vor.u32 v16, v31;
	v61 =	vadd.f32 v41, v26;
	[tilespmem:v39+s26+$0x0] =	vst.idx.msk $0xffff, v57  }
0x1a7: {  	v63 =	vand.u32 $0x3F8, v60;
	v36 =	vadd.f32 v36, v21;
	[tilespmem:v37+s26+$0x0] =	vst.idx.msk $0xffff, v35;
	v31 =	vld.idx.msk [tilespmem:v53+s16+$0x0], $0xffff  }
0x1a8: {  	s0 =	sand.u32 $0x30, s31;
	v59 =	vand.u32 $0xF, v33;
	v32 =	vor.u32 v63, v32;
	[tilespmem:v40+s26+$0x0] =	vst.idx.msk $0xffff, v61;
	v34 =	vld.idx.msk [tilespmem:v55+s16+$0x0], $0xffff  }
0x1a9: {  	v41 =	vor.u32 v4, v29;
	v35 =	vor.u32 s0, v59;
	[tilespmem:v54+s26+$0x0] =	vst.idx.msk $0xffff, v36;
	v40 =	vld.idx.msk [tilespmem:v58+s16+$0x0], $0xffff  }
0x1aa: {  	s8 =	simm.s32 $0x5;
	v39 =	vor.u32 v8, v23;
	v37 =	vand.u32 $0x3D8, v62;
	v42 =	vand.u32 $0x38, v35;
	v36 =	vld.idx.msk [tilespmem:v56+s16+$0x0], $0xffff  }
.LBB2_7:
0x1ab: {  	p2 =	sne.s32 s8, $0x3F;
	v43 =	vor.u32 v42, v43;
	v39 =	vand.u32 $0x3B8, v39;
	v37 =	vor.u32 v37, v19;
	v44 =	vmovc v29;
	v45 =	vmovc v19  }
0x1ac: {  	v29 =	vand.u32 $0x398, v41;
	v41 =	vor.u32 v13, v20;
	v19 =	vmovc v24;
	v39 =	vor.u32 v39, v24;
	v24 =	vmovc v30  }
0x1ad: {  	v46 =	vor.u32 v9, v25;
	v30 =	vor.u32 v29, v24;
	v29 =	vadd.f32 v31, v17;
	v17 =	vmovc v18  }
0x1ae: {  	v31 =	vor.u32 v38, v42;
	v38 =	vor.u32 v5, v28;
	v18 =	vmovc v21;
	v34 =	vadd.f32 v34, v17  }
0x1af: {  	v21 =	vmov v26;
	v42 =	vor.u32 v1, v31;
	v36 =	vadd.f32 v36, v18;
	[tilespmem:v32+s26+$0x0] =	vst.idx.msk $0xffff, v29  }
0x1b0: {  	v29 =	vshll.u32 v33, $0x7;
	v33 =	vadd.s32 s8, v0;
	v32 =	vadd.f32 v40, v21;
	v26 =	vld.idx.msk [tilespmem:v43+s12+$0x0], $0xffff;
	[tilespmem:v37+s26+$0x0] =	vst.idx.msk $0xffff, v34  }
0x1b1: {  	v34 =	vor.u32 v10, v23;
	v37 =	vor.u32 v14, v22;
	[tilespmem:v39+s26+$0x0] =	vst.idx.msk $0xffff, v36;
	v36 =	vld.idx.msk [tilespmem:v41+s16+$0x0], $0xffff  }
0x1b2: {  	v39 =	vor.u32 v0, v29;
	[tilespmem:v30+s26+$0x0] =	vst.idx.msk $0xffff, v32;
	v30 =	vor.u32 v6, v44;
	v32 =	vld.idx.msk [tilespmem:v46+s16+$0x0], $0xffff  }
0x1b3: {  	v40 =	vld.idx.msk [tilespmem:v38+s16+$0x0], $0xffff;
	v38 =	vand.u32 $0x3A8, v30;
	v30 =	vand.u32 $0x3C8, v34;
	v34 =	vand.u32 $0x3E8, v37  }
0x1b4: {  	v35 =	vshll.u32 v35, $0x7;
	v39 =	vand.u32 $0x388, v39;
	v37 =	vld.idx.msk [tilespmem:v42+s16+$0x0], $0xffff;
	v34 =	vor.u32 v34, v45  }
0x1b5: {  	v35 =	vand.u32 $0x1C00, v35;
	v41 =	vor.u32 v30, v19;
	v42 =	vor.u32 v15, v20;
	v20 =	vmovc v25;
	v25 =	vmovc v28  }
0x1b6: {  	v30 =	vor.u32 v2, v35;
	v35 =	vor.u32 v38, v24;
	v28 =	vmovc v31;
	v43 =	vor.u32 v11, v20  }
0x1b7: {  	v46 =	vor.u32 v39, v30;
	v47 =	vor.u32 v7, v25;
	v31 =	vadd.f32 v36, v17  }
0x1b8: {  	v38 =	vand.u32 $0x7, v33;
	v48 =	vor.u32 v3, v28;
	v32 =	vadd.f32 v32, v18  }
.Ltmp4:
0x1b9: {  	v22 =	vor.u32 v16, v22;
	v36 =	vand.u32 $0xF, v33;
	v39 =	vadd.f32 v40, v21;
	[tilespmem:v34+s26+$0x0] =	vst.idx.msk $0xffff, v31;
	(pc) =	sbr.rel @p2 .LBB2_7-.Ltmp4, $4  }
0x1ba: {  	v37 =	vadd.f32 v37, v26;
	[tilespmem:v41+s26+$0x0] =	vst.idx.msk $0xffff, v32;
	v32 =	vor.u32 v12, v23;
	v31 =	vld.idx.msk [tilespmem:v42+s16+$0x0], $0xffff  }
0x1bb: {  	s0 =	sand.u32 $0x30, s8;
	v41 =	vor.u32 v4, v29;
	[tilespmem:v35+s26+$0x0] =	vst.idx.msk $0xffff, v39;
	v39 =	vor.u32 v8, v44;
	v34 =	vld.idx.msk [tilespmem:v43+s16+$0x0], $0xffff  }
0x1bc: {  	v35 =	vor.u32 s0, v36;
	v43 =	vor.u32 v27, v38;
	[tilespmem:v46+s26+$0x0] =	vst.idx.msk $0xffff, v37;
	v36 =	vld.idx.msk [tilespmem:v47+s16+$0x0], $0xffff;
	v46 =	vand.u32 $0x3F8, v22  }
0x1bd: {  	s8 =	sadd.s32 $0x1, s8;
	v42 =	vand.u32 $0x38, v35;
	v37 =	vand.u32 $0x3D8, v32;
	v22 =	vmovc v23;
	v23 =	vmovc v44;
	v40 =	vld.idx.msk [tilespmem:v48+s16+$0x0], $0xffff;
	v32 =	vor.u32 v46, v45  }
0x1be: {  	v27 =	vor.u32 v42, v43;
	v38 =	vor.u32 v38, v42  }
0x1bf: {  	v42 =	vor.u32 v1, v38;
	_ =	sdelay $0x3  }
0x1c0: {  	v33 =	vshll.u32 v33, $0x7;
	v35 =	vshll.u32 v35, $0x7;
	v27 =	vld.idx.msk [tilespmem:v27+s12+$0x0], $0xffff  }
0x1c1: {  	v48 =	vor.u32 v0, v33;
	v35 =	vand.u32 $0x1C00, v35;
	v42 =	vld.idx.msk [tilespmem:v42+s16+$0x0], $0xffff  }
0x1c2: {  	v43 =	vand.u32 $0x388, v48;
	v35 =	vor.u32 v2, v35  }
0x1c3: {  	v43 =	vor.u32 v43, v35  }
0x1c4: {  	v44 =	vor.u32 v3, v38;
	_ =	sdelay $0x1  }
0x1c5: {  	v42 =	vadd.f32 v42, v27;
	_ =	sdelay $0x1  }
0x1c6: {  	[tilespmem:v43+s26+$0x0] =	vst.idx.msk $0xffff, v42  }
0x1c7: {  	v41 =	vand.u32 $0x398, v41;
	v49 =	vor.u32 v4, v33;
	v43 =	vld.idx.msk [tilespmem:v44+s16+$0x0], $0xffff  }
0x1c8: {  	v41 =	vor.u32 v41, v30;
	v42 =	vand.u32 $0x398, v49  }
0x1c9: {  	v50 =	vor.u32 v5, v28;
	v42 =	vor.u32 v42, v35  }
0x1ca: {  	v45 =	vor.u32 v5, v38  }
0x1cb: {  	v40 =	vadd.f32 v40, v26  }
0x1cc: {  	v43 =	vadd.f32 v43, v27  }
0x1cd: {  	[tilespmem:v41+s26+$0x0] =	vst.idx.msk $0xffff, v40  }
0x1ce: {  	v51 =	vor.u32 v6, v29;
	v41 =	vld.idx.msk [tilespmem:v50+s16+$0x0], $0xffff;
	[tilespmem:v42+s26+$0x0] =	vst.idx.msk $0xffff, v43  }
0x1cf: {  	v52 =	vor.u32 v6, v33;
	v40 =	vand.u32 $0x3A8, v51;
	v43 =	vld.idx.msk [tilespmem:v45+s16+$0x0], $0xffff  }
0x1d0: {  	v40 =	vor.u32 v40, v30;
	v42 =	vand.u32 $0x3A8, v52  }
0x1d1: {  	v53 =	vor.u32 v7, v28;
	v42 =	vor.u32 v42, v35  }
0x1d2: {  	v54 =	vor.u32 v7, v38  }
0x1d3: {  	v41 =	vadd.f32 v41, v26  }
0x1d4: {  	v43 =	vadd.f32 v43, v27  }
0x1d5: {  	[tilespmem:v40+s26+$0x0] =	vst.idx.msk $0xffff, v41  }
0x1d6: {  	v39 =	vand.u32 $0x3B8, v39;
	v55 =	vor.u32 v8, v29;
	v41 =	vld.idx.msk [tilespmem:v53+s16+$0x0], $0xffff;
	[tilespmem:v42+s26+$0x0] =	vst.idx.msk $0xffff, v43  }
0x1d7: {  	v39 =	vor.u32 v39, v24;
	v56 =	vor.u32 v8, v33;
	v40 =	vand.u32 $0x3B8, v55;
	v43 =	vld.idx.msk [tilespmem:v54+s16+$0x0], $0xffff  }
0x1d8: {  	v57 =	vor.u32 v9, v25;
	v40 =	vor.u32 v40, v30;
	v42 =	vand.u32 $0x3B8, v56  }
0x1d9: {  	v58 =	vor.u32 v9, v28;
	v42 =	vor.u32 v42, v35  }
0x1da: {  	v46 =	vor.u32 v9, v38;
	v36 =	vadd.f32 v36, v21  }
0x1db: {  	v41 =	vadd.f32 v41, v26  }
0x1dc: {  	[tilespmem:v39+s26+$0x0] =	vst.idx.msk $0xffff, v36;
	v59 =	vadd.f32 v43, v27  }
0x1dd: {  	v60 =	vor.u32 v10, v23;
	v61 =	vld.idx.msk [tilespmem:v57+s16+$0x0], $0xffff;
	[tilespmem:v40+s26+$0x0] =	vst.idx.msk $0xffff, v41  }
0x1de: {  	v62 =	vor.u32 v10, v29;
	v39 =	vand.u32 $0x3C8, v60;
	v41 =	vld.idx.msk [tilespmem:v58+s16+$0x0], $0xffff;
	[tilespmem:v42+s26+$0x0] =	vst.idx.msk $0xffff, v59  }
0x1df: {  	v48 =	vand.u32 $0x3C8, v62;
	v63 =	vor.u32 v39, v24;
	v49 =	vor.u32 v10, v33;
	v42 =	vld.idx.msk [tilespmem:v46+s16+$0x0], $0xffff  }
0x1e0: {  	v50 =	vor.u32 v11, v25;
	v39 =	vor.u32 v48, v30;
	v40 =	vand.u32 $0x3C8, v49  }
0x1e1: {  	v51 =	vor.u32 v11, v28;
	v40 =	vor.u32 v40, v35  }
0x1e2: {  	v52 =	vor.u32 v11, v38;
	v43 =	vadd.f32 v61, v21  }
0x1e3: {  	v41 =	vadd.f32 v41, v26  }
0x1e4: {  	v37 =	vor.u32 v37, v19;
	[tilespmem:v63+s26+$0x0] =	vst.idx.msk $0xffff, v43;
	v53 =	vadd.f32 v42, v27  }
0x1e5: {  	v60 =	vor.u32 v12, v33;
	v54 =	vor.u32 v12, v23;
	[tilespmem:v39+s26+$0x0] =	vst.idx.msk $0xffff, v41;
	v44 =	vld.idx.msk [tilespmem:v50+s16+$0x0], $0xffff  }
0x1e6: {  	v56 =	vor.u32 v12, v29;
	v55 =	vand.u32 $0x3D8, v54;
	v57 =	vld.idx.msk [tilespmem:v51+s16+$0x0], $0xffff;
	[tilespmem:v40+s26+$0x0] =	vst.idx.msk $0xffff, v53  }
0x1e7: {  	v58 =	vor.u32 v55, v24;
	v59 =	vand.u32 $0x3D8, v56;
	v42 =	vor.u32 v13, v20;
	v61 =	vld.idx.msk [tilespmem:v52+s16+$0x0], $0xffff  }
0x1e8: {  	v62 =	vor.u32 v13, v25;
	v39 =	vor.u32 v59, v30;
	v40 =	vand.u32 $0x3D8, v60  }
0x1e9: {  	v34 =	vadd.f32 v34, v18;
	v63 =	vor.u32 v13, v28;
	v40 =	vor.u32 v40, v35  }
0x1ea: {  	v48 =	vor.u32 v13, v38;
	v44 =	vadd.f32 v44, v21  }
0x1eb: {  	v47 =	vor.u32 v14, v22;
	[tilespmem:v37+s26+$0x0] =	vst.idx.msk $0xffff, v34;
	v53 =	vadd.f32 v57, v26  }
0x1ec: {  	v56 =	vor.u32 v14, v23;
	[tilespmem:v58+s26+$0x0] =	vst.idx.msk $0xffff, v44;
	v42 =	vld.idx.msk [tilespmem:v42+s16+$0x0], $0xffff;
	v54 =	vadd.f32 v61, v27  }
0x1ed: {  	v20 =	vor.u32 v15, v20;
	v57 =	vand.u32 $0x3E8, v56;
	v52 =	vand.u32 $0x3E8, v47;
	v55 =	vld.idx.msk [tilespmem:v62+s16+$0x0], $0xffff;
	[tilespmem:v39+s26+$0x0] =	vst.idx.msk $0xffff, v53  }
0x1ee: {  	v58 =	vor.u32 v14, v29;
	v34 =	vor.u32 v52, v19;
	v39 =	vld.idx.msk [tilespmem:v63+s16+$0x0], $0xffff;
	[tilespmem:v40+s26+$0x0] =	vst.idx.msk $0xffff, v54  }
0x1ef: {  	v59 =	vor.u32 v57, v24;
	v60 =	vand.u32 $0x3E8, v58;
	v61 =	vor.u32 v14, v33;
	v40 =	vld.idx.msk [tilespmem:v48+s16+$0x0], $0xffff  }
0x1f0: {  	v25 =	vor.u32 v15, v25;
	v37 =	vor.u32 v60, v30;
	v43 =	vand.u32 $0x3E8, v61  }
0x1f1: {  	v28 =	vor.u32 v15, v28;
	v42 =	vadd.f32 v42, v18;
	v43 =	vor.u32 v43, v35  }
0x1f2: {  	v38 =	vor.u32 v15, v38;
	v41 =	vadd.f32 v55, v21  }
0x1f3: {  	v22 =	vor.u32 v16, v22;
	v62 =	vadd.f32 v39, v26;
	[tilespmem:v34+s26+$0x0] =	vst.idx.msk $0xffff, v42  }
0x1f4: {  	v22 =	vand.u32 $0x3F8, v22;
	[tilespmem:v59+s26+$0x0] =	vst.idx.msk $0xffff, v41;
	v20 =	vld.idx.msk [tilespmem:v20+s16+$0x0], $0xffff;
	v63 =	vadd.f32 v40, v27  }
0x1f5: {  	v19 =	vor.u32 v22, v19;
	v22 =	vor.u32 v16, v23;
	v23 =	vld.idx.msk [tilespmem:v25+s16+$0x0], $0xffff;
	[tilespmem:v37+s26+$0x0] =	vst.idx.msk $0xffff, v62  }
0x1f6: {  	v22 =	vand.u32 $0x3F8, v22;
	v25 =	vor.u32 v16, v29;
	v28 =	vld.idx.msk [tilespmem:v28+s16+$0x0], $0xffff;
	[tilespmem:v43+s26+$0x0] =	vst.idx.msk $0xffff, v63  }
0x1f7: {  	v22 =	vor.u32 v22, v24;
	v24 =	vand.u32 $0x3F8, v25;
	v25 =	vor.u32 v16, v33;
	v29 =	vld.idx.msk [tilespmem:v38+s16+$0x0], $0xffff  }
0x1f8: {  	v17 =	vadd.f32 v31, v17;
	v24 =	vor.u32 v24, v30;
	v25 =	vand.u32 $0x3F8, v25  }
0x1f9: {  	v18 =	vadd.f32 v20, v18;
	v20 =	vor.u32 v25, v35  }
0x1fa: {  	[tilespmem:v32+s26+$0x0] =	vst.idx.msk $0xffff, v17;
	v17 =	vadd.f32 v23, v21  }
0x1fb: {  	s0 =	sshll.u32 s6, $0x12;
	[tilespmem:v19+s26+$0x0] =	vst.idx.msk $0xffff, v18;
	v18 =	vadd.f32 v28, v26  }
0x1fc: {  	s0 =	sor.u32 s7, s0;
	[tilespmem:v22+s26+$0x0] =	vst.idx.msk $0xffff, v17;
	v17 =	vadd.f32 v29, v27  }
0x1fd: {  	s31 =	simm.s32 $0x0;
	s3 =	sadd.s32 @!p1 $0x300, s5;
	s0 =	sshrl.u32 s0, $0x3;
	[tilespmem:v24+s26+$0x0] =	vst.idx.msk $0xffff, v18  }
0x1fe: {  	s6 =	simm.s32 @!p1 $0x80;
	s5 =	sor.u32 $0x3, s17;
	s0 =	sadd.s32 s2, s0;
	[tilespmem:v20+s26+$0x0] =	vst.idx.msk $0xffff, v17  }
0x1ff: {  	v18 =	vadd.s32 s31, v0;
	[hbm4b:s0+s21] =	stream.strided.scatter [tilespmem:s26], [sflag:$0x7], $0x2000, s22, s21, $0x38;
	[tilespmem:$0x19600] =	vst v63  }
0x200: {  	s8 =	simm.s32 @!p1 $0xD600;
	s17 =	sshll.u32 s5, $0x6;
	v17 =	vand.u32 $0xF, v18;
	s0 =	sand.u32 $0x30, s31  }
0x201: {  	v19 =	vand.u32 $0x7, v18;
	v27 =	vmov s17;
	v20 =	vor.u32 s0, v17;
	[tilespmem:s8], [sflag:$0x3] =	stream.indirect.gather @!p1 [hbm4b:s4+s6], $0x40, s3, s6, $0xb8;
	[tilespmem:$0x19600] =	vst v63  }
0x202: {  	v17 =	vor.u32 v27, v19;
	v21 =	vand.u32 $0x38, v20;
	_ =	swait.ge [sflag:s28], $0x2000  }
0x203: {  	v17 =	vor.u32 v21, v17;
	v30 =	vor.u32 v19, v21;
	[sflag:s28] =	ssyncset.done $0x0  }
0x204: {  	s0 =	simm.s32 @!p0 $0x8;
	v19 =	vor.u32 v1, v30;
	[sflag:s28] =	ssyncadd.s32 $0xFFFFE000  }
0x205: {  	_ =	swait.ge @!p0 [sflag:s0], $0x2000  }
0x206: {  	[sflag:s0] =	ssyncset.done @!p0 $0x0  }
0x207: {  	[sflag:s0] =	ssyncadd.s32 @!p0 $0xFFFFE000  }
0x208: {  	v31 =	vshll.u32 v18, $0x7;
	v18 =	vshll.u32 v20, $0x7;
	v17 =	vld.idx.msk [tilespmem:v17+s12+$0x0], $0xffff  }
0x209: {  	v20 =	vor.u32 v0, v31;
	v18 =	vand.u32 $0x1C00, v18;
	v19 =	vld.idx.msk [tilespmem:v19+s18+$0x0], $0xffff  }
0x20a: {  	v20 =	vand.u32 $0x388, v20;
	v32 =	vor.u32 v2, v18  }
0x20b: {  	v18 =	vor.u32 v20, v32  }
0x20c: {  	v20 =	vor.u32 v3, v30;
	_ =	sdelay $0x1  }
0x20d: {  	s8 =	simm.s32 $0x1;
	v19 =	vadd.f32 v19, v17  }
0x20e: {  	v21 =	vadd.s32 s8, v0  }
0x20f: {  	v22 =	vand.u32 $0xF, v21;
	s0 =	sand.u32 $0x30, s8;
	[tilespmem:v18+s29+$0x0] =	vst.idx.msk $0xffff, v19  }
0x210: {  	v23 =	vor.u32 s0, v22;
	v18 =	vand.u32 $0x7, v21;
	v19 =	vor.u32 v4, v31;
	v22 =	vld.idx.msk [tilespmem:v20+s18+$0x0], $0xffff  }
0x211: {  	v24 =	vand.u32 $0x38, v23;
	v20 =	vor.u32 v27, v18;
	v19 =	vand.u32 $0x398, v19  }
0x212: {  	v25 =	vor.u32 v24, v20;
	v19 =	vor.u32 v19, v32  }
0x213: {  	v20 =	vor.u32 v18, v24;
	v24 =	vor.u32 v5, v30  }
0x214: {  	v26 =	vor.u32 v1, v20  }
0x215: {  	v22 =	vadd.f32 v22, v17;
	_ =	sdelay $0x1  }
0x216: {  	v18 =	vld.idx.msk [tilespmem:v25+s12+$0x0], $0xffff;
	[tilespmem:v19+s29+$0x0] =	vst.idx.msk $0xffff, v22  }
0x217: {  	v23 =	vshll.u32 v23, $0x7;
	v22 =	vshll.u32 v21, $0x7;
	v19 =	vor.u32 v6, v31;
	v21 =	vld.idx.msk [tilespmem:v24+s18+$0x0], $0xffff  }
0x218: {  	v26 =	vld.idx.msk [tilespmem:v26+s18+$0x0], $0xffff;
	v24 =	vor.u32 v0, v22;
	v25 =	vand.u32 $0x3A8, v19;
	v19 =	vand.u32 $0x1C00, v23  }
0x219: {  	v23 =	vand.u32 $0x388, v24;
	v19 =	vor.u32 v2, v19;
	v24 =	vor.u32 v25, v32  }
0x21a: {  	v25 =	vor.u32 v7, v30;
	v23 =	vor.u32 v23, v19  }
0x21b: {  	v28 =	vor.u32 v3, v20  }
0x21c: {  	s17 =	simm.s32 $0x2;
	v21 =	vadd.f32 v21, v17  }
0x21d: {  	v29 =	vadd.s32 s17, v0;
	v26 =	vadd.f32 v26, v18  }
0x21e: {  	v38 =	vand.u32 $0xF, v29;
	s0 =	sand.u32 $0x30, s17;
	v39 =	vor.u32 v4, v22;
	[tilespmem:v24+s29+$0x0] =	vst.idx.msk $0xffff, v21  }
0x21f: {  	v33 =	vor.u32 s0, v38;
	v21 =	vand.u32 $0x7, v29;
	v24 =	vor.u32 v8, v31;
	[tilespmem:v23+s29+$0x0] =	vst.idx.msk $0xffff, v26;
	v23 =	vld.idx.msk [tilespmem:v25+s18+$0x0], $0xffff  }
0x220: {  	v26 =	vand.u32 $0x38, v33;
	v25 =	vor.u32 v27, v21;
	v28 =	vld.idx.msk [tilespmem:v28+s18+$0x0], $0xffff;
	v24 =	vand.u32 $0x3B8, v24  }
0x221: {  	v40 =	vor.u32 v26, v25;
	v25 =	vand.u32 $0x398, v39;
	v24 =	vor.u32 v24, v32  }
0x222: {  	v41 =	vor.u32 v9, v30;
	v34 =	vor.u32 v25, v19  }
0x223: {  	v25 =	vor.u32 v21, v26;
	v26 =	vor.u32 v5, v20  }
0x224: {  	s30 =	simm.s32 $0x3;
	v23 =	vadd.f32 v23, v17  }
0x225: {  	v49 =	vadd.s32 s30, v0;
	v42 =	vor.u32 v1, v25;
	v28 =	vadd.f32 v28, v18  }
0x226: {  	v51 =	vand.u32 $0xF, v49;
	v52 =	vand.u32 $0x7, v49;
	[tilespmem:v24+s29+$0x0] =	vst.idx.msk $0xffff, v23  }
0x227: {  	v47 =	vor.u32 v11, v30;
	v24 =	vor.u32 v10, v31;
	[tilespmem:v34+s29+$0x0] =	vst.idx.msk $0xffff, v28;
	v28 =	vld.idx.msk [tilespmem:v41+s18+$0x0], $0xffff  }
0x228: {  	v43 =	vor.u32 v6, v22;
	v33 =	vshll.u32 v33, $0x7;
	v26 =	vld.idx.msk [tilespmem:v26+s18+$0x0], $0xffff;
	v24 =	vand.u32 $0x3C8, v24  }
0x229: {  	v21 =	vld.idx.msk [tilespmem:v40+s12+$0x0], $0xffff;
	v23 =	vshll.u32 v29, $0x7;
	v34 =	vand.u32 $0x3A8, v43;
	v45 =	vor.u32 v24, v32  }
0x22a: {  	v29 =	vor.u32 v0, v23;
	v44 =	vld.idx.msk [tilespmem:v42+s18+$0x0], $0xffff;
	v46 =	vor.u32 v34, v19;
	v24 =	vand.u32 $0x1C00, v33  }
0x22b: {  	v48 =	vor.u32 v7, v20;
	v29 =	vand.u32 $0x388, v29;
	v24 =	vor.u32 v2, v24  }
0x22c: {  	v55 =	vor.u32 v27, v52;
	s0 =	sand.u32 $0x30, s30;
	v29 =	vor.u32 v29, v24;
	v28 =	vadd.f32 v28, v17  }
0x22d: {  	v54 =	vor.u32 s0, v51;
	v50 =	vor.u32 v3, v25;
	v26 =	vadd.f32 v26, v18  }
0x22e: {  	v59 =	vor.u32 v13, v30;
	v56 =	vand.u32 $0x38, v54;
	v61 =	vor.u32 v9, v20;
	[tilespmem:v45+s29+$0x0] =	vst.idx.msk $0xffff, v28  }
0x22f: {  	v35 =	vadd.f32 v44, v21;
	v28 =	vor.u32 v12, v31;
	[tilespmem:v46+s29+$0x0] =	vst.idx.msk $0xffff, v26;
	v53 =	vld.idx.msk [tilespmem:v47+s18+$0x0], $0xffff  }
0x230: {  	v63 =	vor.u32 v5, v25;
	v26 =	vor.u32 v8, v22;
	v37 =	vld.idx.msk [tilespmem:v48+s18+$0x0], $0xffff;
	v28 =	vand.u32 $0x3D8, v28  }
0x231: {  	[tilespmem:v29+s29+$0x0] =	vst.idx.msk $0xffff, v35;
	v29 =	vor.u32 v56, v55;
	v26 =	vand.u32 $0x3B8, v26;
	v57 =	vor.u32 v28, v32  }
0x232: {  	v51 =	vor.u32 v6, v23;
	v28 =	vor.u32 v4, v23;
	v39 =	vld.idx.msk [tilespmem:v50+s18+$0x0], $0xffff;
	v58 =	vor.u32 v26, v19  }
0x233: {  	v34 =	vshll.u32 v54, $0x7;
	v26 =	vand.u32 $0x398, v28;
	v28 =	vor.u32 v52, v56  }
0x234: {  	s31 =	simm.s32 $0x4;
	v60 =	vor.u32 v26, v24;
	v41 =	vor.u32 v1, v28;
	v62 =	vadd.f32 v53, v17  }
0x235: {  	v33 =	vadd.s32 s31, v0;
	v42 =	vand.u32 $0x3A8, v51;
	v37 =	vadd.f32 v37, v18  }
0x236: {  	v34 =	vand.u32 $0x1C00, v34;
	v47 =	vor.u32 v10, v22;
	v26 =	vld.idx.msk [tilespmem:v29+s12+$0x0], $0xffff;
	v29 =	vshll.u32 v49, $0x7;
	[tilespmem:v57+s29+$0x0] =	vst.idx.msk $0xffff, v62  }
0x237: {  	v49 =	vor.u32 v14, v31;
	v46 =	vadd.f32 v39, v21;
	[tilespmem:v58+s29+$0x0] =	vst.idx.msk $0xffff, v37;
	v48 =	vld.idx.msk [tilespmem:v59+s18+$0x0], $0xffff  }
0x238: {  	v53 =	vor.u32 v15, v30;
	v50 =	vor.u32 v0, v29;
	v39 =	vand.u32 $0x3E8, v49;
	v52 =	vld.idx.msk [tilespmem:v61+s18+$0x0], $0xffff  }
0x239: {  	v38 =	vand.u32 $0x7, v33;
	v37 =	vand.u32 $0x3C8, v47;
	v39 =	vor.u32 v39, v32;
	[tilespmem:v60+s29+$0x0] =	vst.idx.msk $0xffff, v46;
	v41 =	vld.idx.msk [tilespmem:v41+s18+$0x0], $0xffff  }
0x23a: {  	v30 =	vor.u32 v2, v34;
	v40 =	vand.u32 $0x388, v50;
	v37 =	vor.u32 v37, v19;
	v36 =	vld.idx.msk [tilespmem:v63+s18+$0x0], $0xffff  }
0x23b: {  	v54 =	vor.u32 v42, v24;
	v55 =	vor.u32 v11, v20;
	v40 =	vor.u32 v40, v30  }
0x23c: {  	v43 =	vor.u32 v27, v38;
	v58 =	vor.u32 v3, v28;
	v57 =	vadd.f32 v48, v17  }
0x23d: {  	v56 =	vor.u32 v7, v25;
	v62 =	vor.u32 v12, v22;
	v35 =	vadd.f32 v52, v18  }
0x23e: {  	v60 =	vor.u32 v16, v31;
	v61 =	vadd.f32 v41, v26;
	[tilespmem:v39+s29+$0x0] =	vst.idx.msk $0xffff, v57  }
0x23f: {  	v63 =	vand.u32 $0x3F8, v60;
	v36 =	vadd.f32 v36, v21;
	[tilespmem:v37+s29+$0x0] =	vst.idx.msk $0xffff, v35;
	v31 =	vld.idx.msk [tilespmem:v53+s18+$0x0], $0xffff  }
0x240: {  	s0 =	sand.u32 $0x30, s31;
	v59 =	vand.u32 $0xF, v33;
	v32 =	vor.u32 v63, v32;
	[tilespmem:v40+s29+$0x0] =	vst.idx.msk $0xffff, v61;
	v34 =	vld.idx.msk [tilespmem:v55+s18+$0x0], $0xffff  }
0x241: {  	v41 =	vor.u32 v4, v29;
	v35 =	vor.u32 s0, v59;
	[tilespmem:v54+s29+$0x0] =	vst.idx.msk $0xffff, v36;
	v40 =	vld.idx.msk [tilespmem:v58+s18+$0x0], $0xffff  }
0x242: {  	s6 =	simm.s32 $0x5;
	v39 =	vor.u32 v8, v23;
	v37 =	vand.u32 $0x3D8, v62;
	v42 =	vand.u32 $0x38, v35;
	v36 =	vld.idx.msk [tilespmem:v56+s18+$0x0], $0xffff  }
.LBB2_9:
0x243: {  	p0 =	sne.s32 s6, $0x3F;
	v43 =	vor.u32 v42, v43;
	v39 =	vand.u32 $0x3B8, v39;
	v37 =	vor.u32 v37, v19;
	v44 =	vmovc v29;
	v45 =	vmovc v19  }
0x244: {  	v29 =	vand.u32 $0x398, v41;
	v41 =	vor.u32 v13, v20;
	v19 =	vmovc v24;
	v39 =	vor.u32 v39, v24;
	v24 =	vmovc v30  }
0x245: {  	v46 =	vor.u32 v9, v25;
	v30 =	vor.u32 v29, v24;
	v29 =	vadd.f32 v31, v17;
	v17 =	vmovc v18  }
0x246: {  	v31 =	vor.u32 v38, v42;
	v38 =	vor.u32 v5, v28;
	v18 =	vmovc v21;
	v34 =	vadd.f32 v34, v17  }
0x247: {  	v21 =	vmov v26;
	v42 =	vor.u32 v1, v31;
	v36 =	vadd.f32 v36, v18;
	[tilespmem:v32+s29+$0x0] =	vst.idx.msk $0xffff, v29  }
0x248: {  	v29 =	vshll.u32 v33, $0x7;
	v33 =	vadd.s32 s6, v0;
	v32 =	vadd.f32 v40, v21;
	v26 =	vld.idx.msk [tilespmem:v43+s12+$0x0], $0xffff;
	[tilespmem:v37+s29+$0x0] =	vst.idx.msk $0xffff, v34  }
0x249: {  	v34 =	vor.u32 v10, v23;
	v37 =	vor.u32 v14, v22;
	[tilespmem:v39+s29+$0x0] =	vst.idx.msk $0xffff, v36;
	v36 =	vld.idx.msk [tilespmem:v41+s18+$0x0], $0xffff  }
0x24a: {  	v39 =	vor.u32 v0, v29;
	[tilespmem:v30+s29+$0x0] =	vst.idx.msk $0xffff, v32;
	v30 =	vor.u32 v6, v44;
	v32 =	vld.idx.msk [tilespmem:v46+s18+$0x0], $0xffff  }
0x24b: {  	v40 =	vld.idx.msk [tilespmem:v38+s18+$0x0], $0xffff;
	v38 =	vand.u32 $0x3A8, v30;
	v30 =	vand.u32 $0x3C8, v34;
	v34 =	vand.u32 $0x3E8, v37  }
0x24c: {  	v35 =	vshll.u32 v35, $0x7;
	v39 =	vand.u32 $0x388, v39;
	v37 =	vld.idx.msk [tilespmem:v42+s18+$0x0], $0xffff;
	v34 =	vor.u32 v34, v45  }
0x24d: {  	v35 =	vand.u32 $0x1C00, v35;
	v41 =	vor.u32 v30, v19;
	v42 =	vor.u32 v15, v20;
	v20 =	vmovc v25;
	v25 =	vmovc v28  }
0x24e: {  	v30 =	vor.u32 v2, v35;
	v35 =	vor.u32 v38, v24;
	v28 =	vmovc v31;
	v43 =	vor.u32 v11, v20  }
0x24f: {  	v46 =	vor.u32 v39, v30;
	v47 =	vor.u32 v7, v25;
	v31 =	vadd.f32 v36, v17  }
0x250: {  	v38 =	vand.u32 $0x7, v33;
	v48 =	vor.u32 v3, v28;
	v32 =	vadd.f32 v32, v18  }
.Ltmp5:
0x251: {  	v22 =	vor.u32 v16, v22;
	v36 =	vand.u32 $0xF, v33;
	v39 =	vadd.f32 v40, v21;
	[tilespmem:v34+s29+$0x0] =	vst.idx.msk $0xffff, v31;
	(pc) =	sbr.rel @p0 .LBB2_9-.Ltmp5, $4  }
0x252: {  	v37 =	vadd.f32 v37, v26;
	[tilespmem:v41+s29+$0x0] =	vst.idx.msk $0xffff, v32;
	v32 =	vor.u32 v12, v23;
	v31 =	vld.idx.msk [tilespmem:v42+s18+$0x0], $0xffff  }
0x253: {  	s0 =	sand.u32 $0x30, s6;
	v41 =	vor.u32 v4, v29;
	[tilespmem:v35+s29+$0x0] =	vst.idx.msk $0xffff, v39;
	v39 =	vor.u32 v8, v44;
	v34 =	vld.idx.msk [tilespmem:v43+s18+$0x0], $0xffff  }
0x254: {  	v35 =	vor.u32 s0, v36;
	v43 =	vor.u32 v27, v38;
	[tilespmem:v46+s29+$0x0] =	vst.idx.msk $0xffff, v37;
	v36 =	vld.idx.msk [tilespmem:v47+s18+$0x0], $0xffff;
	v46 =	vand.u32 $0x3F8, v22  }
0x255: {  	s6 =	sadd.s32 $0x1, s6;
	v42 =	vand.u32 $0x38, v35;
	v37 =	vand.u32 $0x3D8, v32;
	v22 =	vmovc v23;
	v23 =	vmovc v44;
	v40 =	vld.idx.msk [tilespmem:v48+s18+$0x0], $0xffff;
	v32 =	vor.u32 v46, v45  }
0x256: {  	v27 =	vor.u32 v42, v43;
	v38 =	vor.u32 v38, v42  }
0x257: {  	v42 =	vor.u32 v1, v38;
	_ =	sdelay $0x3  }
0x258: {  	v33 =	vshll.u32 v33, $0x7;
	v35 =	vshll.u32 v35, $0x7;
	v27 =	vld.idx.msk [tilespmem:v27+s12+$0x0], $0xffff  }
0x259: {  	v57 =	vor.u32 v0, v33;
	v35 =	vand.u32 $0x1C00, v35;
	v42 =	vld.idx.msk [tilespmem:v42+s18+$0x0], $0xffff  }
0x25a: {  	v43 =	vand.u32 $0x388, v57;
	v35 =	vor.u32 v2, v35  }
0x25b: {  	v43 =	vor.u32 v43, v35  }
0x25c: {  	v44 =	vor.u32 v3, v38;
	_ =	sdelay $0x1  }
0x25d: {  	v42 =	vadd.f32 v42, v27;
	_ =	sdelay $0x1  }
0x25e: {  	[tilespmem:v43+s29+$0x0] =	vst.idx.msk $0xffff, v42  }
0x25f: {  	v41 =	vand.u32 $0x398, v41;
	v58 =	vor.u32 v4, v33;
	v43 =	vld.idx.msk [tilespmem:v44+s18+$0x0], $0xffff  }
0x260: {  	v41 =	vor.u32 v41, v30;
	v42 =	vand.u32 $0x398, v58  }
0x261: {  	v59 =	vor.u32 v5, v28;
	v42 =	vor.u32 v42, v35  }
0x262: {  	v45 =	vor.u32 v5, v38  }
0x263: {  	v40 =	vadd.f32 v40, v26  }
0x264: {  	v43 =	vadd.f32 v43, v27  }
0x265: {  	[tilespmem:v41+s29+$0x0] =	vst.idx.msk $0xffff, v40  }
0x266: {  	v60 =	vor.u32 v6, v29;
	v41 =	vld.idx.msk [tilespmem:v59+s18+$0x0], $0xffff;
	[tilespmem:v42+s29+$0x0] =	vst.idx.msk $0xffff, v43  }
0x267: {  	v61 =	vor.u32 v6, v33;
	v40 =	vand.u32 $0x3A8, v60;
	v43 =	vld.idx.msk [tilespmem:v45+s18+$0x0], $0xffff  }
0x268: {  	v40 =	vor.u32 v40, v30;
	v42 =	vand.u32 $0x3A8, v61  }
0x269: {  	v62 =	vor.u32 v7, v28;
	v42 =	vor.u32 v42, v35  }
0x26a: {  	v63 =	vor.u32 v7, v38  }
0x26b: {  	v41 =	vadd.f32 v41, v26  }
0x26c: {  	v43 =	vadd.f32 v43, v27  }
0x26d: {  	[tilespmem:v40+s29+$0x0] =	vst.idx.msk $0xffff, v41  }
0x26e: {  	v39 =	vand.u32 $0x3B8, v39;
	v48 =	vor.u32 v8, v29;
	v41 =	vld.idx.msk [tilespmem:v62+s18+$0x0], $0xffff;
	[tilespmem:v42+s29+$0x0] =	vst.idx.msk $0xffff, v43  }
0x26f: {  	v39 =	vor.u32 v39, v24;
	v49 =	vor.u32 v8, v33;
	v40 =	vand.u32 $0x3B8, v48;
	v43 =	vld.idx.msk [tilespmem:v63+s18+$0x0], $0xffff  }
0x270: {  	v50 =	vor.u32 v9, v25;
	v40 =	vor.u32 v40, v30;
	v42 =	vand.u32 $0x3B8, v49  }
0x271: {  	v51 =	vor.u32 v9, v28;
	v42 =	vor.u32 v42, v35  }
0x272: {  	v46 =	vor.u32 v9, v38;
	v36 =	vadd.f32 v36, v21  }
0x273: {  	v41 =	vadd.f32 v41, v26  }
0x274: {  	[tilespmem:v39+s29+$0x0] =	vst.idx.msk $0xffff, v36;
	v52 =	vadd.f32 v43, v27  }
0x275: {  	v53 =	vor.u32 v10, v23;
	v54 =	vld.idx.msk [tilespmem:v50+s18+$0x0], $0xffff;
	[tilespmem:v40+s29+$0x0] =	vst.idx.msk $0xffff, v41  }
0x276: {  	v55 =	vor.u32 v10, v29;
	v39 =	vand.u32 $0x3C8, v53;
	v41 =	vld.idx.msk [tilespmem:v51+s18+$0x0], $0xffff;
	[tilespmem:v42+s29+$0x0] =	vst.idx.msk $0xffff, v52  }
0x277: {  	v57 =	vand.u32 $0x3C8, v55;
	v56 =	vor.u32 v39, v24;
	v58 =	vor.u32 v10, v33;
	v42 =	vld.idx.msk [tilespmem:v46+s18+$0x0], $0xffff  }
0x278: {  	v59 =	vor.u32 v11, v25;
	v39 =	vor.u32 v57, v30;
	v40 =	vand.u32 $0x3C8, v58  }
0x279: {  	v60 =	vor.u32 v11, v28;
	v40 =	vor.u32 v40, v35  }
0x27a: {  	v61 =	vor.u32 v11, v38;
	v43 =	vadd.f32 v54, v21  }
0x27b: {  	v41 =	vadd.f32 v41, v26  }
0x27c: {  	v50 =	vor.u32 v12, v23;
	[tilespmem:v56+s29+$0x0] =	vst.idx.msk $0xffff, v43;
	v62 =	vadd.f32 v42, v27  }
0x27d: {  	v37 =	vor.u32 v37, v19;
	v51 =	vand.u32 $0x3D8, v50;
	[tilespmem:v39+s29+$0x0] =	vst.idx.msk $0xffff, v41;
	v44 =	vld.idx.msk [tilespmem:v59+s18+$0x0], $0xffff  }
0x27e: {  	v63 =	vor.u32 v13, v20;
	v53 =	vld.idx.msk [tilespmem:v60+s18+$0x0], $0xffff;
	v52 =	vor.u32 v12, v29;
	[tilespmem:v40+s29+$0x0] =	vst.idx.msk $0xffff, v62  }
0x27f: {  	v54 =	vor.u32 v51, v24;
	v56 =	vor.u32 v12, v33;
	v55 =	vand.u32 $0x3D8, v52;
	v57 =	vld.idx.msk [tilespmem:v61+s18+$0x0], $0xffff  }
0x280: {  	v58 =	vor.u32 v13, v25;
	v39 =	vor.u32 v55, v30;
	v40 =	vand.u32 $0x3D8, v56  }
0x281: {  	v34 =	vadd.f32 v34, v18;
	v59 =	vor.u32 v13, v28;
	v40 =	vor.u32 v40, v35  }
0x282: {  	v48 =	vor.u32 v13, v38;
	v44 =	vadd.f32 v44, v21  }
0x283: {  	v47 =	vor.u32 v14, v22;
	[tilespmem:v37+s29+$0x0] =	vst.idx.msk $0xffff, v34;
	v61 =	vadd.f32 v53, v26  }
0x284: {  	v49 =	vor.u32 v14, v29;
	[tilespmem:v54+s29+$0x0] =	vst.idx.msk $0xffff, v44;
	v62 =	vld.idx.msk [tilespmem:v63+s18+$0x0], $0xffff;
	v41 =	vadd.f32 v57, v27  }
0x285: {  	v60 =	vand.u32 $0x3E8, v47;
	v47 =	vor.u32 v14, v23;
	v45 =	vld.idx.msk [tilespmem:v58+s18+$0x0], $0xffff;
	[tilespmem:v39+s29+$0x0] =	vst.idx.msk $0xffff, v61  }
0x286: {  	v50 =	vand.u32 $0x3E8, v49;
	v34 =	vor.u32 v60, v19;
	v37 =	vand.u32 $0x3E8, v47;
	v39 =	vld.idx.msk [tilespmem:v59+s18+$0x0], $0xffff;
	[tilespmem:v40+s29+$0x0] =	vst.idx.msk $0xffff, v41  }
0x287: {  	v37 =	vor.u32 v37, v24;
	v51 =	vor.u32 v14, v33;
	v63 =	vor.u32 v15, v20;
	v41 =	vld.idx.msk [tilespmem:v48+s18+$0x0], $0xffff  }
0x288: {  	v43 =	vand.u32 $0x3E8, v51;
	v52 =	vor.u32 v15, v25;
	v40 =	vor.u32 v50, v30  }
0x289: {  	v43 =	vor.u32 v43, v35;
	v53 =	vor.u32 v15, v28;
	v36 =	vadd.f32 v62, v18  }
0x28a: {  	v38 =	vor.u32 v15, v38;
	v42 =	vadd.f32 v45, v21  }
0x28b: {  	v54 =	vor.u32 v16, v22;
	[tilespmem:v34+s29+$0x0] =	vst.idx.msk $0xffff, v36;
	v55 =	vadd.f32 v39, v26  }
0x28c: {  	v22 =	vand.u32 $0x3F8, v54;
	v20 =	vld.idx.msk [tilespmem:v63+s18+$0x0], $0xffff;
	[tilespmem:v37+s29+$0x0] =	vst.idx.msk $0xffff, v42;
	v56 =	vadd.f32 v41, v27  }
0x28d: {  	v19 =	vor.u32 v22, v19;
	v57 =	vor.u32 v16, v23;
	v58 =	vld.idx.msk [tilespmem:v52+s18+$0x0], $0xffff;
	[tilespmem:v40+s29+$0x0] =	vst.idx.msk $0xffff, v55  }
0x28e: {  	v59 =	vor.u32 v16, v29;
	v22 =	vand.u32 $0x3F8, v57;
	v28 =	vld.idx.msk [tilespmem:v53+s18+$0x0], $0xffff;
	[tilespmem:v43+s29+$0x0] =	vst.idx.msk $0xffff, v56  }
0x28f: {  	v61 =	vor.u32 v16, v33;
	v60 =	vand.u32 $0x3F8, v59;
	v22 =	vor.u32 v22, v24;
	v62 =	vld.idx.msk [tilespmem:v38+s18+$0x0], $0xffff  }
0x290: {  	v17 =	vadd.f32 v31, v17;
	v25 =	vand.u32 $0x3F8, v61;
	v24 =	vor.u32 v60, v30  }
0x291: {  	v63 =	vor.u32 v25, v35;
	v18 =	vadd.f32 v20, v18  }
0x292: {  	[tilespmem:v32+s29+$0x0] =	vst.idx.msk $0xffff, v17;
	v17 =	vadd.f32 v58, v21  }
.Ltmp6:
0x293: {  	s0 =	sshll.u32 s5, $0x12;
	[tilespmem:v19+s29+$0x0] =	vst.idx.msk $0xffff, v18;
	v18 =	vadd.f32 v28, v26;
	(pc) =	sbr.rel @p1 .LBB2_12-.Ltmp6, $4  }
0x294: {  	s0 =	sor.u32 s7, s0;
	[tilespmem:v22+s29+$0x0] =	vst.idx.msk $0xffff, v17;
	v17 =	vadd.f32 v62, v27  }
0x295: {  	s0 =	sshrl.u32 s0, $0x3;
	[tilespmem:v24+s29+$0x0] =	vst.idx.msk $0xffff, v18  }
0x296: {  	s0 =	sadd.s32 s2, s0;
	[tilespmem:v63+s29+$0x0] =	vst.idx.msk $0xffff, v17  }
0x297: {  	[hbm4b:s0+s21] =	stream.strided.scatter [tilespmem:s29], [sflag:$0x8], $0x2000, s22, s21, $0x38;
	[tilespmem:$0x19600] =	vst v63  }
.Ltmp7:
0x298: {  	(pc) =	sbr.rel .LBB2_2-.Ltmp7, $4  }
0x299: {  	s0 =	sshll.u32 s15, $0x9  }
0x29a: {  	s0 =	sand.u32 $0x3FFFFE00, s0  }
0x29b: {  	s15 =	sadd.s32 $0x1, s15;
	s0 =	sadd.s32 $0x380, s0  }
0x29c: {  	[tilespmem:s18], [sflag:$0x4] =	stream.indirect.gather [hbm4b:s4+s9], $0x40, s0, s9, $0xb8;
	[tilespmem:$0x19600] =	vst v63  }
.LBB2_13:
0x29d: {  	_ =	sfence.sel $0x180000  }
0x29e: {  	[bflag:$0x0] =	sbarrier.arrive $0xFFFF  }
0x29f: {  	_ =	strace $0x90000047  }
0x2a0: {  	s0 =	stileid.u32;
	[bflag:$0x2] =	sbarrier.arrive $0xFFFF  }
0x2a1: {  	p0 =	sne.s32 s0, $0x0;
	s0 =	rddreg [dreg:$0x2]  }
0x2a2: {  	s0 =	sadd.s32 @!p0 $0x100000, s0  }
0x2a3: {  	[sflag:s0] =	ssyncadd.tile.s32 @!p0 $0x1;
	_ =	shalt  }
.Lfunc_end2:
_tile_overlayer_lowered:
.L_overlay_start_2:
0x2a4: {  	(tag) =	ssettag $0x2  }
0x2a5: {  	s0 =	rddreg [dreg:$0x0];
	s2 =	stileid.u32  }
0x2a6: {  	s1 =	rddreg [dreg:$0x1];
	p0 =	sne.s32 s2, $0x0  }
0x2a7: {  	s3 =	rddreg [dreg:$0x2];
	[bflag:$0x3] =	sbarrier.arrive $0xFFFF;
	s2 =	simm.s32 @!p0 $0x1C09  }
0x2a8: {  	[timem:s3], [sflag:s2] =	dma.local @!p0 [hbm:s0], s1  }
0x2a9: {  	s0 =	simm.s32 @!p0 $0x9  }
0x2aa: {  	_ =	swait.ge @!p0 [sflag:s0], s1  }
0x2ab: {  	s1 =	ssub.s32 @!p0 $0x0, s1;
	[sflag:s0] =	ssyncset.done @!p0 $0x0  }
0x2ac: {  	[sflag:s0] =	ssyncadd.s32 @!p0 s1  }
0x2ad: {  	[bflag:$0x3] =	sbarrier.arrive $0xFFFF  }
0x2ae: {  	_ =	shalt  }

</sc_bundles>
